<compile_context>
chip_gen: v7x
topology: tpu7x:2x2x1
jax: 0.10.2.dev20260603
libtpu: 0.0.44.dev20260713+nightly
codegen_flags: <defaults>
</compile_context>

<pallas_src>
import functools

import jax
import jax.numpy as jnp
from jax import lax
from jax.experimental import pallas as pl
from jax.experimental.pallas import tpu as pltpu
from jax.experimental.pallas import tpu_sc as plsc



def _topk_body(s_ref, st_ref, idx_ref, val_ref):
    N = s_ref.shape[2]
    K = idx_ref.shape[2]
    scol = st_ref[0]
    rank = jnp.zeros((N, 1), jnp.float32)
    CJ = 512
    for c in range(N // CJ):
        srow_c = s_ref[0, :, c * CJ:(c + 1) * CJ]
        gt = srow_c > scol
        eq = srow_c == scol
        jidx = lax.broadcasted_iota(jnp.int32, (N, CJ), 1) + c * CJ
        iidx = lax.broadcasted_iota(jnp.int32, (N, CJ), 0)
        win = gt | (eq & (jidx < iidx))
        rank = rank + jnp.sum(jnp.where(win, 1.0, 0.0), axis=1, keepdims=True)
    iota_i = lax.broadcasted_iota(jnp.int32, (N, 1), 0).astype(jnp.float32)
    CR = 512
    for rc in range(K // CR):
        rr = (lax.broadcasted_iota(jnp.int32, (N, CR), 1)
              + rc * CR).astype(jnp.float32)
        M = jnp.where(rank == rr, 1.0, 0.0)
        val_ref[0, :, rc * CR:(rc + 1) * CR] = jnp.sum(
            M * scol, axis=0, keepdims=True)
        idxf = jnp.sum(M * iota_i, axis=0, keepdims=True)
        idx_ref[0, :, rc * CR:(rc + 1) * CR] = idxf.astype(jnp.int32)


def _topk(scores, K):
    B, N = scores.shape
    s3 = scores.reshape(B, 1, N)
    st = scores.reshape(B, N, 1)
    return pl.pallas_call(
        _topk_body,
        grid=(B,),
        in_specs=[
            pl.BlockSpec((1, 1, N), lambda b: (b, 0, 0)),
            pl.BlockSpec((1, N, 1), lambda b: (b, 0, 0)),
        ],
        out_specs=[
            pl.BlockSpec((1, 1, K), lambda b: (b, 0, 0)),
            pl.BlockSpec((1, 1, K), lambda b: (b, 0, 0)),
        ],
        out_shape=[
            jax.ShapeDtypeStruct((B, 1, K), jnp.int32),
            jax.ShapeDtypeStruct((B, 1, K), jnp.float32),
        ],
    )(s3, st)



_LO = 0x3F80
_HI = 0x3F800000


def _bin_body(g_ref, u_ref, ut_ref):
    x = g_ref[0]
    h2 = x.shape[1] // 2
    lo = jnp.where(x[:, :h2] != 0.0, _LO, 0)
    hi = jnp.where(x[:, h2:] != 0.0, _HI, 0)
    u_ref[0] = lo | hi
    xt = x.T
    lot = jnp.where(xt[:, :h2] != 0.0, _LO, 0)
    hit = jnp.where(xt[:, h2:] != 0.0, _HI, 0)
    ut_ref[0] = lot | hit


def _binarize_packed(g, TB=1024):
    B, N, _ = g.shape
    nb = N // TB
    return pl.pallas_call(
        _bin_body,
        grid=(B, nb, nb),
        in_specs=[
            pl.BlockSpec((1, TB, TB), lambda b, i, j: (b, i, j)),
        ],
        out_specs=[
            pl.BlockSpec((1, TB, TB // 2), lambda b, i, j: (b, i, j)),
            pl.BlockSpec((1, TB, TB // 2), lambda b, i, j: (b, j, i)),
        ],
        out_shape=[
            jax.ShapeDtypeStruct((B, N, N // 2), jnp.int32),
            jax.ShapeDtypeStruct((B, N, N // 2), jnp.int32),
        ],
    )(g)



def _sc_gather_h(h_flat, idx, B, A, N, F, K):
    C = 128
    NC = K // C
    mesh = plsc.VectorSubcoreMesh(core_axis_name="c", subcore_axis_name="s")

    @functools.partial(
        pl.kernel, mesh=mesh,
        out_type=jax.ShapeDtypeStruct((B * A * K, F), jnp.float32),
        scratch_types=[
            pltpu.VMEM((K,), jnp.int32),
            pltpu.VMEM((C, F), jnp.float32),
            pltpu.VMEM((C, F), jnp.float32),
            pltpu.SemaphoreType.DMA,
            pltpu.SemaphoreType.DMA,
            pltpu.SemaphoreType.DMA,
            pltpu.SemaphoreType.DMA,
        ],
    )
    def k_(h_hbm, idx_hbm, out_hbm, idx_v, buf0, buf1,
           gsem0, gsem1, ssem0, ssem1):
        wid = lax.axis_index("s") * 2 + lax.axis_index("c")
        b = wid // A
        a = wid % A
        pltpu.sync_copy(idx_hbm.at[b], idx_v)
        base = (b * A + a) * N

        def add_off(i, _):
            idx_v[pl.ds(i * 16, 16)] = idx_v[pl.ds(i * 16, 16)] + base
            return 0
        lax.fori_loop(0, K // 16, add_off, 0)

        bufs = (buf0, buf1)
        gsems = (gsem0, gsem1)
        ssems = (ssem0, ssem1)
        gets = [None, None]
        stores = [None, None]
        gets[0] = pltpu.async_copy(
            h_hbm.at[idx_v.at[pl.ds(0, C)]], bufs[0], gsems[0])
        for c in range(NC):
            bi = c & 1
            if c + 1 < NC:
                nbi = (c + 1) & 1
                if stores[nbi] is not None:
                    stores[nbi].wait()
                gets[nbi] = pltpu.async_copy(
                    h_hbm.at[idx_v.at[pl.ds((c + 1) * C, C)]],
                    bufs[nbi], gsems[nbi])
            gets[bi].wait()
            stores[bi] = pltpu.async_copy(
                bufs[bi], out_hbm.at[pl.ds(wid * K + c * C, C)], ssems[bi])
        for st in stores:
            if st is not None:
                st.wait()

    return k_(h_flat, idx)


def _sc_gather_u(u_flat, ut_flat, idx, B, N, K, W):
    NS = 8
    RPW = K // NS
    C2 = 32
    NC = RPW // C2
    dt = u_flat.dtype
    mesh = plsc.VectorSubcoreMesh(core_axis_name="c", subcore_axis_name="s")

    @functools.partial(
        pl.kernel, mesh=mesh,
        out_type=(jax.ShapeDtypeStruct((B * K, W), dt),
                  jax.ShapeDtypeStruct((B * K, W), dt)),
        scratch_types=[
            pltpu.VMEM((K,), jnp.int32),
            pltpu.VMEM((C2, W), dt),
            pltpu.VMEM((C2, W), dt),
            pltpu.SemaphoreType.DMA,
            pltpu.SemaphoreType.DMA,
            pltpu.SemaphoreType.DMA,
        ],
    )
    def k_(u_hbm, ut_hbm, idx_hbm, outr_hbm, outc_hbm,
           idx_v, buf0, buf1, gsem, ssem0, ssem1):
        wid = lax.axis_index("s") * 2 + lax.axis_index("c")
        b = wid // NS
        s8 = wid % NS
        pltpu.sync_copy(idx_hbm.at[b], idx_v)
        base = b * N

        def add_off(i, _):
            idx_v[pl.ds(i * 16, 16)] = idx_v[pl.ds(i * 16, 16)] + base
            return 0
        lax.fori_loop(0, K // 16, add_off, 0)

        bufs = (buf0, buf1)
        ssems = (ssem0, ssem1)
        stores = [None, None]
        jobs = [(u_hbm, outr_hbm, c) for c in range(NC)] + \
               [(ut_hbm, outc_hbm, c) for c in range(NC)]
        for j, (tbl, out, c) in enumerate(jobs):
            bi = j & 1
            off = s8 * RPW + c * C2
            if stores[bi] is not None:
                stores[bi].wait()
            pltpu.async_copy(
                tbl.at[idx_v.at[pl.ds(off, C2)]], bufs[bi], gsem).wait()
            stores[bi] = pltpu.async_copy(
                bufs[bi], out.at[pl.ds(b * K + off, C2)], ssems[bi])
        for st in stores:
            if st is not None:
                st.wait()

    return k_(u_flat, ut_flat, idx)



def _scale_body(x_ref, v_ref, o_ref):
    o_ref[0, 0] = x_ref[0, 0] * v_ref[0]


def _scale(raw, values_c):
    B, A, K, F = raw.shape
    return pl.pallas_call(
        _scale_body,
        grid=(B, A),
        in_specs=[
            pl.BlockSpec((1, 1, K, F), lambda b, a: (b, a, 0, 0)),
            pl.BlockSpec((1, K, 1), lambda b, a: (b, 0, 0)),
        ],
        out_specs=pl.BlockSpec((1, 1, K, F), lambda b, a: (b, a, 0, 0)),
        out_shape=jax.ShapeDtypeStruct((B, A, K, F), jnp.float32),
    )(raw, values_c)



def _unpack01(p):
    lo = jnp.where((p & 0xFFFF) != 0, 1.0, 0.0).astype(jnp.bfloat16)
    hi = jnp.where((p >> 16) != 0, 1.0, 0.0).astype(jnp.bfloat16)
    return jnp.concatenate([lo, hi], axis=1)


def _adj_body(r_ref, c_ref, o_ref):
    r2 = _unpack01(r_ref[0])
    c2 = _unpack01(c_ref[0])
    S = lax.dot_general(r2, c2, (((1,), (1,)), ((), ())),
                        preferred_element_type=jnp.float32)
    w = jnp.where(S > 0.0, 1.0, 0.0)
    deg = jnp.sum(w, axis=0, keepdims=True)
    o_ref[0] = w / deg


def _adj(R, Ct, JC=2):
    B, K, W2 = R.shape
    KJ = K // JC
    return pl.pallas_call(
        _adj_body,
        grid=(B, JC),
        in_specs=[
            pl.BlockSpec((1, K, W2), lambda b, j: (b, 0, 0)),
            pl.BlockSpec((1, KJ, W2), lambda b, j: (b, j, 0)),
        ],
        out_specs=pl.BlockSpec((1, K, KJ), lambda b, j: (b, 0, j)),
        out_shape=jax.ShapeDtypeStruct((B, K, K), jnp.float32),
    )(R, Ct)



def kernel(g, h, W, b):
    B, A, N, F = h.shape
    K = max(2, int(0.5 * N))

    weights = (h @ W.T + b)[..., 0]
    weights = jnp.transpose(weights, (0, 2, 1))
    weights = jnp.mean(weights, axis=-1)
    scores = jax.nn.sigmoid(weights)

    idx3, val3 = _topk(scores, K)
    idx = idx3.reshape(B, K)
    values = val3.reshape(B, K)

    raw = _sc_gather_h(h.reshape(B * A * N, F), idx, B, A, N, F, K)
    new_h = _scale(raw.reshape(B, A, K, F), values.reshape(B, K, 1))

    u, ut = _binarize_packed(g)
    Rf, Cf = _sc_gather_u(u.reshape(B * N, N // 2), ut.reshape(B * N, N // 2),
                          idx, B, N, K, N // 2)
    g_new = _adj(Rf.reshape(B, K, N // 2), Cf.reshape(B, K, N // 2))

    return (g_new, new_h, idx)

# --- scband reference (transcript-rebuilt; emitter-appended) ---
"""Pipeline reference for scband-g-pool-910533067210 (READ-ONLY COPY).

The authoritative reference and input builder live on the scoring server;
editing this copy changes nothing except your own understanding.
"""

import jax, jax.numpy as jnp
import numpy as np

K_FRAC = 0.5


def setup_inputs(seed: int = 0):
    key = jax.random.key(seed)
    kg, kh, kw = jax.random.split(key, 3)
    g = jax.random.uniform(kg, (4, 2048, 2048), dtype=jnp.float32)
    h = jax.random.normal(kh, (4, 8, 2048, 256), dtype=jnp.float32)
    W = jax.random.normal(kw, (1, 256), dtype=jnp.float32) * (1.0 / np.sqrt(256.0))
    b = jnp.zeros((1,), dtype=jnp.float32)
    return {"g": g, "h": h, "W": W, "b": b}


def norm_g(g):
    # torch: degrees = sum(g, dim=1); g / degrees.unsqueeze(1)
    degrees = jnp.sum(g, axis=1)
    return g / degrees[:, None, :]


def reference(g, h, W, b):
    # h: [B, A, N, F], g: [B, N, N]
    B, A, N, F = h.shape
    Z = h  # Dropout(p=0) == Identity
    weights = (Z @ W.T + b)[..., 0]              # proj + squeeze(-1) -> [B, A, N]
    weights = jnp.transpose(weights, (0, 2, 1))  # transpose(1,2) -> [B, N, A]
    weights = jnp.mean(weights, axis=-1)         # AdaptiveAvgPool1d(1).squeeze(-1) -> [B, N]
    scores = jax.nn.sigmoid(weights)             # [B, N]
    k_nodes = max(2, int(K_FRAC * N))
    values, idx = jax.lax.top_k(scores, k_nodes)  # [B, k]
    # gather selected node features: h[i][:, idx[i], :]
    new_h = jnp.take_along_axis(h, idx[:, None, :, None], axis=2)  # [B, A, k, F]
    # scale by gate values
    new_h = new_h * values[:, None, :, None]
    # adjacency: binarize, square (2-hop), re-binarize, subselect rows/cols
    un_g = (g != 0).astype(jnp.float32)
    un_g = (jnp.matmul(un_g, un_g) != 0).astype(jnp.float32)
    un_g = jnp.take_along_axis(un_g, idx[:, :, None], axis=1)
    un_g = jnp.take_along_axis(un_g, idx[:, None, :], axis=2)  # [B, k, k]
    g_new = norm_g(un_g)
    return (g_new, new_h, idx)

if __name__ == "__main__":
    import jax
    _d = setup_inputs()
    print(jax.jit(kernel)(*tuple(_d.values())))

</pallas_src>

<mosaic_0001>
#map = affine_map<(d0, d1) -> (0, 0)>
module attributes {stable_mosaic.version = 14 : i64} {
  func.func @k_(%arg0: i32, %arg1: i32, %arg2: memref<65536x256xf32, #tpu.memory_space<hbm>>, %arg3: memref<4x1024xi32, #tpu.memory_space<hbm>>, %arg4: memref<32768x256xf32, #tpu.memory_space<hbm>>, %arg5: memref<1024xi32, #tpu.memory_space<vmem>>, %arg6: memref<128x256xf32, #tpu.memory_space<vmem>>, %arg7: memref<128x256xf32, #tpu.memory_space<vmem>>, %arg8: memref<!tpu.dma_semaphore, #tpu.memory_space<semaphore_mem>>, %arg9: memref<!tpu.dma_semaphore, #tpu.memory_space<semaphore_mem>>, %arg10: memref<!tpu.dma_semaphore, #tpu.memory_space<semaphore_mem>>, %arg11: memref<!tpu.dma_semaphore, #tpu.memory_space<semaphore_mem>>) attributes {dimension_semantics = [#tpu.dimension_semantics<core_parallel>, #tpu.dimension_semantics<subcore_parallel>], iteration_bounds = array<i64: 2, 16>, scalar_prefetch = 0 : i64, scratch_operands = 7 : i64, tpu.core_type = #tpu.core_type<sc_vector_subcore>, window_params = [{transform_indices = #map}, {transform_indices = #map}, {transform_indices = #map}]} {
    %mul3A = arith.constant 2 : i32
    %mul3A_0 = arith.muli %arg1, %mul3A : i32
    %add3A = arith.addi %mul3A_0, %arg0 : i32
    %jit3A = arith.constant 8 : i32
    %div3A = arith.divsi %add3A, %jit3A : i32
    %sign3A = arith.constant 0 : i32
    %sign3A_1 = arith.cmpi sgt, %add3A, %sign3A : i32
    %sign3A_2 = arith.extui %sign3A_1 : i1 to i32
    %sign3A_3 = arith.constant 0 : i32
    %sign3A_4 = arith.cmpi slt, %add3A, %sign3A_3 : i32
    %sign3A_5 = arith.extui %sign3A_4 : i1 to i32
    %sign3A_6 = arith.subi %sign3A_2, %sign3A_5 : i32
    %sign3A_7 = arith.constant 0 : i32
    %sign3A_8 = arith.cmpi sgt, %jit3A, %sign3A_7 : i32
    %sign3A_9 = arith.extui %sign3A_8 : i1 to i32
    %sign3A_10 = arith.constant 0 : i32
    %sign3A_11 = arith.cmpi slt, %jit3A, %sign3A_10 : i32
    %sign3A_12 = arith.extui %sign3A_11 : i1 to i32
    %sign3A_13 = arith.subi %sign3A_9, %sign3A_12 : i32
    %ne3A = arith.cmpi ne, %sign3A_6, %sign3A_13 : i32
    %rem3A = arith.remsi %add3A, %jit3A : i32
    %ne3A_14 = arith.constant 0 : i32
    %ne3A_15 = arith.cmpi ne, %rem3A, %ne3A_14 : i32
    %and3A = arith.andi %ne3A, %ne3A_15 : i1
    %sub3A = arith.constant 1 : i32
    %sub3A_16 = arith.subi %div3A, %sub3A : i32
    %select_n3A = arith.select %and3A, %sub3A_16, %div3A : i32
    %jit3A_17 = arith.constant 8 : i32
    %eq3A = arith.constant 0 : i32
    %eq3A_18 = arith.cmpi eq, %jit3A_17, %eq3A : i32
    %jit3A_19 = arith.constant 1 : i32
    %select_n3A_20 = arith.select %eq3A_18, %jit3A_19, %jit3A_17 : i32
    %rem3A_21 = arith.remsi %add3A, %select_n3A_20 : i32
    %ne3A_22 = arith.constant 0 : i32
    %ne3A_23 = arith.cmpi ne, %rem3A_21, %ne3A_22 : i32
    %lt3A = arith.constant 0 : i32
    %lt3A_24 = arith.cmpi slt, %rem3A_21, %lt3A : i32
    %lt3A_25 = arith.constant 0 : i32
    %lt3A_26 = arith.cmpi slt, %select_n3A_20, %lt3A_25 : i32
    %ne3A_27 = arith.xori %lt3A_24, %lt3A_26 : i1
    %and3A_28 = arith.andi %ne3A_27, %ne3A_23 : i1
    %add3A_29 = arith.addi %rem3A_21, %select_n3A_20 : i32
    %select_n3A_30 = arith.select %and3A_28, %add3A_29, %rem3A_21 : i32
    "tpu.region"() ({
      %run_scoped3A = tpu.sem_alloc : memref<!tpu.dma_semaphore, #tpu.memory_space<semaphore_mem>>
      %dma_start3A_216 = arith.constant 0 : i32
      %dma_start3A_217 = tpu.memref_slice %arg3[%select_n3A, %dma_start3A_216] : memref<4x1024xi32, #tpu.memory_space<hbm>> -> memref<1x1024xi32, #tpu.memory_space<hbm>>
      %dma_start3A_218 = tpu.memref_squeeze %dma_start3A_217 : memref<1x1024xi32, #tpu.memory_space<hbm>> -> memref<1024xi32, #tpu.memory_space<hbm>>
      %dma_start3A_219 = arith.constant 0 : i32
      %dma_start3A_220 = tpu.memref_slice %arg3[%select_n3A, %dma_start3A_219] : memref<4x1024xi32, #tpu.memory_space<hbm>> -> memref<1x1024xi32, #tpu.memory_space<hbm>>
      %dma_start3A_221 = tpu.memref_squeeze %dma_start3A_220 : memref<1x1024xi32, #tpu.memory_space<hbm>> -> memref<1024xi32, #tpu.memory_space<hbm>>
      tpu.enqueue_dma source(%dma_start3A_221 : memref<1024xi32, #tpu.memory_space<hbm>>) target(%arg5 : memref<1024xi32, #tpu.memory_space<vmem>>) target_semaphore(%run_scoped3A : memref<!tpu.dma_semaphore, #tpu.memory_space<semaphore_mem>>)
      %dma_wait3A_222 = arith.constant 0 : i32
      %dma_wait3A_223 = tpu.memref_slice %arg3[%select_n3A, %dma_wait3A_222] : memref<4x1024xi32, #tpu.memory_space<hbm>> -> memref<1x1024xi32, #tpu.memory_space<hbm>>
      %dma_wait3A_224 = tpu.memref_squeeze %dma_wait3A_223 : memref<1x1024xi32, #tpu.memory_space<hbm>> -> memref<1024xi32, #tpu.memory_space<hbm>>
      %dma_wait3A_225 = arith.constant 0 : i32
      %dma_wait3A_226 = tpu.memref_slice %arg3[%select_n3A, %dma_wait3A_225] : memref<4x1024xi32, #tpu.memory_space<hbm>> -> memref<1x1024xi32, #tpu.memory_space<hbm>>
      %dma_wait3A_227 = tpu.memref_squeeze %dma_wait3A_226 : memref<1x1024xi32, #tpu.memory_space<hbm>> -> memref<1024xi32, #tpu.memory_space<hbm>>
      tpu.wait_dma2 semaphore(%run_scoped3A : memref<!tpu.dma_semaphore, #tpu.memory_space<semaphore_mem>>) src(%dma_wait3A_227 : memref<1024xi32, #tpu.memory_space<hbm>>) dst(%arg5 : memref<1024xi32, #tpu.memory_space<vmem>>)
      tpu.yield
    }) : () -> ()
    %mul3A_31 = arith.constant 8 : i32
    %mul3A_32 = arith.muli %select_n3A, %mul3A_31 : i32
    %add3A_33 = arith.addi %mul3A_32, %select_n3A_30 : i32
    %mul3A_34 = arith.constant 2048 : i32
    %mul3A_35 = arith.muli %add3A_33, %mul3A_34 : i32
    %scan3A = arith.constant 0 : i32
    %scan3A_36 = arith.constant 0 : i32
    %scan3A_37 = arith.constant 64 : i32
    %scan3A_38 = arith.addi %scan3A_36, %scan3A_37 : i32
    %scan3A_39 = arith.constant 1 : i32
    %scan3A_40 = scf.for %scan3A_216 = %scan3A_36 to %scan3A_38 step %scan3A_39 iter_args(%scan3A_217 = %scan3A) -> (i32)  : i32 {
      %mul3A_218 = arith.constant 16 : i32
      %mul3A_219 = arith.muli %scan3A_216, %mul3A_218 : i32
      %get3A = arith.index_cast %mul3A_219 : i32 to index
      %get3A_220 = tpu.vector_load %arg5[%get3A] {strides = array<i32>} : memref<1024xi32, #tpu.memory_space<vmem>>, vector<16xi32>,
      %get3A_221 = vector.shape_cast %get3A_220 : vector<16xi32> to vector<16xi32>
      %add3A_222 = vector.broadcast %mul3A_35 : i32 to vector<16xi32>
      %add3A_223 = arith.addi %get3A_221, %add3A_222 : vector<16xi32>
      %mul3A_224 = arith.constant 16 : i32
      %mul3A_225 = arith.muli %scan3A_216, %mul3A_224 : i32
      %swap3A = arith.index_cast %mul3A_225 : i32 to index
      %swap3A_226 = tpu.vector_load %arg5[%swap3A] {strides = array<i32>} : memref<1024xi32, #tpu.memory_space<vmem>>, vector<16xi32>,
      %swap3A_227 = vector.shape_cast %swap3A_226 : vector<16xi32> to vector<16xi32>
      %swap3A_228 = vector.shape_cast %add3A_223 : vector<16xi32> to vector<16xi32>
      tpu.vector_store %arg5[%swap3A], %swap3A_228 {strides = array<i32>} : memref<1024xi32, #tpu.memory_space<vmem>>, vector<16xi32>,
      %scan3A_229 = arith.constant 0 : i32
      scf.yield %scan3A_229 : i32
    }
    %scan3A_41 = arith.constant 64 : i32
    %dma_start3A = arith.constant 0 : i32
    %dma_start3A_42 = tpu.memref_slice %arg5[%dma_start3A] : memref<1024xi32, #tpu.memory_space<vmem>> -> memref<128xi32, #tpu.memory_space<vmem>>
    %dma_start3A_43 = arith.constant 0 : i32
    %dma_start3A_44 = arith.constant 0 : i32
    %dma_start3A_45 = tpu.memref_slice %arg2[%dma_start3A_43, %dma_start3A_44] : memref<65536x256xf32, #tpu.memory_space<hbm>> -> memref<65536x256xf32, #tpu.memory_space<hbm>>
    tpu.enqueue_indirect_dma source(%dma_start3A_45 : memref<65536x256xf32, #tpu.memory_space<hbm>>) target(%arg6 : memref<128x256xf32, #tpu.memory_space<vmem>>) offsets(%dma_start3A_42 : memref<128xi32, #tpu.memory_space<vmem>>) semaphore(%arg8 : memref<!tpu.dma_semaphore, #tpu.memory_space<semaphore_mem>>)
    %dma_start3A_46 = arith.constant 128 : i32
    %dma_start3A_47 = tpu.memref_slice %arg5[%dma_start3A_46] : memref<1024xi32, #tpu.memory_space<vmem>> -> memref<128xi32, #tpu.memory_space<vmem>>
    %dma_start3A_48 = arith.constant 0 : i32
    %dma_start3A_49 = arith.constant 0 : i32
    %dma_start3A_50 = tpu.memref_slice %arg2[%dma_start3A_48, %dma_start3A_49] : memref<65536x256xf32, #tpu.memory_space<hbm>> -> memref<65536x256xf32, #tpu.memory_space<hbm>>
    tpu.enqueue_indirect_dma source(%dma_start3A_50 : memref<65536x256xf32, #tpu.memory_space<hbm>>) target(%arg7 : memref<128x256xf32, #tpu.memory_space<vmem>>) offsets(%dma_start3A_47 : memref<128xi32, #tpu.memory_space<vmem>>) semaphore(%arg9 : memref<!tpu.dma_semaphore, #tpu.memory_space<semaphore_mem>>)
    %dma_wait3A = arith.constant 0 : i32
    %dma_wait3A_51 = tpu.memref_slice %arg5[%dma_wait3A] : memref<1024xi32, #tpu.memory_space<vmem>> -> memref<128xi32, #tpu.memory_space<vmem>>
    %dma_wait3A_52 = arith.constant 0 : i32
    %dma_wait3A_53 = arith.constant 0 : i32
    %dma_wait3A_54 = tpu.memref_slice %arg2[%dma_wait3A_52, %dma_wait3A_53] : memref<65536x256xf32, #tpu.memory_space<hbm>> -> memref<65536x256xf32, #tpu.memory_space<hbm>>
    tpu.wait_indirect_dma semaphore(%arg8 : memref<!tpu.dma_semaphore, #tpu.memory_space<semaphore_mem>>) src(%dma_wait3A_54 : memref<65536x256xf32, #tpu.memory_space<hbm>>) dst(%arg6 : memref<128x256xf32, #tpu.memory_space<vmem>>)
    %mul3A_55 = arith.constant 1024 : i32
    %mul3A_56 = arith.muli %add3A, %mul3A_55 : i32
    %add3A_57 = arith.constant 0 : i32
    %add3A_58 = arith.addi %mul3A_56, %add3A_57 : i32
    %dma_start3A_59 = arith.constant 0 : i32
    %dma_start3A_60 = tpu.memref_slice %arg4[%add3A_58, %dma_start3A_59] : memref<32768x256xf32, #tpu.memory_space<hbm>> -> memref<128x256xf32, #tpu.memory_space<hbm>>
    %dma_start3A_61 = arith.constant 0 : i32
    %dma_start3A_62 = tpu.memref_slice %arg4[%add3A_58, %dma_start3A_61] : memref<32768x256xf32, #tpu.memory_space<hbm>> -> memref<128x256xf32, #tpu.memory_space<hbm>>
    tpu.enqueue_dma source(%arg6 : memref<128x256xf32, #tpu.memory_space<vmem>>) target(%dma_start3A_62 : memref<128x256xf32, #tpu.memory_space<hbm>>) target_semaphore(%arg10 : memref<!tpu.dma_semaphore, #tpu.memory_space<semaphore_mem>>)
    %dma_wait3A_63 = arith.constant 0 : i32
    %dma_wait3A_64 = tpu.memref_slice %arg4[%add3A_58, %dma_wait3A_63] : memref<32768x256xf32, #tpu.memory_space<hbm>> -> memref<128x256xf32, #tpu.memory_space<hbm>>
    %dma_wait3A_65 = arith.constant 0 : i32
    %dma_wait3A_66 = tpu.memref_slice %arg4[%add3A_58, %dma_wait3A_65] : memref<32768x256xf32, #tpu.memory_space<hbm>> -> memref<128x256xf32, #tpu.memory_space<hbm>>
    tpu.wait_dma2 semaphore(%arg10 : memref<!tpu.dma_semaphore, #tpu.memory_space<semaphore_mem>>) src(%arg6 : memref<128x256xf32, #tpu.memory_space<vmem>>) dst(%dma_wait3A_66 : memref<128x256xf32, #tpu.memory_space<hbm>>)
    %dma_start3A_67 = arith.constant 256 : i32
    %dma_start3A_68 = tpu.memref_slice %arg5[%dma_start3A_67] : memref<1024xi32, #tpu.memory_space<vmem>> -> memref<128xi32, #tpu.memory_space<vmem>>
    %dma_start3A_69 = arith.constant 0 : i32
    %dma_start3A_70 = arith.constant 0 : i32
    %dma_start3A_71 = tpu.memref_slice %arg2[%dma_start3A_69, %dma_start3A_70] : memref<65536x256xf32, #tpu.memory_space<hbm>> -> memref<65536x256xf32, #tpu.memory_space<hbm>>
    tpu.enqueue_indirect_dma source(%dma_start3A_71 : memref<65536x256xf32, #tpu.memory_space<hbm>>) target(%arg6 : memref<128x256xf32, #tpu.memory_space<vmem>>) offsets(%dma_start3A_68 : memref<128xi32, #tpu.memory_space<vmem>>) semaphore(%arg8 : memref<!tpu.dma_semaphore, #tpu.memory_space<semaphore_mem>>)
    %dma_wait3A_72 = arith.constant 128 : i32
    %dma_wait3A_73 = tpu.memref_slice %arg5[%dma_wait3A_72] : memref<1024xi32, #tpu.memory_space<vmem>> -> memref<128xi32, #tpu.memory_space<vmem>>
    %dma_wait3A_74 = arith.constant 0 : i32
    %dma_wait3A_75 = arith.constant 0 : i32
    %dma_wait3A_76 = tpu.memref_slice %arg2[%dma_wait3A_74, %dma_wait3A_75] : memref<65536x256xf32, #tpu.memory_space<hbm>> -> memref<65536x256xf32, #tpu.memory_space<hbm>>
    tpu.wait_indirect_dma semaphore(%arg9 : memref<!tpu.dma_semaphore, #tpu.memory_space<semaphore_mem>>) src(%dma_wait3A_76 : memref<65536x256xf32, #tpu.memory_space<hbm>>) dst(%arg7 : memref<128x256xf32, #tpu.memory_space<vmem>>)
    %mul3A_77 = arith.constant 1024 : i32
    %mul3A_78 = arith.muli %add3A, %mul3A_77 : i32
    %add3A_79 = arith.constant 128 : i32
    %add3A_80 = arith.addi %mul3A_78, %add3A_79 : i32
    %dma_start3A_81 = arith.constant 0 : i32
    %dma_start3A_82 = tpu.memref_slice %arg4[%add3A_80, %dma_start3A_81] : memref<32768x256xf32, #tpu.memory_space<hbm>> -> memref<128x256xf32, #tpu.memory_space<hbm>>
    %dma_start3A_83 = arith.constant 0 : i32
    %dma_start3A_84 = tpu.memref_slice %arg4[%add3A_80, %dma_start3A_83] : memref<32768x256xf32, #tpu.memory_space<hbm>> -> memref<128x256xf32, #tpu.memory_space<hbm>>
    tpu.enqueue_dma source(%arg7 : memref<128x256xf32, #tpu.memory_space<vmem>>) target(%dma_start3A_84 : memref<128x256xf32, #tpu.memory_space<hbm>>) target_semaphore(%arg11 : memref<!tpu.dma_semaphore, #tpu.memory_space<semaphore_mem>>)
    %dma_wait3A_85 = arith.constant 0 : i32
    %dma_wait3A_86 = tpu.memref_slice %arg4[%add3A_80, %dma_wait3A_85] : memref<32768x256xf32, #tpu.memory_space<hbm>> -> memref<128x256xf32, #tpu.memory_space<hbm>>
    %dma_wait3A_87 = arith.constant 0 : i32
    %dma_wait3A_88 = tpu.memref_slice %arg4[%add3A_80, %dma_wait3A_87] : memref<32768x256xf32, #tpu.memory_space<hbm>> -> memref<128x256xf32, #tpu.memory_space<hbm>>
    tpu.wait_dma2 semaphore(%arg11 : memref<!tpu.dma_semaphore, #tpu.memory_space<semaphore_mem>>) src(%arg7 : memref<128x256xf32, #tpu.memory_space<vmem>>) dst(%dma_wait3A_88 : memref<128x256xf32, #tpu.memory_space<hbm>>)
    %dma_start3A_89 = arith.constant 384 : i32
    %dma_start3A_90 = tpu.memref_slice %arg5[%dma_start3A_89] : memref<1024xi32, #tpu.memory_space<vmem>> -> memref<128xi32, #tpu.memory_space<vmem>>
    %dma_start3A_91 = arith.constant 0 : i32
    %dma_start3A_92 = arith.constant 0 : i32
    %dma_start3A_93 = tpu.memref_slice %arg2[%dma_start3A_91, %dma_start3A_92] : memref<65536x256xf32, #tpu.memory_space<hbm>> -> memref<65536x256xf32, #tpu.memory_space<hbm>>
    tpu.enqueue_indirect_dma source(%dma_start3A_93 : memref<65536x256xf32, #tpu.memory_space<hbm>>) target(%arg7 : memref<128x256xf32, #tpu.memory_space<vmem>>) offsets(%dma_start3A_90 : memref<128xi32, #tpu.memory_space<vmem>>) semaphore(%arg9 : memref<!tpu.dma_semaphore, #tpu.memory_space<semaphore_mem>>)
    %dma_wait3A_94 = arith.constant 256 : i32
    %dma_wait3A_95 = tpu.memref_slice %arg5[%dma_wait3A_94] : memref<1024xi32, #tpu.memory_space<vmem>> -> memref<128xi32, #tpu.memory_space<vmem>>
    %dma_wait3A_96 = arith.constant 0 : i32
    %dma_wait3A_97 = arith.constant 0 : i32
    %dma_wait3A_98 = tpu.memref_slice %arg2[%dma_wait3A_96, %dma_wait3A_97] : memref<65536x256xf32, #tpu.memory_space<hbm>> -> memref<65536x256xf32, #tpu.memory_space<hbm>>
    tpu.wait_indirect_dma semaphore(%arg8 : memref<!tpu.dma_semaphore, #tpu.memory_space<semaphore_mem>>) src(%dma_wait3A_98 : memref<65536x256xf32, #tpu.memory_space<hbm>>) dst(%arg6 : memref<128x256xf32, #tpu.memory_space<vmem>>)
    %mul3A_99 = arith.constant 1024 : i32
    %mul3A_100 = arith.muli %add3A, %mul3A_99 : i32
    %add3A_101 = arith.constant 256 : i32
    %add3A_102 = arith.addi %mul3A_100, %add3A_101 : i32
    %dma_start3A_103 = arith.constant 0 : i32
    %dma_start3A_104 = tpu.memref_slice %arg4[%add3A_102, %dma_start3A_103] : memref<32768x256xf32, #tpu.memory_space<hbm>> -> memref<128x256xf32, #tpu.memory_space<hbm>>
    %dma_start3A_105 = arith.constant 0 : i32
    %dma_start3A_106 = tpu.memref_slice %arg4[%add3A_102, %dma_start3A_105] : memref<32768x256xf32, #tpu.memory_space<hbm>> -> memref<128x256xf32, #tpu.memory_space<hbm>>
    tpu.enqueue_dma source(%arg6 : memref<128x256xf32, #tpu.memory_space<vmem>>) target(%dma_start3A_106 : memref<128x256xf32, #tpu.memory_space<hbm>>) target_semaphore(%arg10 : memref<!tpu.dma_semaphore, #tpu.memory_space<semaphore_mem>>)
    %dma_wait3A_107 = arith.constant 0 : i32
    %dma_wait3A_108 = tpu.memref_slice %arg4[%add3A_102, %dma_wait3A_107] : memref<32768x256xf32, #tpu.memory_space<hbm>> -> memref<128x256xf32, #tpu.memory_space<hbm>>
    %dma_wait3A_109 = arith.constant 0 : i32
    %dma_wait3A_110 = tpu.memref_slice %arg4[%add3A_102, %dma_wait3A_109] : memref<32768x256xf32, #tpu.memory_space<hbm>> -> memref<128x256xf32, #tpu.memory_space<hbm>>
    tpu.wait_dma2 semaphore(%arg10 : memref<!tpu.dma_semaphore, #tpu.memory_space<semaphore_mem>>) src(%arg6 : memref<128x256xf32, #tpu.memory_space<vmem>>) dst(%dma_wait3A_110 : memref<128x256xf32, #tpu.memory_space<hbm>>)
    %dma_start3A_111 = arith.constant 512 : i32
    %dma_start3A_112 = tpu.memref_slice %arg5[%dma_start3A_111] : memref<1024xi32, #tpu.memory_space<vmem>> -> memref<128xi32, #tpu.memory_space<vmem>>
    %dma_start3A_113 = arith.constant 0 : i32
    %dma_start3A_114 = arith.constant 0 : i32
    %dma_start3A_115 = tpu.memref_slice %arg2[%dma_start3A_113, %dma_start3A_114] : memref<65536x256xf32, #tpu.memory_space<hbm>> -> memref<65536x256xf32, #tpu.memory_space<hbm>>
    tpu.enqueue_indirect_dma source(%dma_start3A_115 : memref<65536x256xf32, #tpu.memory_space<hbm>>) target(%arg6 : memref<128x256xf32, #tpu.memory_space<vmem>>) offsets(%dma_start3A_112 : memref<128xi32, #tpu.memory_space<vmem>>) semaphore(%arg8 : memref<!tpu.dma_semaphore, #tpu.memory_space<semaphore_mem>>)
    %dma_wait3A_116 = arith.constant 384 : i32
    %dma_wait3A_117 = tpu.memref_slice %arg5[%dma_wait3A_116] : memref<1024xi32, #tpu.memory_space<vmem>> -> memref<128xi32, #tpu.memory_space<vmem>>
    %dma_wait3A_118 = arith.constant 0 : i32
    %dma_wait3A_119 = arith.constant 0 : i32
    %dma_wait3A_120 = tpu.memref_slice %arg2[%dma_wait3A_118, %dma_wait3A_119] : memref<65536x256xf32, #tpu.memory_space<hbm>> -> memref<65536x256xf32, #tpu.memory_space<hbm>>
    tpu.wait_indirect_dma semaphore(%arg9 : memref<!tpu.dma_semaphore, #tpu.memory_space<semaphore_mem>>) src(%dma_wait3A_120 : memref<65536x256xf32, #tpu.memory_space<hbm>>) dst(%arg7 : memref<128x256xf32, #tpu.memory_space<vmem>>)
    %mul3A_121 = arith.constant 1024 : i32
    %mul3A_122 = arith.muli %add3A, %mul3A_121 : i32
    %add3A_123 = arith.constant 384 : i32
    %add3A_124 = arith.addi %mul3A_122, %add3A_123 : i32
    %dma_start3A_125 = arith.constant 0 : i32
    %dma_start3A_126 = tpu.memref_slice %arg4[%add3A_124, %dma_start3A_125] : memref<32768x256xf32, #tpu.memory_space<hbm>> -> memref<128x256xf32, #tpu.memory_space<hbm>>
    %dma_start3A_127 = arith.constant 0 : i32
    %dma_start3A_128 = tpu.memref_slice %arg4[%add3A_124, %dma_start3A_127] : memref<32768x256xf32, #tpu.memory_space<hbm>> -> memref<128x256xf32, #tpu.memory_space<hbm>>
    tpu.enqueue_dma source(%arg7 : memref<128x256xf32, #tpu.memory_space<vmem>>) target(%dma_start3A_128 : memref<128x256xf32, #tpu.memory_space<hbm>>) target_semaphore(%arg11 : memref<!tpu.dma_semaphore, #tpu.memory_space<semaphore_mem>>)
    %dma_wait3A_129 = arith.constant 0 : i32
    %dma_wait3A_130 = tpu.memref_slice %arg4[%add3A_124, %dma_wait3A_129] : memref<32768x256xf32, #tpu.memory_space<hbm>> -> memref<128x256xf32, #tpu.memory_space<hbm>>
    %dma_wait3A_131 = arith.constant 0 : i32
    %dma_wait3A_132 = tpu.memref_slice %arg4[%add3A_124, %dma_wait3A_131] : memref<32768x256xf32, #tpu.memory_space<hbm>> -> memref<128x256xf32, #tpu.memory_space<hbm>>
    tpu.wait_dma2 semaphore(%arg11 : memref<!tpu.dma_semaphore, #tpu.memory_space<semaphore_mem>>) src(%arg7 : memref<128x256xf32, #tpu.memory_space<vmem>>) dst(%dma_wait3A_132 : memref<128x256xf32, #tpu.memory_space<hbm>>)
    %dma_start3A_133 = arith.constant 640 : i32
    %dma_start3A_134 = tpu.memref_slice %arg5[%dma_start3A_133] : memref<1024xi32, #tpu.memory_space<vmem>> -> memref<128xi32, #tpu.memory_space<vmem>>
    %dma_start3A_135 = arith.constant 0 : i32
    %dma_start3A_136 = arith.constant 0 : i32
    %dma_start3A_137 = tpu.memref_slice %arg2[%dma_start3A_135, %dma_start3A_136] : memref<65536x256xf32, #tpu.memory_space<hbm>> -> memref<65536x256xf32, #tpu.memory_space<hbm>>
    tpu.enqueue_indirect_dma source(%dma_start3A_137 : memref<65536x256xf32, #tpu.memory_space<hbm>>) target(%arg7 : memref<128x256xf32, #tpu.memory_space<vmem>>) offsets(%dma_start3A_134 : memref<128xi32, #tpu.memory_space<vmem>>) semaphore(%arg9 : memref<!tpu.dma_semaphore, #tpu.memory_space<semaphore_mem>>)
    %dma_wait3A_138 = arith.constant 512 : i32
    %dma_wait3A_139 = tpu.memref_slice %arg5[%dma_wait3A_138] : memref<1024xi32, #tpu.memory_space<vmem>> -> memref<128xi32, #tpu.memory_space<vmem>>
    %dma_wait3A_140 = arith.constant 0 : i32
    %dma_wait3A_141 = arith.constant 0 : i32
    %dma_wait3A_142 = tpu.memref_slice %arg2[%dma_wait3A_140, %dma_wait3A_141] : memref<65536x256xf32, #tpu.memory_space<hbm>> -> memref<65536x256xf32, #tpu.memory_space<hbm>>
    tpu.wait_indirect_dma semaphore(%arg8 : memref<!tpu.dma_semaphore, #tpu.memory_space<semaphore_mem>>) src(%dma_wait3A_142 : memref<65536x256xf32, #tpu.memory_space<hbm>>) dst(%arg6 : memref<128x256xf32, #tpu.memory_space<vmem>>)
    %mul3A_143 = arith.constant 1024 : i32
    %mul3A_144 = arith.muli %add3A, %mul3A_143 : i32
    %add3A_145 = arith.constant 512 : i32
    %add3A_146 = arith.addi %mul3A_144, %add3A_145 : i32
    %dma_start3A_147 = arith.constant 0 : i32
    %dma_start3A_148 = tpu.memref_slice %arg4[%add3A_146, %dma_start3A_147] : memref<32768x256xf32, #tpu.memory_space<hbm>> -> memref<128x256xf32, #tpu.memory_space<hbm>>
    %dma_start3A_149 = arith.constant 0 : i32
    %dma_start3A_150 = tpu.memref_slice %arg4[%add3A_146, %dma_start3A_149] : memref<32768x256xf32, #tpu.memory_space<hbm>> -> memref<128x256xf32, #tpu.memory_space<hbm>>
    tpu.enqueue_dma source(%arg6 : memref<128x256xf32, #tpu.memory_space<vmem>>) target(%dma_start3A_150 : memref<128x256xf32, #tpu.memory_space<hbm>>) target_semaphore(%arg10 : memref<!tpu.dma_semaphore, #tpu.memory_space<semaphore_mem>>)
    %dma_wait3A_151 = arith.constant 0 : i32
    %dma_wait3A_152 = tpu.memref_slice %arg4[%add3A_146, %dma_wait3A_151] : memref<32768x256xf32, #tpu.memory_space<hbm>> -> memref<128x256xf32, #tpu.memory_space<hbm>>
    %dma_wait3A_153 = arith.constant 0 : i32
    %dma_wait3A_154 = tpu.memref_slice %arg4[%add3A_146, %dma_wait3A_153] : memref<32768x256xf32, #tpu.memory_space<hbm>> -> memref<128x256xf32, #tpu.memory_space<hbm>>
    tpu.wait_dma2 semaphore(%arg10 : memref<!tpu.dma_semaphore, #tpu.memory_space<semaphore_mem>>) src(%arg6 : memref<128x256xf32, #tpu.memory_space<vmem>>) dst(%dma_wait3A_154 : memref<128x256xf32, #tpu.memory_space<hbm>>)
    %dma_start3A_155 = arith.constant 768 : i32
    %dma_start3A_156 = tpu.memref_slice %arg5[%dma_start3A_155] : memref<1024xi32, #tpu.memory_space<vmem>> -> memref<128xi32, #tpu.memory_space<vmem>>
    %dma_start3A_157 = arith.constant 0 : i32
    %dma_start3A_158 = arith.constant 0 : i32
    %dma_start3A_159 = tpu.memref_slice %arg2[%dma_start3A_157, %dma_start3A_158] : memref<65536x256xf32, #tpu.memory_space<hbm>> -> memref<65536x256xf32, #tpu.memory_space<hbm>>
    tpu.enqueue_indirect_dma source(%dma_start3A_159 : memref<65536x256xf32, #tpu.memory_space<hbm>>) target(%arg6 : memref<128x256xf32, #tpu.memory_space<vmem>>) offsets(%dma_start3A_156 : memref<128xi32, #tpu.memory_space<vmem>>) semaphore(%arg8 : memref<!tpu.dma_semaphore, #tpu.memory_space<semaphore_mem>>)
    %dma_wait3A_160 = arith.constant 640 : i32
    %dma_wait3A_161 = tpu.memref_slice %arg5[%dma_wait3A_160] : memref<1024xi32, #tpu.memory_space<vmem>> -> memref<128xi32, #tpu.memory_space<vmem>>
    %dma_wait3A_162 = arith.constant 0 : i32
    %dma_wait3A_163 = arith.constant 0 : i32
    %dma_wait3A_164 = tpu.memref_slice %arg2[%dma_wait3A_162, %dma_wait3A_163] : memref<65536x256xf32, #tpu.memory_space<hbm>> -> memref<65536x256xf32, #tpu.memory_space<hbm>>
    tpu.wait_indirect_dma semaphore(%arg9 : memref<!tpu.dma_semaphore, #tpu.memory_space<semaphore_mem>>) src(%dma_wait3A_164 : memref<65536x256xf32, #tpu.memory_space<hbm>>) dst(%arg7 : memref<128x256xf32, #tpu.memory_space<vmem>>)
    %mul3A_165 = arith.constant 1024 : i32
    %mul3A_166 = arith.muli %add3A, %mul3A_165 : i32
    %add3A_167 = arith.constant 640 : i32
    %add3A_168 = arith.addi %mul3A_166, %add3A_167 : i32
    %dma_start3A_169 = arith.constant 0 : i32
    %dma_start3A_170 = tpu.memref_slice %arg4[%add3A_168, %dma_start3A_169] : memref<32768x256xf32, #tpu.memory_space<hbm>> -> memref<128x256xf32, #tpu.memory_space<hbm>>
    %dma_start3A_171 = arith.constant 0 : i32
    %dma_start3A_172 = tpu.memref_slice %arg4[%add3A_168, %dma_start3A_171] : memref<32768x256xf32, #tpu.memory_space<hbm>> -> memref<128x256xf32, #tpu.memory_space<hbm>>
    tpu.enqueue_dma source(%arg7 : memref<128x256xf32, #tpu.memory_space<vmem>>) target(%dma_start3A_172 : memref<128x256xf32, #tpu.memory_space<hbm>>) target_semaphore(%arg11 : memref<!tpu.dma_semaphore, #tpu.memory_space<semaphore_mem>>)
    %dma_wait3A_173 = arith.constant 0 : i32
    %dma_wait3A_174 = tpu.memref_slice %arg4[%add3A_168, %dma_wait3A_173] : memref<32768x256xf32, #tpu.memory_space<hbm>> -> memref<128x256xf32, #tpu.memory_space<hbm>>
    %dma_wait3A_175 = arith.constant 0 : i32
    %dma_wait3A_176 = tpu.memref_slice %arg4[%add3A_168, %dma_wait3A_175] : memref<32768x256xf32, #tpu.memory_space<hbm>> -> memref<128x256xf32, #tpu.memory_space<hbm>>
    tpu.wait_dma2 semaphore(%arg11 : memref<!tpu.dma_semaphore, #tpu.memory_space<semaphore_mem>>) src(%arg7 : memref<128x256xf32, #tpu.memory_space<vmem>>) dst(%dma_wait3A_176 : memref<128x256xf32, #tpu.memory_space<hbm>>)
    %dma_start3A_177 = arith.constant 896 : i32
    %dma_start3A_178 = tpu.memref_slice %arg5[%dma_start3A_177] : memref<1024xi32, #tpu.memory_space<vmem>> -> memref<128xi32, #tpu.memory_space<vmem>>
    %dma_start3A_179 = arith.constant 0 : i32
    %dma_start3A_180 = arith.constant 0 : i32
    %dma_start3A_181 = tpu.memref_slice %arg2[%dma_start3A_179, %dma_start3A_180] : memref<65536x256xf32, #tpu.memory_space<hbm>> -> memref<65536x256xf32, #tpu.memory_space<hbm>>
    tpu.enqueue_indirect_dma source(%dma_start3A_181 : memref<65536x256xf32, #tpu.memory_space<hbm>>) target(%arg7 : memref<128x256xf32, #tpu.memory_space<vmem>>) offsets(%dma_start3A_178 : memref<128xi32, #tpu.memory_space<vmem>>) semaphore(%arg9 : memref<!tpu.dma_semaphore, #tpu.memory_space<semaphore_mem>>)
    %dma_wait3A_182 = arith.constant 768 : i32
    %dma_wait3A_183 = tpu.memref_slice %arg5[%dma_wait3A_182] : memref<1024xi32, #tpu.memory_space<vmem>> -> memref<128xi32, #tpu.memory_space<vmem>>
    %dma_wait3A_184 = arith.constant 0 : i32
    %dma_wait3A_185 = arith.constant 0 : i32
    %dma_wait3A_186 = tpu.memref_slice %arg2[%dma_wait3A_184, %dma_wait3A_185] : memref<65536x256xf32, #tpu.memory_space<hbm>> -> memref<65536x256xf32, #tpu.memory_space<hbm>>
    tpu.wait_indirect_dma semaphore(%arg8 : memref<!tpu.dma_semaphore, #tpu.memory_space<semaphore_mem>>) src(%dma_wait3A_186 : memref<65536x256xf32, #tpu.memory_space<hbm>>) dst(%arg6 : memref<128x256xf32, #tpu.memory_space<vmem>>)
    %mul3A_187 = arith.constant 1024 : i32
    %mul3A_188 = arith.muli %add3A, %mul3A_187 : i32
    %add3A_189 = arith.constant 768 : i32
    %add3A_190 = arith.addi %mul3A_188, %add3A_189 : i32
    %dma_start3A_191 = arith.constant 0 : i32
    %dma_start3A_192 = tpu.memref_slice %arg4[%add3A_190, %dma_start3A_191] : memref<32768x256xf32, #tpu.memory_space<hbm>> -> memref<128x256xf32, #tpu.memory_space<hbm>>
    %dma_start3A_193 = arith.constant 0 : i32
    %dma_start3A_194 = tpu.memref_slice %arg4[%add3A_190, %dma_start3A_193] : memref<32768x256xf32, #tpu.memory_space<hbm>> -> memref<128x256xf32, #tpu.memory_space<hbm>>
    tpu.enqueue_dma source(%arg6 : memref<128x256xf32, #tpu.memory_space<vmem>>) target(%dma_start3A_194 : memref<128x256xf32, #tpu.memory_space<hbm>>) target_semaphore(%arg10 : memref<!tpu.dma_semaphore, #tpu.memory_space<semaphore_mem>>)
    %dma_wait3A_195 = arith.constant 896 : i32
    %dma_wait3A_196 = tpu.memref_slice %arg5[%dma_wait3A_195] : memref<1024xi32, #tpu.memory_space<vmem>> -> memref<128xi32, #tpu.memory_space<vmem>>
    %dma_wait3A_197 = arith.constant 0 : i32
    %dma_wait3A_198 = arith.constant 0 : i32
    %dma_wait3A_199 = tpu.memref_slice %arg2[%dma_wait3A_197, %dma_wait3A_198] : memref<65536x256xf32, #tpu.memory_space<hbm>> -> memref<65536x256xf32, #tpu.memory_space<hbm>>
    tpu.wait_indirect_dma semaphore(%arg9 : memref<!tpu.dma_semaphore, #tpu.memory_space<semaphore_mem>>) src(%dma_wait3A_199 : memref<65536x256xf32, #tpu.memory_space<hbm>>) dst(%arg7 : memref<128x256xf32, #tpu.memory_space<vmem>>)
    %mul3A_200 = arith.constant 1024 : i32
    %mul3A_201 = arith.muli %add3A, %mul3A_200 : i32
    %add3A_202 = arith.constant 896 : i32
    %add3A_203 = arith.addi %mul3A_201, %add3A_202 : i32
    %dma_start3A_204 = arith.constant 0 : i32
    %dma_start3A_205 = tpu.memref_slice %arg4[%add3A_203, %dma_start3A_204] : memref<32768x256xf32, #tpu.memory_space<hbm>> -> memref<128x256xf32, #tpu.memory_space<hbm>>
    %dma_start3A_206 = arith.constant 0 : i32
    %dma_start3A_207 = tpu.memref_slice %arg4[%add3A_203, %dma_start3A_206] : memref<32768x256xf32, #tpu.memory_space<hbm>> -> memref<128x256xf32, #tpu.memory_space<hbm>>
    tpu.enqueue_dma source(%arg7 : memref<128x256xf32, #tpu.memory_space<vmem>>) target(%dma_start3A_207 : memref<128x256xf32, #tpu.memory_space<hbm>>) target_semaphore(%arg11 : memref<!tpu.dma_semaphore, #tpu.memory_space<semaphore_mem>>)
    %dma_wait3A_208 = arith.constant 0 : i32
    %dma_wait3A_209 = tpu.memref_slice %arg4[%add3A_190, %dma_wait3A_208] : memref<32768x256xf32, #tpu.memory_space<hbm>> -> memref<128x256xf32, #tpu.memory_space<hbm>>
    %dma_wait3A_210 = arith.constant 0 : i32
    %dma_wait3A_211 = tpu.memref_slice %arg4[%add3A_190, %dma_wait3A_210] : memref<32768x256xf32, #tpu.memory_space<hbm>> -> memref<128x256xf32, #tpu.memory_space<hbm>>
    tpu.wait_dma2 semaphore(%arg10 : memref<!tpu.dma_semaphore, #tpu.memory_space<semaphore_mem>>) src(%arg6 : memref<128x256xf32, #tpu.memory_space<vmem>>) dst(%dma_wait3A_211 : memref<128x256xf32, #tpu.memory_space<hbm>>)
    %dma_wait3A_212 = arith.constant 0 : i32
    %dma_wait3A_213 = tpu.memref_slice %arg4[%add3A_203, %dma_wait3A_212] : memref<32768x256xf32, #tpu.memory_space<hbm>> -> memref<128x256xf32, #tpu.memory_space<hbm>>
    %dma_wait3A_214 = arith.constant 0 : i32
    %dma_wait3A_215 = tpu.memref_slice %arg4[%add3A_203, %dma_wait3A_214] : memref<32768x256xf32, #tpu.memory_space<hbm>> -> memref<128x256xf32, #tpu.memory_space<hbm>>
    tpu.wait_dma2 semaphore(%arg11 : memref<!tpu.dma_semaphore, #tpu.memory_space<semaphore_mem>>) src(%arg7 : memref<128x256xf32, #tpu.memory_space<vmem>>) dst(%dma_wait3A_215 : memref<128x256xf32, #tpu.memory_space<hbm>>)
    return
  }
}

#map = affine_map<(d0, d1) -> (0, 0)>
module attributes {stable_mosaic.version = 14 : i64} {
  func.func @k_(%arg0: i32, %arg1: i32, %arg2: memref<8192x1024xi32, #tpu.memory_space<hbm>>, %arg3: memref<8192x1024xi32, #tpu.memory_space<hbm>>, %arg4: memref<4x1024xi32, #tpu.memory_space<hbm>>, %arg5: memref<4096x1024xi32, #tpu.memory_space<hbm>>, %arg6: memref<4096x1024xi32, #tpu.memory_space<hbm>>, %arg7: memref<1024xi32, #tpu.memory_space<vmem>>, %arg8: memref<32x1024xi32, #tpu.memory_space<vmem>>, %arg9: memref<32x1024xi32, #tpu.memory_space<vmem>>, %arg10: memref<!tpu.dma_semaphore, #tpu.memory_space<semaphore_mem>>, %arg11: memref<!tpu.dma_semaphore, #tpu.memory_space<semaphore_mem>>, %arg12: memref<!tpu.dma_semaphore, #tpu.memory_space<semaphore_mem>>) attributes {dimension_semantics = [#tpu.dimension_semantics<core_parallel>, #tpu.dimension_semantics<subcore_parallel>], iteration_bounds = array<i64: 2, 16>, scalar_prefetch = 0 : i64, scratch_operands = 6 : i64, tpu.core_type = #tpu.core_type<sc_vector_subcore>, window_params = [{transform_indices = #map}, {transform_indices = #map}, {transform_indices = #map}, {transform_indices = #map}, {transform_indices = #map}]} {
    %mul3A = arith.constant 2 : i32
    %mul3A_0 = arith.muli %arg1, %mul3A : i32
    %add3A = arith.addi %mul3A_0, %arg0 : i32
    %jit3A = arith.constant 8 : i32
    %div3A = arith.divsi %add3A, %jit3A : i32
    %sign3A = arith.constant 0 : i32
    %sign3A_1 = arith.cmpi sgt, %add3A, %sign3A : i32
    %sign3A_2 = arith.extui %sign3A_1 : i1 to i32
    %sign3A_3 = arith.constant 0 : i32
    %sign3A_4 = arith.cmpi slt, %add3A, %sign3A_3 : i32
    %sign3A_5 = arith.extui %sign3A_4 : i1 to i32
    %sign3A_6 = arith.subi %sign3A_2, %sign3A_5 : i32
    %sign3A_7 = arith.constant 0 : i32
    %sign3A_8 = arith.cmpi sgt, %jit3A, %sign3A_7 : i32
    %sign3A_9 = arith.extui %sign3A_8 : i1 to i32
    %sign3A_10 = arith.constant 0 : i32
    %sign3A_11 = arith.cmpi slt, %jit3A, %sign3A_10 : i32
    %sign3A_12 = arith.extui %sign3A_11 : i1 to i32
    %sign3A_13 = arith.subi %sign3A_9, %sign3A_12 : i32
    %ne3A = arith.cmpi ne, %sign3A_6, %sign3A_13 : i32
    %rem3A = arith.remsi %add3A, %jit3A : i32
    %ne3A_14 = arith.constant 0 : i32
    %ne3A_15 = arith.cmpi ne, %rem3A, %ne3A_14 : i32
    %and3A = arith.andi %ne3A, %ne3A_15 : i1
    %sub3A = arith.constant 1 : i32
    %sub3A_16 = arith.subi %div3A, %sub3A : i32
    %select_n3A = arith.select %and3A, %sub3A_16, %div3A : i32
    %jit3A_17 = arith.constant 8 : i32
    %eq3A = arith.constant 0 : i32
    %eq3A_18 = arith.cmpi eq, %jit3A_17, %eq3A : i32
    %jit3A_19 = arith.constant 1 : i32
    %select_n3A_20 = arith.select %eq3A_18, %jit3A_19, %jit3A_17 : i32
    %rem3A_21 = arith.remsi %add3A, %select_n3A_20 : i32
    %ne3A_22 = arith.constant 0 : i32
    %ne3A_23 = arith.cmpi ne, %rem3A_21, %ne3A_22 : i32
    %lt3A = arith.constant 0 : i32
    %lt3A_24 = arith.cmpi slt, %rem3A_21, %lt3A : i32
    %lt3A_25 = arith.constant 0 : i32
    %lt3A_26 = arith.cmpi slt, %select_n3A_20, %lt3A_25 : i32
    %ne3A_27 = arith.xori %lt3A_24, %lt3A_26 : i1
    %and3A_28 = arith.andi %ne3A_27, %ne3A_23 : i1
    %add3A_29 = arith.addi %rem3A_21, %select_n3A_20 : i32
    %select_n3A_30 = arith.select %and3A_28, %add3A_29, %rem3A_21 : i32
    "tpu.region"() ({
      %run_scoped3A = tpu.sem_alloc : memref<!tpu.dma_semaphore, #tpu.memory_space<semaphore_mem>>
      %dma_start3A_221 = arith.constant 0 : i32
      %dma_start3A_222 = tpu.memref_slice %arg4[%select_n3A, %dma_start3A_221] : memref<4x1024xi32, #tpu.memory_space<hbm>> -> memref<1x1024xi32, #tpu.memory_space<hbm>>
      %dma_start3A_223 = tpu.memref_squeeze %dma_start3A_222 : memref<1x1024xi32, #tpu.memory_space<hbm>> -> memref<1024xi32, #tpu.memory_space<hbm>>
      %dma_start3A_224 = arith.constant 0 : i32
      %dma_start3A_225 = tpu.memref_slice %arg4[%select_n3A, %dma_start3A_224] : memref<4x1024xi32, #tpu.memory_space<hbm>> -> memref<1x1024xi32, #tpu.memory_space<hbm>>
      %dma_start3A_226 = tpu.memref_squeeze %dma_start3A_225 : memref<1x1024xi32, #tpu.memory_space<hbm>> -> memref<1024xi32, #tpu.memory_space<hbm>>
      tpu.enqueue_dma source(%dma_start3A_226 : memref<1024xi32, #tpu.memory_space<hbm>>) target(%arg7 : memref<1024xi32, #tpu.memory_space<vmem>>) target_semaphore(%run_scoped3A : memref<!tpu.dma_semaphore, #tpu.memory_space<semaphore_mem>>)
      %dma_wait3A_227 = arith.constant 0 : i32
      %dma_wait3A_228 = tpu.memref_slice %arg4[%select_n3A, %dma_wait3A_227] : memref<4x1024xi32, #tpu.memory_space<hbm>> -> memref<1x1024xi32, #tpu.memory_space<hbm>>
      %dma_wait3A_229 = tpu.memref_squeeze %dma_wait3A_228 : memref<1x1024xi32, #tpu.memory_space<hbm>> -> memref<1024xi32, #tpu.memory_space<hbm>>
      %dma_wait3A_230 = arith.constant 0 : i32
      %dma_wait3A_231 = tpu.memref_slice %arg4[%select_n3A, %dma_wait3A_230] : memref<4x1024xi32, #tpu.memory_space<hbm>> -> memref<1x1024xi32, #tpu.memory_space<hbm>>
      %dma_wait3A_232 = tpu.memref_squeeze %dma_wait3A_231 : memref<1x1024xi32, #tpu.memory_space<hbm>> -> memref<1024xi32, #tpu.memory_space<hbm>>
      tpu.wait_dma2 semaphore(%run_scoped3A : memref<!tpu.dma_semaphore, #tpu.memory_space<semaphore_mem>>) src(%dma_wait3A_232 : memref<1024xi32, #tpu.memory_space<hbm>>) dst(%arg7 : memref<1024xi32, #tpu.memory_space<vmem>>)
      tpu.yield
    }) : () -> ()
    %mul3A_31 = arith.constant 2048 : i32
    %mul3A_32 = arith.muli %select_n3A, %mul3A_31 : i32
    %scan3A = arith.constant 0 : i32
    %scan3A_33 = arith.constant 0 : i32
    %scan3A_34 = arith.constant 64 : i32
    %scan3A_35 = arith.addi %scan3A_33, %scan3A_34 : i32
    %scan3A_36 = arith.constant 1 : i32
    %scan3A_37 = scf.for %scan3A_221 = %scan3A_33 to %scan3A_35 step %scan3A_36 iter_args(%scan3A_222 = %scan3A) -> (i32)  : i32 {
      %mul3A_223 = arith.constant 16 : i32
      %mul3A_224 = arith.muli %scan3A_221, %mul3A_223 : i32
      %get3A = arith.index_cast %mul3A_224 : i32 to index
      %get3A_225 = tpu.vector_load %arg7[%get3A] {strides = array<i32>} : memref<1024xi32, #tpu.memory_space<vmem>>, vector<16xi32>,
      %get3A_226 = vector.shape_cast %get3A_225 : vector<16xi32> to vector<16xi32>
      %add3A_227 = vector.broadcast %mul3A_32 : i32 to vector<16xi32>
      %add3A_228 = arith.addi %get3A_226, %add3A_227 : vector<16xi32>
      %mul3A_229 = arith.constant 16 : i32
      %mul3A_230 = arith.muli %scan3A_221, %mul3A_229 : i32
      %swap3A = arith.index_cast %mul3A_230 : i32 to index
      %swap3A_231 = tpu.vector_load %arg7[%swap3A] {strides = array<i32>} : memref<1024xi32, #tpu.memory_space<vmem>>, vector<16xi32>,
      %swap3A_232 = vector.shape_cast %swap3A_231 : vector<16xi32> to vector<16xi32>
      %swap3A_233 = vector.shape_cast %add3A_228 : vector<16xi32> to vector<16xi32>
      tpu.vector_store %arg7[%swap3A], %swap3A_233 {strides = array<i32>} : memref<1024xi32, #tpu.memory_space<vmem>>, vector<16xi32>,
      %scan3A_234 = arith.constant 0 : i32
      scf.yield %scan3A_234 : i32
    }
    %scan3A_38 = arith.constant 64 : i32
    %mul3A_39 = arith.constant 128 : i32
    %mul3A_40 = arith.muli %select_n3A_30, %mul3A_39 : i32
    %add3A_41 = arith.constant 0 : i32
    %add3A_42 = arith.addi %mul3A_40, %add3A_41 : i32
    %dma_start3A = tpu.memref_slice %arg7[%add3A_42] : memref<1024xi32, #tpu.memory_space<vmem>> -> memref<32xi32, #tpu.memory_space<vmem>>
    %dma_start3A_43 = arith.constant 0 : i32
    %dma_start3A_44 = arith.constant 0 : i32
    %dma_start3A_45 = tpu.memref_slice %arg2[%dma_start3A_43, %dma_start3A_44] : memref<8192x1024xi32, #tpu.memory_space<hbm>> -> memref<8192x1024xi32, #tpu.memory_space<hbm>>
    tpu.enqueue_indirect_dma source(%dma_start3A_45 : memref<8192x1024xi32, #tpu.memory_space<hbm>>) target(%arg8 : memref<32x1024xi32, #tpu.memory_space<vmem>>) offsets(%dma_start3A : memref<32xi32, #tpu.memory_space<vmem>>) semaphore(%arg10 : memref<!tpu.dma_semaphore, #tpu.memory_space<semaphore_mem>>)
    %dma_wait3A = tpu.memref_slice %arg7[%add3A_42] : memref<1024xi32, #tpu.memory_space<vmem>> -> memref<32xi32, #tpu.memory_space<vmem>>
    %dma_wait3A_46 = arith.constant 0 : i32
    %dma_wait3A_47 = arith.constant 0 : i32
    %dma_wait3A_48 = tpu.memref_slice %arg2[%dma_wait3A_46, %dma_wait3A_47] : memref<8192x1024xi32, #tpu.memory_space<hbm>> -> memref<8192x1024xi32, #tpu.memory_space<hbm>>
    tpu.wait_indirect_dma semaphore(%arg10 : memref<!tpu.dma_semaphore, #tpu.memory_space<semaphore_mem>>) src(%dma_wait3A_48 : memref<8192x1024xi32, #tpu.memory_space<hbm>>) dst(%arg8 : memref<32x1024xi32, #tpu.memory_space<vmem>>)
    %mul3A_49 = arith.constant 1024 : i32
    %mul3A_50 = arith.muli %select_n3A, %mul3A_49 : i32
    %add3A_51 = arith.addi %mul3A_50, %add3A_42 : i32
    %dma_start3A_52 = arith.constant 0 : i32
    %dma_start3A_53 = tpu.memref_slice %arg5[%add3A_51, %dma_start3A_52] : memref<4096x1024xi32, #tpu.memory_space<hbm>> -> memref<32x1024xi32, #tpu.memory_space<hbm>>
    %dma_start3A_54 = arith.constant 0 : i32
    %dma_start3A_55 = tpu.memref_slice %arg5[%add3A_51, %dma_start3A_54] : memref<4096x1024xi32, #tpu.memory_space<hbm>> -> memref<32x1024xi32, #tpu.memory_space<hbm>>
    tpu.enqueue_dma source(%arg8 : memref<32x1024xi32, #tpu.memory_space<vmem>>) target(%dma_start3A_55 : memref<32x1024xi32, #tpu.memory_space<hbm>>) target_semaphore(%arg11 : memref<!tpu.dma_semaphore, #tpu.memory_space<semaphore_mem>>)
    %mul3A_56 = arith.constant 128 : i32
    %mul3A_57 = arith.muli %select_n3A_30, %mul3A_56 : i32
    %add3A_58 = arith.constant 32 : i32
    %add3A_59 = arith.addi %mul3A_57, %add3A_58 : i32
    %dma_start3A_60 = tpu.memref_slice %arg7[%add3A_59] : memref<1024xi32, #tpu.memory_space<vmem>> -> memref<32xi32, #tpu.memory_space<vmem>>
    %dma_start3A_61 = arith.constant 0 : i32
    %dma_start3A_62 = arith.constant 0 : i32
    %dma_start3A_63 = tpu.memref_slice %arg2[%dma_start3A_61, %dma_start3A_62] : memref<8192x1024xi32, #tpu.memory_space<hbm>> -> memref<8192x1024xi32, #tpu.memory_space<hbm>>
    tpu.enqueue_indirect_dma source(%dma_start3A_63 : memref<8192x1024xi32, #tpu.memory_space<hbm>>) target(%arg9 : memref<32x1024xi32, #tpu.memory_space<vmem>>) offsets(%dma_start3A_60 : memref<32xi32, #tpu.memory_space<vmem>>) semaphore(%arg10 : memref<!tpu.dma_semaphore, #tpu.memory_space<semaphore_mem>>)
    %dma_wait3A_64 = tpu.memref_slice %arg7[%add3A_59] : memref<1024xi32, #tpu.memory_space<vmem>> -> memref<32xi32, #tpu.memory_space<vmem>>
    %dma_wait3A_65 = arith.constant 0 : i32
    %dma_wait3A_66 = arith.constant 0 : i32
    %dma_wait3A_67 = tpu.memref_slice %arg2[%dma_wait3A_65, %dma_wait3A_66] : memref<8192x1024xi32, #tpu.memory_space<hbm>> -> memref<8192x1024xi32, #tpu.memory_space<hbm>>
    tpu.wait_indirect_dma semaphore(%arg10 : memref<!tpu.dma_semaphore, #tpu.memory_space<semaphore_mem>>) src(%dma_wait3A_67 : memref<8192x1024xi32, #tpu.memory_space<hbm>>) dst(%arg9 : memref<32x1024xi32, #tpu.memory_space<vmem>>)
    %mul3A_68 = arith.constant 1024 : i32
    %mul3A_69 = arith.muli %select_n3A, %mul3A_68 : i32
    %add3A_70 = arith.addi %mul3A_69, %add3A_59 : i32
    %dma_start3A_71 = arith.constant 0 : i32
    %dma_start3A_72 = tpu.memref_slice %arg5[%add3A_70, %dma_start3A_71] : memref<4096x1024xi32, #tpu.memory_space<hbm>> -> memref<32x1024xi32, #tpu.memory_space<hbm>>
    %dma_start3A_73 = arith.constant 0 : i32
    %dma_start3A_74 = tpu.memref_slice %arg5[%add3A_70, %dma_start3A_73] : memref<4096x1024xi32, #tpu.memory_space<hbm>> -> memref<32x1024xi32, #tpu.memory_space<hbm>>
    tpu.enqueue_dma source(%arg9 : memref<32x1024xi32, #tpu.memory_space<vmem>>) target(%dma_start3A_74 : memref<32x1024xi32, #tpu.memory_space<hbm>>) target_semaphore(%arg12 : memref<!tpu.dma_semaphore, #tpu.memory_space<semaphore_mem>>)
    %mul3A_75 = arith.constant 128 : i32
    %mul3A_76 = arith.muli %select_n3A_30, %mul3A_75 : i32
    %add3A_77 = arith.constant 64 : i32
    %add3A_78 = arith.addi %mul3A_76, %add3A_77 : i32
    %dma_wait3A_79 = arith.constant 0 : i32
    %dma_wait3A_80 = tpu.memref_slice %arg5[%add3A_51, %dma_wait3A_79] : memref<4096x1024xi32, #tpu.memory_space<hbm>> -> memref<32x1024xi32, #tpu.memory_space<hbm>>
    %dma_wait3A_81 = arith.constant 0 : i32
    %dma_wait3A_82 = tpu.memref_slice %arg5[%add3A_51, %dma_wait3A_81] : memref<4096x1024xi32, #tpu.memory_space<hbm>> -> memref<32x1024xi32, #tpu.memory_space<hbm>>
    tpu.wait_dma2 semaphore(%arg11 : memref<!tpu.dma_semaphore, #tpu.memory_space<semaphore_mem>>) src(%arg8 : memref<32x1024xi32, #tpu.memory_space<vmem>>) dst(%dma_wait3A_82 : memref<32x1024xi32, #tpu.memory_space<hbm>>)
    %dma_start3A_83 = tpu.memref_slice %arg7[%add3A_78] : memref<1024xi32, #tpu.memory_space<vmem>> -> memref<32xi32, #tpu.memory_space<vmem>>
    %dma_start3A_84 = arith.constant 0 : i32
    %dma_start3A_85 = arith.constant 0 : i32
    %dma_start3A_86 = tpu.memref_slice %arg2[%dma_start3A_84, %dma_start3A_85] : memref<8192x1024xi32, #tpu.memory_space<hbm>> -> memref<8192x1024xi32, #tpu.memory_space<hbm>>
    tpu.enqueue_indirect_dma source(%dma_start3A_86 : memref<8192x1024xi32, #tpu.memory_space<hbm>>) target(%arg8 : memref<32x1024xi32, #tpu.memory_space<vmem>>) offsets(%dma_start3A_83 : memref<32xi32, #tpu.memory_space<vmem>>) semaphore(%arg10 : memref<!tpu.dma_semaphore, #tpu.memory_space<semaphore_mem>>)
    %dma_wait3A_87 = tpu.memref_slice %arg7[%add3A_78] : memref<1024xi32, #tpu.memory_space<vmem>> -> memref<32xi32, #tpu.memory_space<vmem>>
    %dma_wait3A_88 = arith.constant 0 : i32
    %dma_wait3A_89 = arith.constant 0 : i32
    %dma_wait3A_90 = tpu.memref_slice %arg2[%dma_wait3A_88, %dma_wait3A_89] : memref<8192x1024xi32, #tpu.memory_space<hbm>> -> memref<8192x1024xi32, #tpu.memory_space<hbm>>
    tpu.wait_indirect_dma semaphore(%arg10 : memref<!tpu.dma_semaphore, #tpu.memory_space<semaphore_mem>>) src(%dma_wait3A_90 : memref<8192x1024xi32, #tpu.memory_space<hbm>>) dst(%arg8 : memref<32x1024xi32, #tpu.memory_space<vmem>>)
    %mul3A_91 = arith.constant 1024 : i32
    %mul3A_92 = arith.muli %select_n3A, %mul3A_91 : i32
    %add3A_93 = arith.addi %mul3A_92, %add3A_78 : i32
    %dma_start3A_94 = arith.constant 0 : i32
    %dma_start3A_95 = tpu.memref_slice %arg5[%add3A_93, %dma_start3A_94] : memref<4096x1024xi32, #tpu.memory_space<hbm>> -> memref<32x1024xi32, #tpu.memory_space<hbm>>
    %dma_start3A_96 = arith.constant 0 : i32
    %dma_start3A_97 = tpu.memref_slice %arg5[%add3A_93, %dma_start3A_96] : memref<4096x1024xi32, #tpu.memory_space<hbm>> -> memref<32x1024xi32, #tpu.memory_space<hbm>>
    tpu.enqueue_dma source(%arg8 : memref<32x1024xi32, #tpu.memory_space<vmem>>) target(%dma_start3A_97 : memref<32x1024xi32, #tpu.memory_space<hbm>>) target_semaphore(%arg11 : memref<!tpu.dma_semaphore, #tpu.memory_space<semaphore_mem>>)
    %mul3A_98 = arith.constant 128 : i32
    %mul3A_99 = arith.muli %select_n3A_30, %mul3A_98 : i32
    %add3A_100 = arith.constant 96 : i32
    %add3A_101 = arith.addi %mul3A_99, %add3A_100 : i32
    %dma_wait3A_102 = arith.constant 0 : i32
    %dma_wait3A_103 = tpu.memref_slice %arg5[%add3A_70, %dma_wait3A_102] : memref<4096x1024xi32, #tpu.memory_space<hbm>> -> memref<32x1024xi32, #tpu.memory_space<hbm>>
    %dma_wait3A_104 = arith.constant 0 : i32
    %dma_wait3A_105 = tpu.memref_slice %arg5[%add3A_70, %dma_wait3A_104] : memref<4096x1024xi32, #tpu.memory_space<hbm>> -> memref<32x1024xi32, #tpu.memory_space<hbm>>
    tpu.wait_dma2 semaphore(%arg12 : memref<!tpu.dma_semaphore, #tpu.memory_space<semaphore_mem>>) src(%arg9 : memref<32x1024xi32, #tpu.memory_space<vmem>>) dst(%dma_wait3A_105 : memref<32x1024xi32, #tpu.memory_space<hbm>>)
    %dma_start3A_106 = tpu.memref_slice %arg7[%add3A_101] : memref<1024xi32, #tpu.memory_space<vmem>> -> memref<32xi32, #tpu.memory_space<vmem>>
    %dma_start3A_107 = arith.constant 0 : i32
    %dma_start3A_108 = arith.constant 0 : i32
    %dma_start3A_109 = tpu.memref_slice %arg2[%dma_start3A_107, %dma_start3A_108] : memref<8192x1024xi32, #tpu.memory_space<hbm>> -> memref<8192x1024xi32, #tpu.memory_space<hbm>>
    tpu.enqueue_indirect_dma source(%dma_start3A_109 : memref<8192x1024xi32, #tpu.memory_space<hbm>>) target(%arg9 : memref<32x1024xi32, #tpu.memory_space<vmem>>) offsets(%dma_start3A_106 : memref<32xi32, #tpu.memory_space<vmem>>) semaphore(%arg10 : memref<!tpu.dma_semaphore, #tpu.memory_space<semaphore_mem>>)
    %dma_wait3A_110 = tpu.memref_slice %arg7[%add3A_101] : memref<1024xi32, #tpu.memory_space<vmem>> -> memref<32xi32, #tpu.memory_space<vmem>>
    %dma_wait3A_111 = arith.constant 0 : i32
    %dma_wait3A_112 = arith.constant 0 : i32
    %dma_wait3A_113 = tpu.memref_slice %arg2[%dma_wait3A_111, %dma_wait3A_112] : memref<8192x1024xi32, #tpu.memory_space<hbm>> -> memref<8192x1024xi32, #tpu.memory_space<hbm>>
    tpu.wait_indirect_dma semaphore(%arg10 : memref<!tpu.dma_semaphore, #tpu.memory_space<semaphore_mem>>) src(%dma_wait3A_113 : memref<8192x1024xi32, #tpu.memory_space<hbm>>) dst(%arg9 : memref<32x1024xi32, #tpu.memory_space<vmem>>)
    %mul3A_114 = arith.constant 1024 : i32
    %mul3A_115 = arith.muli %select_n3A, %mul3A_114 : i32
    %add3A_116 = arith.addi %mul3A_115, %add3A_101 : i32
    %dma_start3A_117 = arith.constant 0 : i32
    %dma_start3A_118 = tpu.memref_slice %arg5[%add3A_116, %dma_start3A_117] : memref<4096x1024xi32, #tpu.memory_space<hbm>> -> memref<32x1024xi32, #tpu.memory_space<hbm>>
    %dma_start3A_119 = arith.constant 0 : i32
    %dma_start3A_120 = tpu.memref_slice %arg5[%add3A_116, %dma_start3A_119] : memref<4096x1024xi32, #tpu.memory_space<hbm>> -> memref<32x1024xi32, #tpu.memory_space<hbm>>
    tpu.enqueue_dma source(%arg9 : memref<32x1024xi32, #tpu.memory_space<vmem>>) target(%dma_start3A_120 : memref<32x1024xi32, #tpu.memory_space<hbm>>) target_semaphore(%arg12 : memref<!tpu.dma_semaphore, #tpu.memory_space<semaphore_mem>>)
    %mul3A_121 = arith.constant 128 : i32
    %mul3A_122 = arith.muli %select_n3A_30, %mul3A_121 : i32
    %add3A_123 = arith.constant 0 : i32
    %add3A_124 = arith.addi %mul3A_122, %add3A_123 : i32
    %dma_wait3A_125 = arith.constant 0 : i32
    %dma_wait3A_126 = tpu.memref_slice %arg5[%add3A_93, %dma_wait3A_125] : memref<4096x1024xi32, #tpu.memory_space<hbm>> -> memref<32x1024xi32, #tpu.memory_space<hbm>>
    %dma_wait3A_127 = arith.constant 0 : i32
    %dma_wait3A_128 = tpu.memref_slice %arg5[%add3A_93, %dma_wait3A_127] : memref<4096x1024xi32, #tpu.memory_space<hbm>> -> memref<32x1024xi32, #tpu.memory_space<hbm>>
    tpu.wait_dma2 semaphore(%arg11 : memref<!tpu.dma_semaphore, #tpu.memory_space<semaphore_mem>>) src(%arg8 : memref<32x1024xi32, #tpu.memory_space<vmem>>) dst(%dma_wait3A_128 : memref<32x1024xi32, #tpu.memory_space<hbm>>)
    %dma_start3A_129 = tpu.memref_slice %arg7[%add3A_124] : memref<1024xi32, #tpu.memory_space<vmem>> -> memref<32xi32, #tpu.memory_space<vmem>>
    %dma_start3A_130 = arith.constant 0 : i32
    %dma_start3A_131 = arith.constant 0 : i32
    %dma_start3A_132 = tpu.memref_slice %arg3[%dma_start3A_130, %dma_start3A_131] : memref<8192x1024xi32, #tpu.memory_space<hbm>> -> memref<8192x1024xi32, #tpu.memory_space<hbm>>
    tpu.enqueue_indirect_dma source(%dma_start3A_132 : memref<8192x1024xi32, #tpu.memory_space<hbm>>) target(%arg8 : memref<32x1024xi32, #tpu.memory_space<vmem>>) offsets(%dma_start3A_129 : memref<32xi32, #tpu.memory_space<vmem>>) semaphore(%arg10 : memref<!tpu.dma_semaphore, #tpu.memory_space<semaphore_mem>>)
    %dma_wait3A_133 = tpu.memref_slice %arg7[%add3A_124] : memref<1024xi32, #tpu.memory_space<vmem>> -> memref<32xi32, #tpu.memory_space<vmem>>
    %dma_wait3A_134 = arith.constant 0 : i32
    %dma_wait3A_135 = arith.constant 0 : i32
    %dma_wait3A_136 = tpu.memref_slice %arg3[%dma_wait3A_134, %dma_wait3A_135] : memref<8192x1024xi32, #tpu.memory_space<hbm>> -> memref<8192x1024xi32, #tpu.memory_space<hbm>>
    tpu.wait_indirect_dma semaphore(%arg10 : memref<!tpu.dma_semaphore, #tpu.memory_space<semaphore_mem>>) src(%dma_wait3A_136 : memref<8192x1024xi32, #tpu.memory_space<hbm>>) dst(%arg8 : memref<32x1024xi32, #tpu.memory_space<vmem>>)
    %mul3A_137 = arith.constant 1024 : i32
    %mul3A_138 = arith.muli %select_n3A, %mul3A_137 : i32
    %add3A_139 = arith.addi %mul3A_138, %add3A_124 : i32
    %dma_start3A_140 = arith.constant 0 : i32
    %dma_start3A_141 = tpu.memref_slice %arg6[%add3A_139, %dma_start3A_140] : memref<4096x1024xi32, #tpu.memory_space<hbm>> -> memref<32x1024xi32, #tpu.memory_space<hbm>>
    %dma_start3A_142 = arith.constant 0 : i32
    %dma_start3A_143 = tpu.memref_slice %arg6[%add3A_139, %dma_start3A_142] : memref<4096x1024xi32, #tpu.memory_space<hbm>> -> memref<32x1024xi32, #tpu.memory_space<hbm>>
    tpu.enqueue_dma source(%arg8 : memref<32x1024xi32, #tpu.memory_space<vmem>>) target(%dma_start3A_143 : memref<32x1024xi32, #tpu.memory_space<hbm>>) target_semaphore(%arg11 : memref<!tpu.dma_semaphore, #tpu.memory_space<semaphore_mem>>)
    %mul3A_144 = arith.constant 128 : i32
    %mul3A_145 = arith.muli %select_n3A_30, %mul3A_144 : i32
    %add3A_146 = arith.constant 32 : i32
    %add3A_147 = arith.addi %mul3A_145, %add3A_146 : i32
    %dma_wait3A_148 = arith.constant 0 : i32
    %dma_wait3A_149 = tpu.memref_slice %arg5[%add3A_116, %dma_wait3A_148] : memref<4096x1024xi32, #tpu.memory_space<hbm>> -> memref<32x1024xi32, #tpu.memory_space<hbm>>
    %dma_wait3A_150 = arith.constant 0 : i32
    %dma_wait3A_151 = tpu.memref_slice %arg5[%add3A_116, %dma_wait3A_150] : memref<4096x1024xi32, #tpu.memory_space<hbm>> -> memref<32x1024xi32, #tpu.memory_space<hbm>>
    tpu.wait_dma2 semaphore(%arg12 : memref<!tpu.dma_semaphore, #tpu.memory_space<semaphore_mem>>) src(%arg9 : memref<32x1024xi32, #tpu.memory_space<vmem>>) dst(%dma_wait3A_151 : memref<32x1024xi32, #tpu.memory_space<hbm>>)
    %dma_start3A_152 = tpu.memref_slice %arg7[%add3A_147] : memref<1024xi32, #tpu.memory_space<vmem>> -> memref<32xi32, #tpu.memory_space<vmem>>
    %dma_start3A_153 = arith.constant 0 : i32
    %dma_start3A_154 = arith.constant 0 : i32
    %dma_start3A_155 = tpu.memref_slice %arg3[%dma_start3A_153, %dma_start3A_154] : memref<8192x1024xi32, #tpu.memory_space<hbm>> -> memref<8192x1024xi32, #tpu.memory_space<hbm>>
    tpu.enqueue_indirect_dma source(%dma_start3A_155 : memref<8192x1024xi32, #tpu.memory_space<hbm>>) target(%arg9 : memref<32x1024xi32, #tpu.memory_space<vmem>>) offsets(%dma_start3A_152 : memref<32xi32, #tpu.memory_space<vmem>>) semaphore(%arg10 : memref<!tpu.dma_semaphore, #tpu.memory_space<semaphore_mem>>)
    %dma_wait3A_156 = tpu.memref_slice %arg7[%add3A_147] : memref<1024xi32, #tpu.memory_space<vmem>> -> memref<32xi32, #tpu.memory_space<vmem>>
    %dma_wait3A_157 = arith.constant 0 : i32
    %dma_wait3A_158 = arith.constant 0 : i32
    %dma_wait3A_159 = tpu.memref_slice %arg3[%dma_wait3A_157, %dma_wait3A_158] : memref<8192x1024xi32, #tpu.memory_space<hbm>> -> memref<8192x1024xi32, #tpu.memory_space<hbm>>
    tpu.wait_indirect_dma semaphore(%arg10 : memref<!tpu.dma_semaphore, #tpu.memory_space<semaphore_mem>>) src(%dma_wait3A_159 : memref<8192x1024xi32, #tpu.memory_space<hbm>>) dst(%arg9 : memref<32x1024xi32, #tpu.memory_space<vmem>>)
    %mul3A_160 = arith.constant 1024 : i32
    %mul3A_161 = arith.muli %select_n3A, %mul3A_160 : i32
    %add3A_162 = arith.addi %mul3A_161, %add3A_147 : i32
    %dma_start3A_163 = arith.constant 0 : i32
    %dma_start3A_164 = tpu.memref_slice %arg6[%add3A_162, %dma_start3A_163] : memref<4096x1024xi32, #tpu.memory_space<hbm>> -> memref<32x1024xi32, #tpu.memory_space<hbm>>
    %dma_start3A_165 = arith.constant 0 : i32
    %dma_start3A_166 = tpu.memref_slice %arg6[%add3A_162, %dma_start3A_165] : memref<4096x1024xi32, #tpu.memory_space<hbm>> -> memref<32x1024xi32, #tpu.memory_space<hbm>>
    tpu.enqueue_dma source(%arg9 : memref<32x1024xi32, #tpu.memory_space<vmem>>) target(%dma_start3A_166 : memref<32x1024xi32, #tpu.memory_space<hbm>>) target_semaphore(%arg12 : memref<!tpu.dma_semaphore, #tpu.memory_space<semaphore_mem>>)
    %mul3A_167 = arith.constant 128 : i32
    %mul3A_168 = arith.muli %select_n3A_30, %mul3A_167 : i32
    %add3A_169 = arith.constant 64 : i32
    %add3A_170 = arith.addi %mul3A_168, %add3A_169 : i32
    %dma_wait3A_171 = arith.constant 0 : i32
    %dma_wait3A_172 = tpu.memref_slice %arg6[%add3A_139, %dma_wait3A_171] : memref<4096x1024xi32, #tpu.memory_space<hbm>> -> memref<32x1024xi32, #tpu.memory_space<hbm>>
    %dma_wait3A_173 = arith.constant 0 : i32
    %dma_wait3A_174 = tpu.memref_slice %arg6[%add3A_139, %dma_wait3A_173] : memref<4096x1024xi32, #tpu.memory_space<hbm>> -> memref<32x1024xi32, #tpu.memory_space<hbm>>
    tpu.wait_dma2 semaphore(%arg11 : memref<!tpu.dma_semaphore, #tpu.memory_space<semaphore_mem>>) src(%arg8 : memref<32x1024xi32, #tpu.memory_space<vmem>>) dst(%dma_wait3A_174 : memref<32x1024xi32, #tpu.memory_space<hbm>>)
    %dma_start3A_175 = tpu.memref_slice %arg7[%add3A_170] : memref<1024xi32, #tpu.memory_space<vmem>> -> memref<32xi32, #tpu.memory_space<vmem>>
    %dma_start3A_176 = arith.constant 0 : i32
    %dma_start3A_177 = arith.constant 0 : i32
    %dma_start3A_178 = tpu.memref_slice %arg3[%dma_start3A_176, %dma_start3A_177] : memref<8192x1024xi32, #tpu.memory_space<hbm>> -> memref<8192x1024xi32, #tpu.memory_space<hbm>>
    tpu.enqueue_indirect_dma source(%dma_start3A_178 : memref<8192x1024xi32, #tpu.memory_space<hbm>>) target(%arg8 : memref<32x1024xi32, #tpu.memory_space<vmem>>) offsets(%dma_start3A_175 : memref<32xi32, #tpu.memory_space<vmem>>) semaphore(%arg10 : memref<!tpu.dma_semaphore, #tpu.memory_space<semaphore_mem>>)
    %dma_wait3A_179 = tpu.memref_slice %arg7[%add3A_170] : memref<1024xi32, #tpu.memory_space<vmem>> -> memref<32xi32, #tpu.memory_space<vmem>>
    %dma_wait3A_180 = arith.constant 0 : i32
    %dma_wait3A_181 = arith.constant 0 : i32
    %dma_wait3A_182 = tpu.memref_slice %arg3[%dma_wait3A_180, %dma_wait3A_181] : memref<8192x1024xi32, #tpu.memory_space<hbm>> -> memref<8192x1024xi32, #tpu.memory_space<hbm>>
    tpu.wait_indirect_dma semaphore(%arg10 : memref<!tpu.dma_semaphore, #tpu.memory_space<semaphore_mem>>) src(%dma_wait3A_182 : memref<8192x1024xi32, #tpu.memory_space<hbm>>) dst(%arg8 : memref<32x1024xi32, #tpu.memory_space<vmem>>)
    %mul3A_183 = arith.constant 1024 : i32
    %mul3A_184 = arith.muli %select_n3A, %mul3A_183 : i32
    %add3A_185 = arith.addi %mul3A_184, %add3A_170 : i32
    %dma_start3A_186 = arith.constant 0 : i32
    %dma_start3A_187 = tpu.memref_slice %arg6[%add3A_185, %dma_start3A_186] : memref<4096x1024xi32, #tpu.memory_space<hbm>> -> memref<32x1024xi32, #tpu.memory_space<hbm>>
    %dma_start3A_188 = arith.constant 0 : i32
    %dma_start3A_189 = tpu.memref_slice %arg6[%add3A_185, %dma_start3A_188] : memref<4096x1024xi32, #tpu.memory_space<hbm>> -> memref<32x1024xi32, #tpu.memory_space<hbm>>
    tpu.enqueue_dma source(%arg8 : memref<32x1024xi32, #tpu.memory_space<vmem>>) target(%dma_start3A_189 : memref<32x1024xi32, #tpu.memory_space<hbm>>) target_semaphore(%arg11 : memref<!tpu.dma_semaphore, #tpu.memory_space<semaphore_mem>>)
    %mul3A_190 = arith.constant 128 : i32
    %mul3A_191 = arith.muli %select_n3A_30, %mul3A_190 : i32
    %add3A_192 = arith.constant 96 : i32
    %add3A_193 = arith.addi %mul3A_191, %add3A_192 : i32
    %dma_wait3A_194 = arith.constant 0 : i32
    %dma_wait3A_195 = tpu.memref_slice %arg6[%add3A_162, %dma_wait3A_194] : memref<4096x1024xi32, #tpu.memory_space<hbm>> -> memref<32x1024xi32, #tpu.memory_space<hbm>>
    %dma_wait3A_196 = arith.constant 0 : i32
    %dma_wait3A_197 = tpu.memref_slice %arg6[%add3A_162, %dma_wait3A_196] : memref<4096x1024xi32, #tpu.memory_space<hbm>> -> memref<32x1024xi32, #tpu.memory_space<hbm>>
    tpu.wait_dma2 semaphore(%arg12 : memref<!tpu.dma_semaphore, #tpu.memory_space<semaphore_mem>>) src(%arg9 : memref<32x1024xi32, #tpu.memory_space<vmem>>) dst(%dma_wait3A_197 : memref<32x1024xi32, #tpu.memory_space<hbm>>)
    %dma_start3A_198 = tpu.memref_slice %arg7[%add3A_193] : memref<1024xi32, #tpu.memory_space<vmem>> -> memref<32xi32, #tpu.memory_space<vmem>>
    %dma_start3A_199 = arith.constant 0 : i32
    %dma_start3A_200 = arith.constant 0 : i32
    %dma_start3A_201 = tpu.memref_slice %arg3[%dma_start3A_199, %dma_start3A_200] : memref<8192x1024xi32, #tpu.memory_space<hbm>> -> memref<8192x1024xi32, #tpu.memory_space<hbm>>
    tpu.enqueue_indirect_dma source(%dma_start3A_201 : memref<8192x1024xi32, #tpu.memory_space<hbm>>) target(%arg9 : memref<32x1024xi32, #tpu.memory_space<vmem>>) offsets(%dma_start3A_198 : memref<32xi32, #tpu.memory_space<vmem>>) semaphore(%arg10 : memref<!tpu.dma_semaphore, #tpu.memory_space<semaphore_mem>>)
    %dma_wait3A_202 = tpu.memref_slice %arg7[%add3A_193] : memref<1024xi32, #tpu.memory_space<vmem>> -> memref<32xi32, #tpu.memory_space<vmem>>
    %dma_wait3A_203 = arith.constant 0 : i32
    %dma_wait3A_204 = arith.constant 0 : i32
    %dma_wait3A_205 = tpu.memref_slice %arg3[%dma_wait3A_203, %dma_wait3A_204] : memref<8192x1024xi32, #tpu.memory_space<hbm>> -> memref<8192x1024xi32, #tpu.memory_space<hbm>>
    tpu.wait_indirect_dma semaphore(%arg10 : memref<!tpu.dma_semaphore, #tpu.memory_space<semaphore_mem>>) src(%dma_wait3A_205 : memref<8192x1024xi32, #tpu.memory_space<hbm>>) dst(%arg9 : memref<32x1024xi32, #tpu.memory_space<vmem>>)
    %mul3A_206 = arith.constant 1024 : i32
    %mul3A_207 = arith.muli %select_n3A, %mul3A_206 : i32
    %add3A_208 = arith.addi %mul3A_207, %add3A_193 : i32
    %dma_start3A_209 = arith.constant 0 : i32
    %dma_start3A_210 = tpu.memref_slice %arg6[%add3A_208, %dma_start3A_209] : memref<4096x1024xi32, #tpu.memory_space<hbm>> -> memref<32x1024xi32, #tpu.memory_space<hbm>>
    %dma_start3A_211 = arith.constant 0 : i32
    %dma_start3A_212 = tpu.memref_slice %arg6[%add3A_208, %dma_start3A_211] : memref<4096x1024xi32, #tpu.memory_space<hbm>> -> memref<32x1024xi32, #tpu.memory_space<hbm>>
    tpu.enqueue_dma source(%arg9 : memref<32x1024xi32, #tpu.memory_space<vmem>>) target(%dma_start3A_212 : memref<32x1024xi32, #tpu.memory_space<hbm>>) target_semaphore(%arg12 : memref<!tpu.dma_semaphore, #tpu.memory_space<semaphore_mem>>)
    %dma_wait3A_213 = arith.constant 0 : i32
    %dma_wait3A_214 = tpu.memref_slice %arg6[%add3A_185, %dma_wait3A_213] : memref<4096x1024xi32, #tpu.memory_space<hbm>> -> memref<32x1024xi32, #tpu.memory_space<hbm>>
    %dma_wait3A_215 = arith.constant 0 : i32
    %dma_wait3A_216 = tpu.memref_slice %arg6[%add3A_185, %dma_wait3A_215] : memref<4096x1024xi32, #tpu.memory_space<hbm>> -> memref<32x1024xi32, #tpu.memory_space<hbm>>
    tpu.wait_dma2 semaphore(%arg11 : memref<!tpu.dma_semaphore, #tpu.memory_space<semaphore_mem>>) src(%arg8 : memref<32x1024xi32, #tpu.memory_space<vmem>>) dst(%dma_wait3A_216 : memref<32x1024xi32, #tpu.memory_space<hbm>>)
    %dma_wait3A_217 = arith.constant 0 : i32
    %dma_wait3A_218 = tpu.memref_slice %arg6[%add3A_208, %dma_wait3A_217] : memref<4096x1024xi32, #tpu.memory_space<hbm>> -> memref<32x1024xi32, #tpu.memory_space<hbm>>
    %dma_wait3A_219 = arith.constant 0 : i32
    %dma_wait3A_220 = tpu.memref_slice %arg6[%add3A_208, %dma_wait3A_219] : memref<4096x1024xi32, #tpu.memory_space<hbm>> -> memref<32x1024xi32, #tpu.memory_space<hbm>>
    tpu.wait_dma2 semaphore(%arg12 : memref<!tpu.dma_semaphore, #tpu.memory_space<semaphore_mem>>) src(%arg9 : memref<32x1024xi32, #tpu.memory_space<vmem>>) dst(%dma_wait3A_220 : memref<32x1024xi32, #tpu.memory_space<hbm>>)
    return
  }
}

module attributes {stable_mosaic.version = 14 : i64} {
  func.func @_topk_body(%arg0: i32, %arg1: memref<1x1x2048xf32, #tpu.memory_space<vmem>>, %arg2: memref<1x2048x1xf32, #tpu.memory_space<vmem>>, %arg3: memref<1x1x1024xi32, #tpu.memory_space<vmem>>, %arg4: memref<1x1x1024xf32, #tpu.memory_space<vmem>>) attributes {dimension_semantics = [#tpu.dimension_semantics<arbitrary>], iteration_bounds = array<i64: 4>, scalar_prefetch = 0 : i64, scratch_operands = 0 : i64, tpu.core_type = #tpu.core_type<tc>, window_params = [{transform_indices = @transform_0, window_bounds = array<i64: 1, 1, 2048>}, {transform_indices = @transform_1, window_bounds = array<i64: 1, 2048, 1>}, {transform_indices = @transform_2, window_bounds = array<i64: 1, 1, 1024>}, {transform_indices = @transform_3, window_bounds = array<i64: 1, 1, 1024>}]} {
    %get3A = arith.constant 0 : index
    %get3A_0 = arith.constant 0 : index
    %get3A_1 = arith.constant 0 : index
    %get3A_2 = vector.load %arg2[%get3A, %get3A_0, %get3A_1] : memref<1x2048x1xf32, #tpu.memory_space<vmem>>, vector<1x2048x1xf32>
    %get3A_3 = vector.shape_cast %get3A_2 : vector<1x2048x1xf32> to vector<2048x1xf32>
    %broadcast_in_dim3A = arith.constant 0.000000e+00 : f32
    %broadcast_in_dim3A_4 = vector.broadcast %broadcast_in_dim3A : f32 to vector<2048x1xf32>
    %get3A_5 = arith.constant 0 : index
    %get3A_6 = arith.constant 0 : index
    %get3A_7 = arith.constant 0 : index
    %get3A_8 = vector.load %arg1[%get3A_5, %get3A_6, %get3A_7] : memref<1x1x2048xf32, #tpu.memory_space<vmem>>, vector<1x1x512xf32>
    %get3A_9 = vector.shape_cast %get3A_8 : vector<1x1x512xf32> to vector<1x512xf32>
    %gt3A = vector.broadcast %get3A_9 : vector<1x512xf32> to vector<2048x512xf32>
    %gt3A_10 = vector.broadcast %get3A_3 : vector<2048x1xf32> to vector<2048x512xf32>
    %gt3A_11 = arith.cmpf ogt, %gt3A, %gt3A_10 : vector<2048x512xf32>
    %eq3A = vector.broadcast %get3A_9 : vector<1x512xf32> to vector<2048x512xf32>
    %eq3A_12 = vector.broadcast %get3A_3 : vector<2048x1xf32> to vector<2048x512xf32>
    %eq3A_13 = arith.cmpf oeq, %eq3A, %eq3A_12 : vector<2048x512xf32>
    %iota3A = tpu.iota {dimensions = array<i32: 1>} : vector<2048x512xi32>
    %add3A = arith.constant 0 : i32
    %add3A_14 = vector.broadcast %add3A : i32 to vector<2048x512xi32>
    %add3A_15 = arith.addi %iota3A, %add3A_14 : vector<2048x512xi32>
    %iota3A_16 = tpu.iota {dimensions = array<i32: 0>} : vector<2048x512xi32>
    %lt3A = arith.cmpi slt, %add3A_15, %iota3A_16 : vector<2048x512xi32>
    %and3A = arith.andi %eq3A_13, %lt3A : vector<2048x512xi1>
    %or3A = arith.ori %gt3A_11, %and3A : vector<2048x512xi1>
    %jit3A = arith.constant 1.000000e+00 : f32
    %jit3A_17 = arith.constant 0.000000e+00 : f32
    %broadcast_in_dim3A_18 = vector.broadcast %jit3A : f32 to vector<2048x512xf32>
    %broadcast_in_dim3A_19 = vector.broadcast %jit3A_17 : f32 to vector<2048x512xf32>
    %select_n3A = arith.select %or3A, %broadcast_in_dim3A_18, %broadcast_in_dim3A_19 : vector<2048x512xi1>, vector<2048x512xf32>
    %reduce_sum3A = arith.constant dense<0.000000e+00> : vector<2048xf32>
    %reduce_sum3A_20 = vector.multi_reduction <add>, %select_n3A, %reduce_sum3A [1] : vector<2048x512xf32> to vector<2048xf32>
    %broadcast_in_dim3A_21 = vector.shape_cast %reduce_sum3A_20 : vector<2048xf32> to vector<2048x1xf32>
    %add3A_22 = arith.addf %broadcast_in_dim3A_4, %broadcast_in_dim3A_21 : vector<2048x1xf32>
    %get3A_23 = arith.constant 0 : index
    %get3A_24 = arith.constant 0 : index
    %get3A_25 = arith.constant 512 : index
    %get3A_26 = vector.load %arg1[%get3A_23, %get3A_24, %get3A_25] : memref<1x1x2048xf32, #tpu.memory_space<vmem>>, vector<1x1x512xf32>
    %get3A_27 = vector.shape_cast %get3A_26 : vector<1x1x512xf32> to vector<1x512xf32>
    %gt3A_28 = vector.broadcast %get3A_27 : vector<1x512xf32> to vector<2048x512xf32>
    %gt3A_29 = vector.broadcast %get3A_3 : vector<2048x1xf32> to vector<2048x512xf32>
    %gt3A_30 = arith.cmpf ogt, %gt3A_28, %gt3A_29 : vector<2048x512xf32>
    %eq3A_31 = vector.broadcast %get3A_27 : vector<1x512xf32> to vector<2048x512xf32>
    %eq3A_32 = vector.broadcast %get3A_3 : vector<2048x1xf32> to vector<2048x512xf32>
    %eq3A_33 = arith.cmpf oeq, %eq3A_31, %eq3A_32 : vector<2048x512xf32>
    %iota3A_34 = tpu.iota {dimensions = array<i32: 1>} : vector<2048x512xi32>
    %add3A_35 = arith.constant 512 : i32
    %add3A_36 = vector.broadcast %add3A_35 : i32 to vector<2048x512xi32>
    %add3A_37 = arith.addi %iota3A_34, %add3A_36 : vector<2048x512xi32>
    %iota3A_38 = tpu.iota {dimensions = array<i32: 0>} : vector<2048x512xi32>
    %lt3A_39 = arith.cmpi slt, %add3A_37, %iota3A_38 : vector<2048x512xi32>
    %and3A_40 = arith.andi %eq3A_33, %lt3A_39 : vector<2048x512xi1>
    %or3A_41 = arith.ori %gt3A_30, %and3A_40 : vector<2048x512xi1>
    %jit3A_42 = arith.constant 1.000000e+00 : f32
    %jit3A_43 = arith.constant 0.000000e+00 : f32
    %broadcast_in_dim3A_44 = vector.broadcast %jit3A_42 : f32 to vector<2048x512xf32>
    %broadcast_in_dim3A_45 = vector.broadcast %jit3A_43 : f32 to vector<2048x512xf32>
    %select_n3A_46 = arith.select %or3A_41, %broadcast_in_dim3A_44, %broadcast_in_dim3A_45 : vector<2048x512xi1>, vector<2048x512xf32>
    %reduce_sum3A_47 = arith.constant dense<0.000000e+00> : vector<2048xf32>
    %reduce_sum3A_48 = vector.multi_reduction <add>, %select_n3A_46, %reduce_sum3A_47 [1] : vector<2048x512xf32> to vector<2048xf32>
    %broadcast_in_dim3A_49 = vector.shape_cast %reduce_sum3A_48 : vector<2048xf32> to vector<2048x1xf32>
    %add3A_50 = arith.addf %add3A_22, %broadcast_in_dim3A_49 : vector<2048x1xf32>
    %get3A_51 = arith.constant 0 : index
    %get3A_52 = arith.constant 0 : index
    %get3A_53 = arith.constant 1024 : index
    %get3A_54 = vector.load %arg1[%get3A_51, %get3A_52, %get3A_53] : memref<1x1x2048xf32, #tpu.memory_space<vmem>>, vector<1x1x512xf32>
    %get3A_55 = vector.shape_cast %get3A_54 : vector<1x1x512xf32> to vector<1x512xf32>
    %gt3A_56 = vector.broadcast %get3A_55 : vector<1x512xf32> to vector<2048x512xf32>
    %gt3A_57 = vector.broadcast %get3A_3 : vector<2048x1xf32> to vector<2048x512xf32>
    %gt3A_58 = arith.cmpf ogt, %gt3A_56, %gt3A_57 : vector<2048x512xf32>
    %eq3A_59 = vector.broadcast %get3A_55 : vector<1x512xf32> to vector<2048x512xf32>
    %eq3A_60 = vector.broadcast %get3A_3 : vector<2048x1xf32> to vector<2048x512xf32>
    %eq3A_61 = arith.cmpf oeq, %eq3A_59, %eq3A_60 : vector<2048x512xf32>
    %iota3A_62 = tpu.iota {dimensions = array<i32: 1>} : vector<2048x512xi32>
    %add3A_63 = arith.constant 1024 : i32
    %add3A_64 = vector.broadcast %add3A_63 : i32 to vector<2048x512xi32>
    %add3A_65 = arith.addi %iota3A_62, %add3A_64 : vector<2048x512xi32>
    %iota3A_66 = tpu.iota {dimensions = array<i32: 0>} : vector<2048x512xi32>
    %lt3A_67 = arith.cmpi slt, %add3A_65, %iota3A_66 : vector<2048x512xi32>
    %and3A_68 = arith.andi %eq3A_61, %lt3A_67 : vector<2048x512xi1>
    %or3A_69 = arith.ori %gt3A_58, %and3A_68 : vector<2048x512xi1>
    %jit3A_70 = arith.constant 1.000000e+00 : f32
    %jit3A_71 = arith.constant 0.000000e+00 : f32
    %broadcast_in_dim3A_72 = vector.broadcast %jit3A_70 : f32 to vector<2048x512xf32>
    %broadcast_in_dim3A_73 = vector.broadcast %jit3A_71 : f32 to vector<2048x512xf32>
    %select_n3A_74 = arith.select %or3A_69, %broadcast_in_dim3A_72, %broadcast_in_dim3A_73 : vector<2048x512xi1>, vector<2048x512xf32>
    %reduce_sum3A_75 = arith.constant dense<0.000000e+00> : vector<2048xf32>
    %reduce_sum3A_76 = vector.multi_reduction <add>, %select_n3A_74, %reduce_sum3A_75 [1] : vector<2048x512xf32> to vector<2048xf32>
    %broadcast_in_dim3A_77 = vector.shape_cast %reduce_sum3A_76 : vector<2048xf32> to vector<2048x1xf32>
    %add3A_78 = arith.addf %add3A_50, %broadcast_in_dim3A_77 : vector<2048x1xf32>
    %get3A_79 = arith.constant 0 : index
    %get3A_80 = arith.constant 0 : index
    %get3A_81 = arith.constant 1536 : index
    %get3A_82 = vector.load %arg1[%get3A_79, %get3A_80, %get3A_81] : memref<1x1x2048xf32, #tpu.memory_space<vmem>>, vector<1x1x512xf32>
    %get3A_83 = vector.shape_cast %get3A_82 : vector<1x1x512xf32> to vector<1x512xf32>
    %gt3A_84 = vector.broadcast %get3A_83 : vector<1x512xf32> to vector<2048x512xf32>
    %gt3A_85 = vector.broadcast %get3A_3 : vector<2048x1xf32> to vector<2048x512xf32>
    %gt3A_86 = arith.cmpf ogt, %gt3A_84, %gt3A_85 : vector<2048x512xf32>
    %eq3A_87 = vector.broadcast %get3A_83 : vector<1x512xf32> to vector<2048x512xf32>
    %eq3A_88 = vector.broadcast %get3A_3 : vector<2048x1xf32> to vector<2048x512xf32>
    %eq3A_89 = arith.cmpf oeq, %eq3A_87, %eq3A_88 : vector<2048x512xf32>
    %iota3A_90 = tpu.iota {dimensions = array<i32: 1>} : vector<2048x512xi32>
    %add3A_91 = arith.constant 1536 : i32
    %add3A_92 = vector.broadcast %add3A_91 : i32 to vector<2048x512xi32>
    %add3A_93 = arith.addi %iota3A_90, %add3A_92 : vector<2048x512xi32>
    %iota3A_94 = tpu.iota {dimensions = array<i32: 0>} : vector<2048x512xi32>
    %lt3A_95 = arith.cmpi slt, %add3A_93, %iota3A_94 : vector<2048x512xi32>
    %and3A_96 = arith.andi %eq3A_89, %lt3A_95 : vector<2048x512xi1>
    %or3A_97 = arith.ori %gt3A_86, %and3A_96 : vector<2048x512xi1>
    %jit3A_98 = arith.constant 1.000000e+00 : f32
    %jit3A_99 = arith.constant 0.000000e+00 : f32
    %broadcast_in_dim3A_100 = vector.broadcast %jit3A_98 : f32 to vector<2048x512xf32>
    %broadcast_in_dim3A_101 = vector.broadcast %jit3A_99 : f32 to vector<2048x512xf32>
    %select_n3A_102 = arith.select %or3A_97, %broadcast_in_dim3A_100, %broadcast_in_dim3A_101 : vector<2048x512xi1>, vector<2048x512xf32>
    %reduce_sum3A_103 = arith.constant dense<0.000000e+00> : vector<2048xf32>
    %reduce_sum3A_104 = vector.multi_reduction <add>, %select_n3A_102, %reduce_sum3A_103 [1] : vector<2048x512xf32> to vector<2048xf32>
    %broadcast_in_dim3A_105 = vector.shape_cast %reduce_sum3A_104 : vector<2048xf32> to vector<2048x1xf32>
    %add3A_106 = arith.addf %add3A_78, %broadcast_in_dim3A_105 : vector<2048x1xf32>
    %iota3A_107 = tpu.iota {dimensions = array<i32: 0>} : vector<2048x1xi32>
    %convert_element_type3A = arith.sitofp %iota3A_107 : vector<2048x1xi32> to vector<2048x1xf32>
    %iota3A_108 = tpu.iota {dimensions = array<i32: 1>} : vector<2048x512xi32>
    %add3A_109 = arith.constant 0 : i32
    %add3A_110 = vector.broadcast %add3A_109 : i32 to vector<2048x512xi32>
    %add3A_111 = arith.addi %iota3A_108, %add3A_110 : vector<2048x512xi32>
    %convert_element_type3A_112 = arith.sitofp %add3A_111 : vector<2048x512xi32> to vector<2048x512xf32>
    %eq3A_113 = vector.broadcast %add3A_106 : vector<2048x1xf32> to vector<2048x512xf32>
    %eq3A_114 = arith.cmpf oeq, %eq3A_113, %convert_element_type3A_112 : vector<2048x512xf32>
    %jit3A_115 = arith.constant 1.000000e+00 : f32
    %jit3A_116 = arith.constant 0.000000e+00 : f32
    %broadcast_in_dim3A_117 = vector.broadcast %jit3A_115 : f32 to vector<2048x512xf32>
    %broadcast_in_dim3A_118 = vector.broadcast %jit3A_116 : f32 to vector<2048x512xf32>
    %select_n3A_119 = arith.select %eq3A_114, %broadcast_in_dim3A_117, %broadcast_in_dim3A_118 : vector<2048x512xi1>, vector<2048x512xf32>
    %mul3A = vector.broadcast %get3A_3 : vector<2048x1xf32> to vector<2048x512xf32>
    %mul3A_120 = arith.mulf %select_n3A_119, %mul3A : vector<2048x512xf32>
    %reduce_sum3A_121 = arith.constant dense<0.000000e+00> : vector<512xf32>
    %reduce_sum3A_122 = vector.multi_reduction <add>, %mul3A_120, %reduce_sum3A_121 [0] : vector<2048x512xf32> to vector<512xf32>
    %broadcast_in_dim3A_123 = vector.shape_cast %reduce_sum3A_122 : vector<512xf32> to vector<1x512xf32>
    %swap3A = arith.constant 0 : index
    %swap3A_124 = arith.constant 0 : index
    %swap3A_125 = arith.constant 0 : index
    %swap3A_126 = vector.load %arg4[%swap3A, %swap3A_124, %swap3A_125] : memref<1x1x1024xf32, #tpu.memory_space<vmem>>, vector<1x1x512xf32>
    %swap3A_127 = vector.shape_cast %swap3A_126 : vector<1x1x512xf32> to vector<1x512xf32>
    %swap3A_128 = vector.shape_cast %broadcast_in_dim3A_123 : vector<1x512xf32> to vector<1x1x512xf32>
    tpu.vector_store %arg4[%swap3A, %swap3A_124, %swap3A_125], %swap3A_128 {strides = array<i32>} : memref<1x1x1024xf32, #tpu.memory_space<vmem>>, vector<1x1x512xf32>,
    %mul3A_129 = vector.broadcast %convert_element_type3A : vector<2048x1xf32> to vector<2048x512xf32>
    %mul3A_130 = arith.mulf %select_n3A_119, %mul3A_129 : vector<2048x512xf32>
    %reduce_sum3A_131 = arith.constant dense<0.000000e+00> : vector<512xf32>
    %reduce_sum3A_132 = vector.multi_reduction <add>, %mul3A_130, %reduce_sum3A_131 [0] : vector<2048x512xf32> to vector<512xf32>
    %broadcast_in_dim3A_133 = vector.shape_cast %reduce_sum3A_132 : vector<512xf32> to vector<1x512xf32>
    %convert_element_type3A_134 = arith.fptosi %broadcast_in_dim3A_133 : vector<1x512xf32> to vector<1x512xi32>
    %swap3A_135 = arith.constant 0 : index
    %swap3A_136 = arith.constant 0 : index
    %swap3A_137 = arith.constant 0 : index
    %swap3A_138 = vector.load %arg3[%swap3A_135, %swap3A_136, %swap3A_137] : memref<1x1x1024xi32, #tpu.memory_space<vmem>>, vector<1x1x512xi32>
    %swap3A_139 = vector.shape_cast %swap3A_138 : vector<1x1x512xi32> to vector<1x512xi32>
    %swap3A_140 = vector.shape_cast %convert_element_type3A_134 : vector<1x512xi32> to vector<1x1x512xi32>
    tpu.vector_store %arg3[%swap3A_135, %swap3A_136, %swap3A_137], %swap3A_140 {strides = array<i32>} : memref<1x1x1024xi32, #tpu.memory_space<vmem>>, vector<1x1x512xi32>,
    %iota3A_141 = tpu.iota {dimensions = array<i32: 1>} : vector<2048x512xi32>
    %add3A_142 = arith.constant 512 : i32
    %add3A_143 = vector.broadcast %add3A_142 : i32 to vector<2048x512xi32>
    %add3A_144 = arith.addi %iota3A_141, %add3A_143 : vector<2048x512xi32>
    %convert_element_type3A_145 = arith.sitofp %add3A_144 : vector<2048x512xi32> to vector<2048x512xf32>
    %eq3A_146 = vector.broadcast %add3A_106 : vector<2048x1xf32> to vector<2048x512xf32>
    %eq3A_147 = arith.cmpf oeq, %eq3A_146, %convert_element_type3A_145 : vector<2048x512xf32>
    %jit3A_148 = arith.constant 1.000000e+00 : f32
    %jit3A_149 = arith.constant 0.000000e+00 : f32
    %broadcast_in_dim3A_150 = vector.broadcast %jit3A_148 : f32 to vector<2048x512xf32>
    %broadcast_in_dim3A_151 = vector.broadcast %jit3A_149 : f32 to vector<2048x512xf32>
    %select_n3A_152 = arith.select %eq3A_147, %broadcast_in_dim3A_150, %broadcast_in_dim3A_151 : vector<2048x512xi1>, vector<2048x512xf32>
    %mul3A_153 = vector.broadcast %get3A_3 : vector<2048x1xf32> to vector<2048x512xf32>
    %mul3A_154 = arith.mulf %select_n3A_152, %mul3A_153 : vector<2048x512xf32>
    %reduce_sum3A_155 = arith.constant dense<0.000000e+00> : vector<512xf32>
    %reduce_sum3A_156 = vector.multi_reduction <add>, %mul3A_154, %reduce_sum3A_155 [0] : vector<2048x512xf32> to vector<512xf32>
    %broadcast_in_dim3A_157 = vector.shape_cast %reduce_sum3A_156 : vector<512xf32> to vector<1x512xf32>
    %swap3A_158 = arith.constant 0 : index
    %swap3A_159 = arith.constant 0 : index
    %swap3A_160 = arith.constant 512 : index
    %swap3A_161 = vector.load %arg4[%swap3A_158, %swap3A_159, %swap3A_160] : memref<1x1x1024xf32, #tpu.memory_space<vmem>>, vector<1x1x512xf32>
    %swap3A_162 = vector.shape_cast %swap3A_161 : vector<1x1x512xf32> to vector<1x512xf32>
    %swap3A_163 = vector.shape_cast %broadcast_in_dim3A_157 : vector<1x512xf32> to vector<1x1x512xf32>
    tpu.vector_store %arg4[%swap3A_158, %swap3A_159, %swap3A_160], %swap3A_163 {strides = array<i32>} : memref<1x1x1024xf32, #tpu.memory_space<vmem>>, vector<1x1x512xf32>,
    %mul3A_164 = vector.broadcast %convert_element_type3A : vector<2048x1xf32> to vector<2048x512xf32>
    %mul3A_165 = arith.mulf %select_n3A_152, %mul3A_164 : vector<2048x512xf32>
    %reduce_sum3A_166 = arith.constant dense<0.000000e+00> : vector<512xf32>
    %reduce_sum3A_167 = vector.multi_reduction <add>, %mul3A_165, %reduce_sum3A_166 [0] : vector<2048x512xf32> to vector<512xf32>
    %broadcast_in_dim3A_168 = vector.shape_cast %reduce_sum3A_167 : vector<512xf32> to vector<1x512xf32>
    %convert_element_type3A_169 = arith.fptosi %broadcast_in_dim3A_168 : vector<1x512xf32> to vector<1x512xi32>
    %swap3A_170 = arith.constant 0 : index
    %swap3A_171 = arith.constant 0 : index
    %swap3A_172 = arith.constant 512 : index
    %swap3A_173 = vector.load %arg3[%swap3A_170, %swap3A_171, %swap3A_172] : memref<1x1x1024xi32, #tpu.memory_space<vmem>>, vector<1x1x512xi32>
    %swap3A_174 = vector.shape_cast %swap3A_173 : vector<1x1x512xi32> to vector<1x512xi32>
    %swap3A_175 = vector.shape_cast %convert_element_type3A_169 : vector<1x512xi32> to vector<1x1x512xi32>
    tpu.vector_store %arg3[%swap3A_170, %swap3A_171, %swap3A_172], %swap3A_175 {strides = array<i32>} : memref<1x1x1024xi32, #tpu.memory_space<vmem>>, vector<1x1x512xi32>,
    return
  }
  func.func @transform_0(%arg0: i32) -> (i32, i32, i32) {
    %c0_i32 = arith.constant 0 : i32
    %c0_i32_0 = arith.constant 0 : i32
    %c0_i32_1 = arith.constant 0 : i32
    return %arg0, %c0_i32, %c0_i32_0 : i32, i32, i32
  }
  func.func @transform_1(%arg0: i32) -> (i32, i32, i32) {
    %c0_i32 = arith.constant 0 : i32
    %c0_i32_0 = arith.constant 0 : i32
    %c0_i32_1 = arith.constant 0 : i32
    return %arg0, %c0_i32, %c0_i32_0 : i32, i32, i32
  }
  func.func @transform_2(%arg0: i32) -> (i32, i32, i32) {
    %c0_i32 = arith.constant 0 : i32
    %c0_i32_0 = arith.constant 0 : i32
    %c0_i32_1 = arith.constant 0 : i32
    return %arg0, %c0_i32, %c0_i32_0 : i32, i32, i32
  }
  func.func @transform_3(%arg0: i32) -> (i32, i32, i32) {
    %c0_i32 = arith.constant 0 : i32
    %c0_i32_0 = arith.constant 0 : i32
    %c0_i32_1 = arith.constant 0 : i32
    return %arg0, %c0_i32, %c0_i32_0 : i32, i32, i32
  }
}

module attributes {stable_mosaic.version = 14 : i64} {
  func.func @_bin_body(%arg0: i32, %arg1: i32, %arg2: i32, %arg3: memref<1x1024x1024xf32, #tpu.memory_space<vmem>>, %arg4: memref<1x1024x512xi32, #tpu.memory_space<vmem>>, %arg5: memref<1x1024x512xi32, #tpu.memory_space<vmem>>) attributes {dimension_semantics = [#tpu.dimension_semantics<arbitrary>, #tpu.dimension_semantics<arbitrary>, #tpu.dimension_semantics<arbitrary>], iteration_bounds = array<i64: 4, 2, 2>, scalar_prefetch = 0 : i64, scratch_operands = 0 : i64, tpu.core_type = #tpu.core_type<tc>, window_params = [{transform_indices = @transform_0, window_bounds = array<i64: 1, 1024, 1024>}, {transform_indices = @transform_1, window_bounds = array<i64: 1, 1024, 512>}, {transform_indices = @transform_2, window_bounds = array<i64: 1, 1024, 512>}]} {
    %get3A = arith.constant 0 : index
    %get3A_0 = arith.constant 0 : index
    %get3A_1 = arith.constant 0 : index
    %get3A_2 = vector.load %arg3[%get3A, %get3A_0, %get3A_1] : memref<1x1024x1024xf32, #tpu.memory_space<vmem>>, vector<1x1024x1024xf32>
    %get3A_3 = vector.shape_cast %get3A_2 : vector<1x1024x1024xf32> to vector<1024x1024xf32>
    %slice3A = vector.extract_strided_slice %get3A_3 {offsets = [0, 0], sizes = [1024, 512], strides = [1, 1]} : vector<1024x1024xf32> to vector<1024x512xf32>
    %ne3A = arith.constant 0.000000e+00 : f32
    %ne3A_4 = vector.broadcast %ne3A : f32 to vector<1024x512xf32>
    %ne3A_5 = arith.cmpf one, %slice3A, %ne3A_4 : vector<1024x512xf32>
    %jit3A = arith.constant 16256 : i32
    %jit3A_6 = arith.constant 0 : i32
    %broadcast_in_dim3A = vector.broadcast %jit3A : i32 to vector<1024x512xi32>
    %broadcast_in_dim3A_7 = vector.broadcast %jit3A_6 : i32 to vector<1024x512xi32>
    %select_n3A = arith.select %ne3A_5, %broadcast_in_dim3A, %broadcast_in_dim3A_7 : vector<1024x512xi1>, vector<1024x512xi32>
    %slice3A_8 = vector.extract_strided_slice %get3A_3 {offsets = [0, 512], sizes = [1024, 512], strides = [1, 1]} : vector<1024x1024xf32> to vector<1024x512xf32>
    %ne3A_9 = arith.constant 0.000000e+00 : f32
    %ne3A_10 = vector.broadcast %ne3A_9 : f32 to vector<1024x512xf32>
    %ne3A_11 = arith.cmpf one, %slice3A_8, %ne3A_10 : vector<1024x512xf32>
    %jit3A_12 = arith.constant 1065353216 : i32
    %jit3A_13 = arith.constant 0 : i32
    %broadcast_in_dim3A_14 = vector.broadcast %jit3A_12 : i32 to vector<1024x512xi32>
    %broadcast_in_dim3A_15 = vector.broadcast %jit3A_13 : i32 to vector<1024x512xi32>
    %select_n3A_16 = arith.select %ne3A_11, %broadcast_in_dim3A_14, %broadcast_in_dim3A_15 : vector<1024x512xi1>, vector<1024x512xi32>
    %or3A = arith.ori %select_n3A, %select_n3A_16 : vector<1024x512xi32>
    %swap3A = arith.constant 0 : index
    %swap3A_17 = arith.constant 0 : index
    %swap3A_18 = arith.constant 0 : index
    %swap3A_19 = vector.load %arg4[%swap3A, %swap3A_17, %swap3A_18] : memref<1x1024x512xi32, #tpu.memory_space<vmem>>, vector<1x1024x512xi32>
    %swap3A_20 = vector.shape_cast %swap3A_19 : vector<1x1024x512xi32> to vector<1024x512xi32>
    %swap3A_21 = vector.shape_cast %or3A : vector<1024x512xi32> to vector<1x1024x512xi32>
    tpu.vector_store %arg4[%swap3A, %swap3A_17, %swap3A_18], %swap3A_21 {strides = array<i32>} : memref<1x1024x512xi32, #tpu.memory_space<vmem>>, vector<1x1024x512xi32>,
    %transpose3A = tpu.transpose %get3A_3, [1, 0] : vector<1024x1024xf32> -> vector<1024x1024xf32>
    %slice3A_22 = vector.extract_strided_slice %transpose3A {offsets = [0, 0], sizes = [1024, 512], strides = [1, 1]} : vector<1024x1024xf32> to vector<1024x512xf32>
    %ne3A_23 = arith.constant 0.000000e+00 : f32
    %ne3A_24 = vector.broadcast %ne3A_23 : f32 to vector<1024x512xf32>
    %ne3A_25 = arith.cmpf one, %slice3A_22, %ne3A_24 : vector<1024x512xf32>
    %jit3A_26 = arith.constant 16256 : i32
    %jit3A_27 = arith.constant 0 : i32
    %broadcast_in_dim3A_28 = vector.broadcast %jit3A_26 : i32 to vector<1024x512xi32>
    %broadcast_in_dim3A_29 = vector.broadcast %jit3A_27 : i32 to vector<1024x512xi32>
    %select_n3A_30 = arith.select %ne3A_25, %broadcast_in_dim3A_28, %broadcast_in_dim3A_29 : vector<1024x512xi1>, vector<1024x512xi32>
    %slice3A_31 = vector.extract_strided_slice %transpose3A {offsets = [0, 512], sizes = [1024, 512], strides = [1, 1]} : vector<1024x1024xf32> to vector<1024x512xf32>
    %ne3A_32 = arith.constant 0.000000e+00 : f32
    %ne3A_33 = vector.broadcast %ne3A_32 : f32 to vector<1024x512xf32>
    %ne3A_34 = arith.cmpf one, %slice3A_31, %ne3A_33 : vector<1024x512xf32>
    %jit3A_35 = arith.constant 1065353216 : i32
    %jit3A_36 = arith.constant 0 : i32
    %broadcast_in_dim3A_37 = vector.broadcast %jit3A_35 : i32 to vector<1024x512xi32>
    %broadcast_in_dim3A_38 = vector.broadcast %jit3A_36 : i32 to vector<1024x512xi32>
    %select_n3A_39 = arith.select %ne3A_34, %broadcast_in_dim3A_37, %broadcast_in_dim3A_38 : vector<1024x512xi1>, vector<1024x512xi32>
    %or3A_40 = arith.ori %select_n3A_30, %select_n3A_39 : vector<1024x512xi32>
    %swap3A_41 = arith.constant 0 : index
    %swap3A_42 = arith.constant 0 : index
    %swap3A_43 = arith.constant 0 : index
    %swap3A_44 = vector.load %arg5[%swap3A_41, %swap3A_42, %swap3A_43] : memref<1x1024x512xi32, #tpu.memory_space<vmem>>, vector<1x1024x512xi32>
    %swap3A_45 = vector.shape_cast %swap3A_44 : vector<1x1024x512xi32> to vector<1024x512xi32>
    %swap3A_46 = vector.shape_cast %or3A_40 : vector<1024x512xi32> to vector<1x1024x512xi32>
    tpu.vector_store %arg5[%swap3A_41, %swap3A_42, %swap3A_43], %swap3A_46 {strides = array<i32>} : memref<1x1024x512xi32, #tpu.memory_space<vmem>>, vector<1x1024x512xi32>,
    return
  }
  func.func @transform_0(%arg0: i32, %arg1: i32, %arg2: i32) -> (i32, i32, i32) {
    %c0_i32 = arith.constant 0 : i32
    return %arg0, %arg1, %arg2 : i32, i32, i32
  }
  func.func @transform_1(%arg0: i32, %arg1: i32, %arg2: i32) -> (i32, i32, i32) {
    %c0_i32 = arith.constant 0 : i32
    return %arg0, %arg1, %arg2 : i32, i32, i32
  }
  func.func @transform_2(%arg0: i32, %arg1: i32, %arg2: i32) -> (i32, i32, i32) {
    %c0_i32 = arith.constant 0 : i32
    return %arg0, %arg2, %arg1 : i32, i32, i32
  }
}

module attributes {stable_mosaic.version = 14 : i64} {
  func.func @_adj_body(%arg0: i32, %arg1: i32, %arg2: memref<1x1024x1024xi32, #tpu.memory_space<vmem>>, %arg3: memref<1x512x1024xi32, #tpu.memory_space<vmem>>, %arg4: memref<1x1024x512xf32, #tpu.memory_space<vmem>>) attributes {dimension_semantics = [#tpu.dimension_semantics<arbitrary>, #tpu.dimension_semantics<arbitrary>], iteration_bounds = array<i64: 4, 2>, scalar_prefetch = 0 : i64, scratch_operands = 0 : i64, tpu.core_type = #tpu.core_type<tc>, window_params = [{transform_indices = @transform_0, window_bounds = array<i64: 1, 1024, 1024>}, {transform_indices = @transform_1, window_bounds = array<i64: 1, 512, 1024>}, {transform_indices = @transform_2, window_bounds = array<i64: 1, 1024, 512>}]} {
    %get3A = arith.constant 0 : index
    %get3A_0 = arith.constant 0 : index
    %get3A_1 = arith.constant 0 : index
    %get3A_2 = vector.load %arg2[%get3A, %get3A_0, %get3A_1] : memref<1x1024x1024xi32, #tpu.memory_space<vmem>>, vector<1x1024x1024xi32>
    %get3A_3 = vector.shape_cast %get3A_2 : vector<1x1024x1024xi32> to vector<1024x1024xi32>
    %and3A = arith.constant 65535 : i32
    %and3A_4 = vector.broadcast %and3A : i32 to vector<1024x1024xi32>
    %and3A_5 = arith.andi %get3A_3, %and3A_4 : vector<1024x1024xi32>
    %ne3A = arith.constant 0 : i32
    %ne3A_6 = vector.broadcast %ne3A : i32 to vector<1024x1024xi32>
    %ne3A_7 = arith.cmpi ne, %and3A_5, %ne3A_6 : vector<1024x1024xi32>
    %jit3A = arith.constant 1.000000e+00 : f32
    %jit3A_8 = arith.constant 0.000000e+00 : f32
    %broadcast_in_dim3A = vector.broadcast %jit3A : f32 to vector<1024x1024xf32>
    %broadcast_in_dim3A_9 = vector.broadcast %jit3A_8 : f32 to vector<1024x1024xf32>
    %select_n3A = arith.select %ne3A_7, %broadcast_in_dim3A, %broadcast_in_dim3A_9 : vector<1024x1024xi1>, vector<1024x1024xf32>
    %convert_element_type3A = arith.truncf %select_n3A : vector<1024x1024xf32> to vector<1024x1024xbf16>
    %shift_right_arithmetic3A = arith.constant 16 : i32
    %shift_right_arithmetic3A_10 = vector.broadcast %shift_right_arithmetic3A : i32 to vector<1024x1024xi32>
    %shift_right_arithmetic3A_11 = arith.shrsi %get3A_3, %shift_right_arithmetic3A_10 : vector<1024x1024xi32>
    %ne3A_12 = arith.constant 0 : i32
    %ne3A_13 = vector.broadcast %ne3A_12 : i32 to vector<1024x1024xi32>
    %ne3A_14 = arith.cmpi ne, %shift_right_arithmetic3A_11, %ne3A_13 : vector<1024x1024xi32>
    %jit3A_15 = arith.constant 1.000000e+00 : f32
    %jit3A_16 = arith.constant 0.000000e+00 : f32
    %broadcast_in_dim3A_17 = vector.broadcast %jit3A_15 : f32 to vector<1024x1024xf32>
    %broadcast_in_dim3A_18 = vector.broadcast %jit3A_16 : f32 to vector<1024x1024xf32>
    %select_n3A_19 = arith.select %ne3A_14, %broadcast_in_dim3A_17, %broadcast_in_dim3A_18 : vector<1024x1024xi1>, vector<1024x1024xf32>
    %convert_element_type3A_20 = arith.truncf %select_n3A_19 : vector<1024x1024xf32> to vector<1024x1024xbf16>
    %concatenate3A = tpu.concatenate %convert_element_type3A, %convert_element_type3A_20 in 1 : vector<1024x1024xbf16>, vector<1024x1024xbf16> -> vector<1024x2048xbf16>
    %get3A_21 = arith.constant 0 : index
    %get3A_22 = arith.constant 0 : index
    %get3A_23 = arith.constant 0 : index
    %get3A_24 = vector.load %arg3[%get3A_21, %get3A_22, %get3A_23] : memref<1x512x1024xi32, #tpu.memory_space<vmem>>, vector<1x512x1024xi32>
    %get3A_25 = vector.shape_cast %get3A_24 : vector<1x512x1024xi32> to vector<512x1024xi32>
    %and3A_26 = arith.constant 65535 : i32
    %and3A_27 = vector.broadcast %and3A_26 : i32 to vector<512x1024xi32>
    %and3A_28 = arith.andi %get3A_25, %and3A_27 : vector<512x1024xi32>
    %ne3A_29 = arith.constant 0 : i32
    %ne3A_30 = vector.broadcast %ne3A_29 : i32 to vector<512x1024xi32>
    %ne3A_31 = arith.cmpi ne, %and3A_28, %ne3A_30 : vector<512x1024xi32>
    %jit3A_32 = arith.constant 1.000000e+00 : f32
    %jit3A_33 = arith.constant 0.000000e+00 : f32
    %broadcast_in_dim3A_34 = vector.broadcast %jit3A_32 : f32 to vector<512x1024xf32>
    %broadcast_in_dim3A_35 = vector.broadcast %jit3A_33 : f32 to vector<512x1024xf32>
    %select_n3A_36 = arith.select %ne3A_31, %broadcast_in_dim3A_34, %broadcast_in_dim3A_35 : vector<512x1024xi1>, vector<512x1024xf32>
    %convert_element_type3A_37 = arith.truncf %select_n3A_36 : vector<512x1024xf32> to vector<512x1024xbf16>
    %shift_right_arithmetic3A_38 = arith.constant 16 : i32
    %shift_right_arithmetic3A_39 = vector.broadcast %shift_right_arithmetic3A_38 : i32 to vector<512x1024xi32>
    %shift_right_arithmetic3A_40 = arith.shrsi %get3A_25, %shift_right_arithmetic3A_39 : vector<512x1024xi32>
    %ne3A_41 = arith.constant 0 : i32
    %ne3A_42 = vector.broadcast %ne3A_41 : i32 to vector<512x1024xi32>
    %ne3A_43 = arith.cmpi ne, %shift_right_arithmetic3A_40, %ne3A_42 : vector<512x1024xi32>
    %jit3A_44 = arith.constant 1.000000e+00 : f32
    %jit3A_45 = arith.constant 0.000000e+00 : f32
    %broadcast_in_dim3A_46 = vector.broadcast %jit3A_44 : f32 to vector<512x1024xf32>
    %broadcast_in_dim3A_47 = vector.broadcast %jit3A_45 : f32 to vector<512x1024xf32>
    %select_n3A_48 = arith.select %ne3A_43, %broadcast_in_dim3A_46, %broadcast_in_dim3A_47 : vector<512x1024xi1>, vector<512x1024xf32>
    %convert_element_type3A_49 = arith.truncf %select_n3A_48 : vector<512x1024xf32> to vector<512x1024xbf16>
    %concatenate3A_50 = tpu.concatenate %convert_element_type3A_37, %convert_element_type3A_49 in 1 : vector<512x1024xbf16>, vector<512x1024xbf16> -> vector<512x2048xbf16>
    %dot_general3A = arith.constant dense<0.000000e+00> : vector<1024x512xf32>
    %dot_general3A_51 = tpu.matmul %concatenate3A, %concatenate3A_50, %dot_general3A {dimension_numbers = #tpu.dot_dimension_numbers<[1], [1], [0], [0], [0, 0, 1, 0], [], []>, transpose_lhs_hint = false} : vector<1024x2048xbf16>, vector<512x2048xbf16>, vector<1024x512xf32> -> vector<1024x512xf32>
    %gt3A = arith.constant 0.000000e+00 : f32
    %gt3A_52 = vector.broadcast %gt3A : f32 to vector<1024x512xf32>
    %gt3A_53 = arith.cmpf ogt, %dot_general3A_51, %gt3A_52 : vector<1024x512xf32>
    %jit3A_54 = arith.constant 1.000000e+00 : f32
    %jit3A_55 = arith.constant 0.000000e+00 : f32
    %broadcast_in_dim3A_56 = vector.broadcast %jit3A_54 : f32 to vector<1024x512xf32>
    %broadcast_in_dim3A_57 = vector.broadcast %jit3A_55 : f32 to vector<1024x512xf32>
    %select_n3A_58 = arith.select %gt3A_53, %broadcast_in_dim3A_56, %broadcast_in_dim3A_57 : vector<1024x512xi1>, vector<1024x512xf32>
    %reduce_sum3A = arith.constant dense<0.000000e+00> : vector<512xf32>
    %reduce_sum3A_59 = vector.multi_reduction <add>, %select_n3A_58, %reduce_sum3A [0] : vector<1024x512xf32> to vector<512xf32>
    %broadcast_in_dim3A_60 = vector.shape_cast %reduce_sum3A_59 : vector<512xf32> to vector<1x512xf32>
    %div3A = vector.broadcast %broadcast_in_dim3A_60 : vector<1x512xf32> to vector<1024x512xf32>
    %div3A_61 = arith.divf %select_n3A_58, %div3A : vector<1024x512xf32>
    %swap3A = arith.constant 0 : index
    %swap3A_62 = arith.constant 0 : index
    %swap3A_63 = arith.constant 0 : index
    %swap3A_64 = vector.load %arg4[%swap3A, %swap3A_62, %swap3A_63] : memref<1x1024x512xf32, #tpu.memory_space<vmem>>, vector<1x1024x512xf32>
    %swap3A_65 = vector.shape_cast %swap3A_64 : vector<1x1024x512xf32> to vector<1024x512xf32>
    %swap3A_66 = vector.shape_cast %div3A_61 : vector<1024x512xf32> to vector<1x1024x512xf32>
    tpu.vector_store %arg4[%swap3A, %swap3A_62, %swap3A_63], %swap3A_66 {strides = array<i32>} : memref<1x1024x512xf32, #tpu.memory_space<vmem>>, vector<1x1024x512xf32>,
    return
  }
  func.func @transform_0(%arg0: i32, %arg1: i32) -> (i32, i32, i32) {
    %c0_i32 = arith.constant 0 : i32
    %c0_i32_0 = arith.constant 0 : i32
    %c0_i32_1 = arith.constant 0 : i32
    return %arg0, %c0_i32, %c0_i32_0 : i32, i32, i32
  }
  func.func @transform_1(%arg0: i32, %arg1: i32) -> (i32, i32, i32) {
    %c0_i32 = arith.constant 0 : i32
    %c0_i32_0 = arith.constant 0 : i32
    return %arg0, %arg1, %c0_i32 : i32, i32, i32
  }
  func.func @transform_2(%arg0: i32, %arg1: i32) -> (i32, i32, i32) {
    %c0_i32 = arith.constant 0 : i32
    %c0_i32_0 = arith.constant 0 : i32
    return %arg0, %c0_i32, %arg1 : i32, i32, i32
  }
}

module attributes {stable_mosaic.version = 14 : i64} {
  func.func @_scale_body(%arg0: i32, %arg1: i32, %arg2: memref<1x1x1024x256xf32, #tpu.memory_space<vmem>>, %arg3: memref<1x1024x1xf32, #tpu.memory_space<vmem>>, %arg4: memref<1x1x1024x256xf32, #tpu.memory_space<vmem>>) attributes {dimension_semantics = [#tpu.dimension_semantics<arbitrary>, #tpu.dimension_semantics<arbitrary>], iteration_bounds = array<i64: 4, 8>, scalar_prefetch = 0 : i64, scratch_operands = 0 : i64, tpu.core_type = #tpu.core_type<tc>, window_params = [{transform_indices = @transform_0, window_bounds = array<i64: 1, 1, 1024, 256>}, {transform_indices = @transform_1, window_bounds = array<i64: 1, 1024, 1>}, {transform_indices = @transform_2, window_bounds = array<i64: 1, 1, 1024, 256>}]} {
    %get3A = arith.constant 0 : index
    %get3A_0 = arith.constant 0 : index
    %get3A_1 = arith.constant 0 : index
    %get3A_2 = arith.constant 0 : index
    %get3A_3 = vector.load %arg2[%get3A, %get3A_0, %get3A_1, %get3A_2] : memref<1x1x1024x256xf32, #tpu.memory_space<vmem>>, vector<1x1x1024x256xf32>
    %get3A_4 = vector.shape_cast %get3A_3 : vector<1x1x1024x256xf32> to vector<1024x256xf32>
    %get3A_5 = arith.constant 0 : index
    %get3A_6 = arith.constant 0 : index
    %get3A_7 = arith.constant 0 : index
    %get3A_8 = vector.load %arg3[%get3A_5, %get3A_6, %get3A_7] : memref<1x1024x1xf32, #tpu.memory_space<vmem>>, vector<1x1024x1xf32>
    %get3A_9 = vector.shape_cast %get3A_8 : vector<1x1024x1xf32> to vector<1024x1xf32>
    %mul3A = vector.broadcast %get3A_9 : vector<1024x1xf32> to vector<1024x256xf32>
    %mul3A_10 = arith.mulf %get3A_4, %mul3A : vector<1024x256xf32>
    %swap3A = arith.constant 0 : index
    %swap3A_11 = arith.constant 0 : index
    %swap3A_12 = arith.constant 0 : index
    %swap3A_13 = arith.constant 0 : index
    %swap3A_14 = vector.load %arg4[%swap3A, %swap3A_11, %swap3A_12, %swap3A_13] : memref<1x1x1024x256xf32, #tpu.memory_space<vmem>>, vector<1x1x1024x256xf32>
    %swap3A_15 = vector.shape_cast %swap3A_14 : vector<1x1x1024x256xf32> to vector<1024x256xf32>
    %swap3A_16 = vector.shape_cast %mul3A_10 : vector<1024x256xf32> to vector<1x1x1024x256xf32>
    tpu.vector_store %arg4[%swap3A, %swap3A_11, %swap3A_12, %swap3A_13], %swap3A_16 {strides = array<i32>} : memref<1x1x1024x256xf32, #tpu.memory_space<vmem>>, vector<1x1x1024x256xf32>,
    return
  }
  func.func @transform_0(%arg0: i32, %arg1: i32) -> (i32, i32, i32, i32) {
    %c0_i32 = arith.constant 0 : i32
    %c0_i32_0 = arith.constant 0 : i32
    %c0_i32_1 = arith.constant 0 : i32
    return %arg0, %arg1, %c0_i32, %c0_i32_0 : i32, i32, i32, i32
  }
  func.func @transform_1(%arg0: i32, %arg1: i32) -> (i32, i32, i32) {
    %c0_i32 = arith.constant 0 : i32
    %c0_i32_0 = arith.constant 0 : i32
    %c0_i32_1 = arith.constant 0 : i32
    return %arg0, %c0_i32, %c0_i32_0 : i32, i32, i32
  }
  func.func @transform_2(%arg0: i32, %arg1: i32) -> (i32, i32, i32, i32) {
    %c0_i32 = arith.constant 0 : i32
    %c0_i32_0 = arith.constant 0 : i32
    %c0_i32_1 = arith.constant 0 : i32
    return %arg0, %arg1, %c0_i32, %c0_i32_0 : i32, i32, i32, i32
  }
}

</mosaic_0001>

<sc_bundles>
// kernel: kernel.11.cloned.1.call-start
scs
__scs_entry_jumppad:
0x0: {  	(pc) =	sbr.rel $0x88, $3  }
0x1: {  	(tag) =	ssettag $0x0;
	lr =	simm.s32 $0x1  }
0x2: {  	[smem:$0x3F9D] =	sst lr;
	_ =	strace $0xD0000000  }
0x3: {  	_ = 	snop  }
0x4: {  	_ = 	snop  }
0x5: {  	_ = 	snop  }
0x6: {  	_ = 	snop  }
0x7: {  	_ = 	snop  }
__scs_overlays_trampoline_lowered:
0x8: {  	[smem:$0x3FAC] =	sst s0  }
0x9: {  	[smem:$0x3FAD] =	sst s1  }
0xa: {  	[smem:$0x3FAE] =	sst s2  }
0xb: {  	[smem:$0x3FAF] =	sst s3  }
0xc: {  	[smem:$0x3FB0] =	sst s4  }
0xd: {  	[smem:$0x3FB1] =	sst s5  }
0xe: {  	[smem:$0x3FB2] =	sst s6  }
0xf: {  	[smem:$0x3FB3] =	sst s7  }
0x10: {  	[smem:$0x3FB4] =	sst s8  }
0x11: {  	[smem:$0x3FB5] =	sst s9;
	s0 =	simm.s32 @!p0 $0x0  }
0x12: {  	s1 =	sld [smem:$0x3F9B];
	s0 =	simm.s32 @p0 $0x1  }
0x13: {  	[smem:$0x3FB6] =	sst s0;
	s0 =	simm.s32 @!p1 $0x0  }
0x14: {  	s2 =	sld [smem:$0x3F9A];
	s0 =	simm.s32 @p1 $0x1  }
0x15: {  	[smem:$0x3FB7] =	sst s0;
	s0 =	simm.s32 @!p2 $0x0  }
0x16: {  	s3 =	sld [smem:$0x3FDB];
	s0 =	simm.s32 @p2 $0x1  }
0x17: {  	s4 =	simm.s32 $0x1BF5;
	[smem:$0x3FB9] =	sst s0  }
0x18: {  	s0 =	sld [smem:$0x3F9C];
	_ =	swait.ge [sflag:s4], $0x0  }
0x19: {  	s7 =	sld [smem:$0x3F9D]  }
0x1a: {  	s8 =	sadd.s32 $0xFFFFE003, lr  }
0x1b: {  	s9 =	sadd.s32 $0xFFFFFEF7, lr;
	s5 =	simm.s32 $0xFFFFFFFF;
	p2 =	slt.u32 s8, $0xFFFFF086  }
0x1c: {  	p1 =	slt.u32 s9, $0xF7A;
	s5 =	simm.s32 @!p2 $0x0  }
0x1d: {  	s5 =	simm.s32 @p1 $0x1;
	p0 =	seq.s32 s7, s2  }
0x1e: {  	s7 =	smul.u32 @!p0 $0xF7A, s2;
	p2 =	seq.s32 @!p0 s5, $0x0  }
0x1f: {  	s9 =	smul.u32 $0xF7A, s1;
	s8 =	simm.s32 @!p0 $0x1BF5;
	p2 =	por !p2, p0  }
0x20: {  	[sflag:s8] =	ssyncset.s32 @!p0 $0xFFFFF086;
	s6 =	sadd.s32 @!p0 s3, s7;
	s7 =	simm.s32 @!p0 $0x108  }
0x21: {  	s3 =	sadd.s32 s3, s9;
	s6 =	sadd.s32 @!p0 $0x88, s6;
	s7 =	simm.s32 @p2 $0x1082  }
0x22: {  	[simem:s7], [sflag:s8] =	dma.local @!p0 [hbm:s6], $0xF7A  }
0x23: {  	s9 =	sor.u32 $0xD0000000, s2;
	s6 =	simm.s32 $0x108;
	_ =	swait.ge @!p0 [sflag:s8], $0x0  }
0x24: {  	s3 =	sadd.s32 $0x88, s3;
	s6 =	simm.s32 @!p1 $0x1082;
	[sflag:s4] =	ssyncset.s32 $0xFFFFF086  }
0x25: {  	[simem:s6], [sflag:s4] =	dma.local [hbm:s3], $0xF7A  }
0x26: {  	[smem:$0x3F9D] =	sst s1;
	(tag) =	ssettag s2;
	_ =	strace s9  }
0x27: {  	s1 =	sld [smem:$0x3FAD]  }
0x28: {  	s2 =	sld [smem:$0x3FAE]  }
0x29: {  	s4 =	sld [smem:$0x3FB0]  }
0x2a: {  	p0 =	seq.s32 s5, $0x0;
	s5 =	sld [smem:$0x3FB1]  }
0x2b: {  	s6 =	sld [smem:$0x3FB2]  }
0x2c: {  	s7 =	sld [smem:$0x3FB3]  }
0x2d: {  	s3 =	simm.s32 $0x108;
	s8 =	sld [smem:$0x3FB4]  }
0x2e: {  	s3 =	simm.s32 @!p0 $0x1082;
	s9 =	sld [smem:$0x3FB5]  }
0x2f: {  	lr =	sadd.s32 s0, s3;
	s0 =	sld [smem:$0x3FAC]  }
0x30: {  	s3 =	sld [smem:$0x3FAF]  }
0x31: {  	[smem:$0x3FB8] =	sst s10  }
0x32: {  	s10 =	sld [smem:$0x3FB6];
	_ =	sdelay $0x3  }
0x33: {  	p0 =	seq.s32 s10, $0x1;
	s10 =	sld [smem:$0x3FB8];
	_ =	sdelay $0x3  }
0x34: {  	[smem:$0x3FB8] =	sst s10  }
0x35: {  	s10 =	sld [smem:$0x3FB7];
	_ =	sdelay $0x3  }
0x36: {  	p1 =	seq.s32 s10, $0x1;
	s10 =	sld [smem:$0x3FB8];
	_ =	sdelay $0x3  }
0x37: {  	[smem:$0x3FB8] =	sst s10  }
0x38: {  	s10 =	sld [smem:$0x3FB9]  }
0x39: {  	_ = 	snop;
	(pc) =	sbr.ind lr, $3  }
0x3a: {  	_ = 	snop  }
0x3b: {  	_ = 	snop  }
0x3c: {  	p2 =	seq.s32 s10, $0x1;
	s10 =	sld [smem:$0x3FB8]  }
0x3d: {  	_ =	shalt  }
0x3e: {  	_ =	shalt  }
0x3f: {  	_ =	shalt  }
0x40: {  	_ =	shalt  }
0x41: {  	_ =	shalt  }
0x42: {  	_ =	shalt  }
0x43: {  	_ =	shalt  }
0x44: {  	_ =	shalt  }
0x45: {  	_ =	shalt  }
0x46: {  	_ =	shalt  }
0x47: {  	_ =	shalt  }
0x48: {  	_ =	shalt  }
0x49: {  	_ =	shalt  }
0x4a: {  	_ =	shalt  }
0x4b: {  	_ =	shalt  }
0x4c: {  	_ =	shalt  }
0x4d: {  	_ =	shalt  }
0x4e: {  	_ =	shalt  }
0x4f: {  	_ =	shalt  }
0x50: {  	_ =	shalt  }
0x51: {  	_ =	shalt  }
0x52: {  	_ =	shalt  }
0x53: {  	_ =	shalt  }
0x54: {  	_ =	shalt  }
0x55: {  	_ =	shalt  }
0x56: {  	_ =	shalt  }
0x57: {  	_ =	shalt  }
0x58: {  	_ =	shalt  }
0x59: {  	_ =	shalt  }
0x5a: {  	_ =	shalt  }
0x5b: {  	_ =	shalt  }
0x5c: {  	_ =	shalt  }
0x5d: {  	_ =	shalt  }
0x5e: {  	_ =	shalt  }
0x5f: {  	_ =	shalt  }
0x60: {  	_ =	shalt  }
0x61: {  	_ =	shalt  }
0x62: {  	_ =	shalt  }
0x63: {  	_ =	shalt  }
0x64: {  	_ =	shalt  }
0x65: {  	_ =	shalt  }
0x66: {  	_ =	shalt  }
0x67: {  	_ =	shalt  }
0x68: {  	_ =	shalt  }
0x69: {  	_ =	shalt  }
0x6a: {  	_ =	shalt  }
0x6b: {  	_ =	shalt  }
0x6c: {  	_ =	shalt  }
0x6d: {  	_ =	shalt  }
0x6e: {  	_ =	shalt  }
0x6f: {  	_ =	shalt  }
0x70: {  	_ =	shalt  }
0x71: {  	_ =	shalt  }
0x72: {  	_ =	shalt  }
0x73: {  	_ =	shalt  }
0x74: {  	_ =	shalt  }
0x75: {  	_ =	shalt  }
0x76: {  	_ =	shalt  }
0x77: {  	_ =	shalt  }
0x78: {  	_ =	shalt  }
0x79: {  	_ =	shalt  }
0x7a: {  	_ =	shalt  }
0x7b: {  	_ =	shalt  }
0x7c: {  	_ =	shalt  }
0x7d: {  	_ =	shalt  }
0x7e: {  	_ =	shalt  }
0x7f: {  	_ =	shalt  }
0x80: {  	_ =	shalt  }
0x81: {  	_ =	shalt  }
0x82: {  	_ =	shalt  }
0x83: {  	_ =	shalt  }
0x84: {  	_ =	shalt  }
0x85: {  	_ =	shalt  }
0x86: {  	_ =	shalt  }
0x87: {  	_ =	shalt  }
.Lfunc_end0:
.L_simem_size_0:
called_computation.1_lowered:
.L_overlay_start_0:
0x88: {  	s2 =	sld [smem:$0x3FD9]  }
0x89: {  	s3 =	sld [smem:$0x3FFE];
	_ =	sdelay $0x1  }
0x8a: {  	s1 =	srdreg.scid  }
0x8b: {  	s0 =	sand.u32 $0x1, s1  }
0x8c: {  	s14 =	sshll.u32 s0, $0xA;
	s2 =	sadd.s32 s3, s2  }
0x8d: {  	s2 =	sadd.s32 s2, s14  }
0x8e: {  	[smem:$0x3FC4] =	sst s2  }
0x8f: {  	_ = 	snop  }
0x90: {  	s2 =	sld [smem:$0x3FD0];
	_ =	sdelay $0x2  }
0x91: {  	s15 =	simm.s32 $0xB;
	s4 =	simm.s32 $0x10  }
0x92: {  	[smem:s4], [sflag:s15] =	dma.local [hbm:s2], $0x1  }
0x93: {  	_ =	swait.eq [sflag:s15], $0x1  }
0x94: {  	s16 =	sld [smem:$0x10];
	[sflag:s15] =	ssyncset.done $0x0  }
0x95: {  	s17 =	sld [smem:$0x11];
	[sflag:s15] =	ssyncadd.s32 $0xFFFFFFFF  }
0x96: {  	s18 =	sld [smem:$0x12];
	(tm) =	ssettm $0x1  }
0x97: {  	s5 =	sld [smem:$0x3FFB];
	_ =	sdelay $0x3  }
0x98: {  	_ =	strace s5  }
0x99: {  	s5 =	sld [smem:$0x3FFC];
	_ =	sdelay $0x3  }
0x9a: {  	_ =	strace s5  }
0x9b: {  	s5 =	sld [smem:$0x3FFD];
	_ =	sdelay $0x3  }
0x9c: {  	_ =	strace s5  }
0x9d: {  	_ =	strace $0x8FFFFFFF  }
0x9e: {  	s19 =	sld [smem:$0x3FDB];
	_ =	sdelay $0x1  }
0x9f: {  	s6 =	simm.s32 $_scs_section_size  }
0xa0: {  	s7 =	simm.s32 $_size__tile_overlayer_lowered;
	s8 =	simm.s32 $_tile_overlayer_lowered  }
0xa1: {  	s22 =	simm.s32 $0x1BFF;
	s21 =	sshll.u32 s8, $0x1;
	s5 =	sadd.s32 s6, s19  }
0xa2: {  	s9 =	simm.s32 $0x0;
	s20 =	sshll.u32 s7, $0x1;
	s7 =	sadd.s32 s21, s5  }
0xa3: {  	[timem:s9], [sflag:s22] =	dma.local [hbm:s7], s20  }
0xa4: {  	_ =	swait.ge [sflag:s22], s20  }
0xa5: {  	s6 =	ssub.s32 $0x0, s20;
	[sflag:s22] =	ssyncset.done $0x0  }
0xa6: {  	[sflag:s22] =	ssyncadd.s32 s6;
	_ =	sdelay $0x1  }
0xa7: {  	s23 =	simm.s32 $0x1B8B  }
0xa8: {  	_ =	swait.ge [sflag:s23], $0x1  }
0xa9: {  	[sflag:s23] =	ssyncset.done $0x0  }
0xaa: {  	s25 =	simm.s32 $0x1B8E;
	s24 =	sld [smem:$0x3FFE];
	[sflag:s23] =	ssyncadd.s32 $0xFFFFFFFF  }
0xab: {  	s26 =	simm.s32 $execute0_lowered;
	[smem:$0x3FD2] =	sst s25  }
0xac: {  	s7 =	sshll.u32 s26, $0x1;
	_ =	strace $0x80000046;
	[dreg:$0x1] =	wrdreg $0xFFFFFFFF  }
0xad: {  	s28 =	simm.s32 $_size_execute0_lowered;
	s5 =	sadd.s32 s5, s7;
	[dreg:$0x0] =	wrdreg $0x0  }
0xae: {  	s7 =	sshll.u32 s28, $0x1;
	[dreg:$0x2] =	wrdreg s5  }
0xaf: {  	[dreg:$0x3] =	wrdreg s7  }
0xb0: {  	[dreg:$0x4] =	wrdreg $0xC0  }
0xb1: {  	_ =	task [dreg:s9], $0x5FFFF  }
0xb2: {  	[dreg:$0x1] =	wrdreg $0xFFFFFFFF  }
0xb3: {  	[dreg:$0x0] =	wrdreg $0x60  }
0xb4: {  	[dreg:$0x2] =	wrdreg s17  }
0xb5: {  	[dreg:$0x3] =	wrdreg s24  }
0xb6: {  	[dreg:$0x4] =	wrdreg s18  }
0xb7: {  	[dreg:$0x5] =	wrdreg s16  }
0xb8: {  	[dreg:$0x6] =	wrdreg $0xA  }
0xb9: {  	_ =	task.clear_ibuf [dreg:s9], $0x7FFFF;
	_ =	strace $0x90000046  }
0xba: {  	s29 =	simm.s32 $0xA;
	_ =	strace $0x80000048  }
0xbb: {  	_ =	swait.ge [sflag:s29], $0x1  }
0xbc: {  	[sflag:s29] =	ssyncadd.s32 $0xFFFFFFFF  }
0xbd: {  	_ =	strace $0x90000048  }
0xbe: {  	_ =	sfence  }
0xbf: {  	s30 =	sld [smem:$0x0];
	_ =	sdelay $0x2  }
0xc0: {  	s31 =	sshll.u32 s1, $0xD;
	s1 =	sshrl.u32 s1, $0x2  }
0xc1: {  	s3 =	sand.u32 $0x4000, s31;
	s1 =	sadd.s32 s1, s30  }
0xc2: {  	s0 =	sor.u32 s3, s0;
	s1 =	sshll.u32 s1, $0x11  }
0xc3: {  	s0 =	sor.u32 s1, s0  }
0xc4: {  	s0 =	sadd.s32 $0x8F2B, s0  }
0xc5: {  	[sflag:s0] =	ssyncadd.remote.s32 $0x1  }
0xc6: {  	_ =	sfence.sel $0xFFFF  }
0xc7: {  	[dreg:$0x0] =	wrdreg $0xFFFFFFFF;
	(pc) =	sbr.abs _section_cstart, $3  }
0xc8: {  	[dreg:$0x1] =	wrdreg $0xFFFFFFFF  }
0xc9: {  	_ =	task.clear_ibuf [dreg:s9], $0x2FFFF;
	_ =	strace $0x9FFFFFFF  }
0xca: {  	(tm) =	ssettm $0x7FFFFFFF  }
0xcb: {  	_ =	shalt  }
tec
execute0_lowered:
.L_overlay_start_1:
0x0: {  	(tag) =	ssettag $0x1  }
0x1: {  	s1 =	rddreg [dreg:$0x0]  }
0x2: {  	s0 =	rddreg [dreg:$0x1]  }
0x3: {  	s3 =	rddreg [dreg:$0x2]  }
0x4: {  	s5 =	rddreg [dreg:$0x3]  }
0x5: {  	s2 =	simm.s32 $0x0;
	s6 =	srdreg.scid;
	s11 =	stileid.u32  }
0x6: {  	s28 =	simm.s32 $0x8400;
	s30 =	simm.s32 $0x2;
	s31 =	simm.s32 $0x3  }
0x7: {  	[smem:$0x7FF] =	sst s2;
	s4 =	sadd.s32 $0x1200, s0;
	s6 =	sand.u32 $0x1, s6  }
0x8: {  	s10 =	sadd.s32 $0x101200, s0;
	s8 =	sshll.u32 s11, $0x1;
	s11 =	sshrl.u32 s11, $0x2  }
0x9: {  	_ =	strace $0x80000047;
	s7 =	ssub.s32 $0x2, s6;
	s8 =	sand.u32 $0x6, s8  }
0xa: {  	s26 =	sshll.u32 s11, $0x4;
	s29 =	sshll.u32 s11, $0xA;
	s6 =	sor.u32 s6, s8  }
0xb: {  	s9 =	sshrl.u32 s7, $0x1;
	s3 =	sadd.s32 s3, s26;
	s12 =	sshll.u32 s6, $0x7  }
0xc: {  	s14 =	ssub.s32 s7, s9;
	[dreg:$0x5] =	wrdreg s3;
	s19 =	sor.u32 s29, s12  }
0xd: {  	s20 =	sor.u32 $0x20, s12;
	s6 =	sor.u32 $0x40, s12;
	[dreg:$0x11] =	wrdreg s12  }
0xe: {  	s21 =	sor.u32 $0x60, s12;
	s15 =	sshll.u32 s19, $0x7;
	[dreg:$0xf] =	wrdreg s20  }
0xf: {  	s16 =	sor.u32 s29, s20;
	[dreg:$0x10] =	wrdreg s6;
	s17 =	sor.u32 s29, s6  }
0x10: {  	[dreg:$0x12] =	wrdreg s21;
	s3 =	sor.u32 s29, s21;
	s29 =	smax.u32 s14, $0x1  }
0x11: {  	s13 =	sshll.u32 s11, $0xB;
	s11 =	sadd.s32 s5, s15;
	[dreg:$0xe] =	wrdreg s29  }
0x12: {  	s16 =	sshll.u32 s16, $0x7;
	s24 =	sadd.s32 s10, s15;
	[dreg:$0x6] =	wrdreg s11  }
0x13: {  	s18 =	sshll.u32 s17, $0x7;
	s22 =	sadd.s32 s5, s16;
	[dreg:$0xa] =	wrdreg s24  }
0x14: {  	s3 =	sshll.u32 s3, $0x7;
	s23 =	sadd.s32 s5, s18;
	[dreg:$0x7] =	wrdreg s22  }
0x15: {  	s8 =	sadd.s32 $0x200, s1;
	s5 =	sadd.s32 s5, s3;
	[dreg:$0x8] =	wrdreg s23  }
0x16: {  	s7 =	sadd.s32 $0x100, s1;
	s25 =	sadd.s32 s10, s16;
	[dreg:$0x9] =	wrdreg s5  }
0x17: {  	s9 =	sadd.s32 $0x300, s1;
	s26 =	sadd.s32 s10, s18;
	[dreg:$0xb] =	wrdreg s25  }
0x18: {  	v3 =	vlaneseq.u32;
	s17 =	sadd.s32 $0x1300, s0;
	s3 =	sadd.s32 s10, s3;
	[dreg:$0xc] =	wrdreg s26  }
0x19: {  	vm0 =	vmmov $0xffff;
	v1 =	vand.u32 $0x7, v3;
	v2 =	vshrl.u32 v3, $0x3;
	s24 =	simm.s32 $0x1;
	[dreg:$0xd] =	wrdreg s3;
	s22 =	sadd.s32 $0x1400, s0  }
0x1a: {  	v3 =	vor.u32 $0x8, v3;
	v2 =	vmul.u32 $0x8, v2;
	v0 =	vmov s13;
	s23 =	sadd.s32 $0x1500, s0;
	s0 =	simm.s32 $0x0;
	s5 =	simm.s32 $0x400  }
.LBB2_1:
0x1b: {  	s3 =	rddreg [dreg:$0x5]  }
0x1c: {  	s25 =	simm.s32 $0x80;
	s26 =	simm.s32 $0x200;
	s29 =	simm.s32 $0x4  }
0x1d: {  	[tilespmem:s2], [sflag:$0x4] =	stream.strided.gather [hbm4b:s3+s25], $0x400, s26, s25, $0x38;
	[tilespmem:$0x10400] =	vst v63  }
0x1e: {  	_ =	swait.ge [sflag:s29], $0x400  }
0x1f: {  	[sflag:s29] =	ssyncset.done $0x0  }
0x20: {  	s3 =	simm.s32 $0x0;
	s25 =	simm.s32 $0x40;
	[sflag:s29] =	ssyncadd.s32 $0xFFFFFC00  }
.LBB2_2:
0x21: {  	p0 =	sne.s32 s25, $0xFC0;
	v4 =	vld [tilespmem:s3+$0x0];
	_ =	sdelay $0x1  }
.Ltmp0:
0x22: {  	(pc) =	sbr.rel @p0 .LBB2_2-.Ltmp0, $3  }
0x23: {  	_ =	sdelay $0x1  }
0x24: {  	v4 =	vadd.s32 v0, v4  }
0x25: {  	[tilespmem:s3+$0x0] =	vst v4;
	s3 =	sshra.s32 s25, $0x2;
	s25 =	sadd.s32 $0x40, s25  }
0x26: {  	v4 =	vld [tilespmem:s3+$0x0];
	_ =	sdelay $0x4  }
0x27: {  	v4 =	vadd.s32 v0, v4  }
0x28: {  	s13 =	rddreg [dreg:$0x11];
	[tilespmem:s3+$0x0] =	vst v4  }
0x29: {  	v4 =	vld [tilespmem:s13+$0x0];
	_ =	sdelay $0x4  }
0x2a: {  	v5 =	vshll.u32 v4, $0x3  }
0x2b: {  	v4 =	vand.u32 $0x7, v4;
	v5 =	vand.u32 $0xFFFFFFC0, v5  }
0x2c: {  	v4 =	vor.u32 v4, v5  }
0x2d: {  	v5 =	vperm.xlane v4, v1;
	_ =	sdelay $0x1  }
0x2e: {  	v5 =	vadd.s32 v2, v5;
	_ =	sdelay $0x4  }
0x2f: {  	[tilespmem:s5], [sflag:$0x1] =	stream.indirect_vreg.gather [hbm4b:s1+s2], $0x80, v5, vm0, $0xb8;
	[tilespmem:$0x10400] =	vst v63  }
0x30: {  	s19 =	simm.s32 $0xC00;
	v4 =	vperm.xlane v4, v3  }
0x31: {  	[tilespmem:s19], [sflag:$0x1] =	stream.indirect_vreg.gather [hbm4b:s7+s2], $0x80, v5, vm0, $0xb8;
	[tilespmem:$0x10400] =	vst v63  }
0x32: {  	s20 =	simm.s32 $0x1400;
	v4 =	vadd.s32 v2, v4  }
0x33: {  	[tilespmem:s20], [sflag:$0x1] =	stream.indirect_vreg.gather [hbm4b:s8+s2], $0x80, v5, vm0, $0xb8;
	[tilespmem:$0x10400] =	vst v63  }
0x34: {  	s25 =	simm.s32 $0x1C00  }
0x35: {  	[tilespmem:s25], [sflag:$0x1] =	stream.indirect_vreg.gather [hbm4b:s9+s2], $0x80, v5, vm0, $0xb8;
	[tilespmem:$0x10400] =	vst v63  }
0x36: {  	s26 =	simm.s32 $0x2400  }
0x37: {  	[tilespmem:s26], [sflag:$0x1] =	stream.indirect_vreg.gather [hbm4b:s1+s2], $0x80, v4, vm0, $0xb8;
	[tilespmem:$0x10400] =	vst v63  }
0x38: {  	s6 =	simm.s32 $0x2C00  }
0x39: {  	[tilespmem:s6], [sflag:$0x1] =	stream.indirect_vreg.gather [hbm4b:s7+s2], $0x80, v4, vm0, $0xb8;
	[tilespmem:$0x10400] =	vst v63  }
0x3a: {  	s10 =	simm.s32 $0x3400  }
0x3b: {  	[tilespmem:s10], [sflag:$0x1] =	stream.indirect_vreg.gather [hbm4b:s8+s2], $0x80, v4, vm0, $0xb8;
	[tilespmem:$0x10400] =	vst v63  }
0x3c: {  	s11 =	simm.s32 $0x3C00  }
0x3d: {  	[tilespmem:s11], [sflag:$0x1] =	stream.indirect_vreg.gather [hbm4b:s9+s2], $0x80, v4, vm0, $0xb8;
	[tilespmem:$0x10400] =	vst v63  }
0x3e: {  	v4 =	vld [tilespmem:s13+$0x10];
	_ =	sdelay $0x4  }
0x3f: {  	v5 =	vshll.u32 v4, $0x3  }
0x40: {  	v4 =	vand.u32 $0x7, v4;
	v5 =	vand.u32 $0xFFFFFFC0, v5  }
0x41: {  	v4 =	vor.u32 v4, v5  }
0x42: {  	v5 =	vperm.xlane v4, v1;
	_ =	sdelay $0x1  }
0x43: {  	v5 =	vadd.s32 v2, v5;
	_ =	sdelay $0x3  }
0x44: {  	s12 =	simm.s32 $0x4400  }
0x45: {  	[tilespmem:s12], [sflag:$0x1] =	stream.indirect_vreg.gather [hbm4b:s1+s2], $0x80, v5, vm0, $0xb8;
	[tilespmem:$0x10400] =	vst v63  }
0x46: {  	s14 =	simm.s32 $0x4C00;
	v4 =	vperm.xlane v4, v3  }
0x47: {  	[tilespmem:s14], [sflag:$0x1] =	stream.indirect_vreg.gather [hbm4b:s7+s2], $0x80, v5, vm0, $0xb8;
	[tilespmem:$0x10400] =	vst v63  }
0x48: {  	s15 =	simm.s32 $0x5400;
	v4 =	vadd.s32 v2, v4  }
0x49: {  	[tilespmem:s15], [sflag:$0x1] =	stream.indirect_vreg.gather [hbm4b:s8+s2], $0x80, v5, vm0, $0xb8;
	[tilespmem:$0x10400] =	vst v63  }
0x4a: {  	s16 =	simm.s32 $0x5C00  }
0x4b: {  	[tilespmem:s16], [sflag:$0x1] =	stream.indirect_vreg.gather [hbm4b:s9+s2], $0x80, v5, vm0, $0xb8;
	[tilespmem:$0x10400] =	vst v63  }
0x4c: {  	s18 =	simm.s32 $0x6400  }
0x4d: {  	[tilespmem:s18], [sflag:$0x1] =	stream.indirect_vreg.gather [hbm4b:s1+s2], $0x80, v4, vm0, $0xb8;
	[tilespmem:$0x10400] =	vst v63  }
0x4e: {  	s19 =	simm.s32 $0x6C00  }
0x4f: {  	[tilespmem:s19], [sflag:$0x1] =	stream.indirect_vreg.gather [hbm4b:s7+s2], $0x80, v4, vm0, $0xb8;
	[tilespmem:$0x10400] =	vst v63  }
0x50: {  	s20 =	simm.s32 $0x7400  }
0x51: {  	[tilespmem:s20], [sflag:$0x1] =	stream.indirect_vreg.gather [hbm4b:s8+s2], $0x80, v4, vm0, $0xb8;
	[tilespmem:$0x10400] =	vst v63  }
0x52: {  	s6 =	simm.s32 $0x7C00  }
0x53: {  	[tilespmem:s6], [sflag:$0x1] =	stream.indirect_vreg.gather [hbm4b:s9+s2], $0x80, v4, vm0, $0xb8;
	[tilespmem:$0x10400] =	vst v63  }
0x54: {  	_ =	swait.ge [sflag:s24], $0x8000  }
0x55: {  	[sflag:s24] =	ssyncset.done $0x0  }
0x56: {  	s12 =	rddreg [dreg:$0x6];
	[sflag:s24] =	ssyncadd.s32 $0xFFFF8000  }
0x57: {  	[hbm4b:s12+s2] =	stream.linear.scatter [tilespmem:s5], [sflag:$0x2], $0x8000, $0x38;
	[tilespmem:$0x10400] =	vst v63  }
0x58: {  	s12 =	rddreg [dreg:$0xf]  }
0x59: {  	v4 =	vld [tilespmem:s12+$0x0];
	_ =	sdelay $0x4  }
0x5a: {  	v5 =	vshll.u32 v4, $0x3  }
0x5b: {  	v4 =	vand.u32 $0x7, v4;
	v5 =	vand.u32 $0xFFFFFFC0, v5  }
0x5c: {  	v4 =	vor.u32 v4, v5  }
0x5d: {  	v5 =	vperm.xlane v4, v1;
	_ =	sdelay $0x1  }
0x5e: {  	v5 =	vadd.s32 v2, v5;
	_ =	sdelay $0x4  }
0x5f: {  	[tilespmem:s28], [sflag:$0x1] =	stream.indirect_vreg.gather [hbm4b:s1+s2], $0x80, v5, vm0, $0xb8;
	[tilespmem:$0x10400] =	vst v63  }
0x60: {  	s6 =	simm.s32 $0x8C00;
	v4 =	vperm.xlane v4, v3  }
0x61: {  	[tilespmem:s6], [sflag:$0x1] =	stream.indirect_vreg.gather [hbm4b:s7+s2], $0x80, v5, vm0, $0xb8;
	[tilespmem:$0x10400] =	vst v63  }
0x62: {  	v4 =	vadd.s32 v2, v4;
	s6 =	simm.s32 $0x9400  }
0x63: {  	[tilespmem:s6], [sflag:$0x1] =	stream.indirect_vreg.gather [hbm4b:s8+s2], $0x80, v5, vm0, $0xb8;
	[tilespmem:$0x10400] =	vst v63  }
0x64: {  	s6 =	simm.s32 $0x9C00  }
0x65: {  	[tilespmem:s6], [sflag:$0x1] =	stream.indirect_vreg.gather [hbm4b:s9+s2], $0x80, v5, vm0, $0xb8;
	[tilespmem:$0x10400] =	vst v63  }
0x66: {  	s6 =	simm.s32 $0xA400  }
0x67: {  	[tilespmem:s6], [sflag:$0x1] =	stream.indirect_vreg.gather [hbm4b:s1+s2], $0x80, v4, vm0, $0xb8;
	[tilespmem:$0x10400] =	vst v63  }
0x68: {  	s6 =	simm.s32 $0xAC00  }
0x69: {  	[tilespmem:s6], [sflag:$0x1] =	stream.indirect_vreg.gather [hbm4b:s7+s2], $0x80, v4, vm0, $0xb8;
	[tilespmem:$0x10400] =	vst v63  }
0x6a: {  	s6 =	simm.s32 $0xB400  }
0x6b: {  	[tilespmem:s6], [sflag:$0x1] =	stream.indirect_vreg.gather [hbm4b:s8+s2], $0x80, v4, vm0, $0xb8;
	[tilespmem:$0x10400] =	vst v63  }
0x6c: {  	s6 =	simm.s32 $0xBC00  }
0x6d: {  	[tilespmem:s6], [sflag:$0x1] =	stream.indirect_vreg.gather [hbm4b:s9+s2], $0x80, v4, vm0, $0xb8;
	[tilespmem:$0x10400] =	vst v63  }
0x6e: {  	v4 =	vld [tilespmem:s12+$0x10];
	_ =	sdelay $0x4  }
0x6f: {  	v5 =	vshll.u32 v4, $0x3  }
0x70: {  	v4 =	vand.u32 $0x7, v4;
	v5 =	vand.u32 $0xFFFFFFC0, v5  }
0x71: {  	v4 =	vor.u32 v4, v5  }
0x72: {  	v5 =	vperm.xlane v4, v1;
	_ =	sdelay $0x1  }
0x73: {  	v5 =	vadd.s32 v2, v5;
	_ =	sdelay $0x3  }
0x74: {  	s6 =	simm.s32 $0xC400  }
0x75: {  	[tilespmem:s6], [sflag:$0x1] =	stream.indirect_vreg.gather [hbm4b:s1+s2], $0x80, v5, vm0, $0xb8;
	[tilespmem:$0x10400] =	vst v63  }
0x76: {  	v4 =	vperm.xlane v4, v3;
	s6 =	simm.s32 $0xCC00  }
0x77: {  	[tilespmem:s6], [sflag:$0x1] =	stream.indirect_vreg.gather [hbm4b:s7+s2], $0x80, v5, vm0, $0xb8;
	[tilespmem:$0x10400] =	vst v63  }
0x78: {  	v4 =	vadd.s32 v2, v4;
	s6 =	simm.s32 $0xD400  }
0x79: {  	[tilespmem:s6], [sflag:$0x1] =	stream.indirect_vreg.gather [hbm4b:s8+s2], $0x80, v5, vm0, $0xb8;
	[tilespmem:$0x10400] =	vst v63  }
0x7a: {  	s6 =	simm.s32 $0xDC00  }
0x7b: {  	[tilespmem:s6], [sflag:$0x1] =	stream.indirect_vreg.gather [hbm4b:s9+s2], $0x80, v5, vm0, $0xb8;
	[tilespmem:$0x10400] =	vst v63  }
0x7c: {  	s6 =	simm.s32 $0xE400  }
0x7d: {  	[tilespmem:s6], [sflag:$0x1] =	stream.indirect_vreg.gather [hbm4b:s1+s2], $0x80, v4, vm0, $0xb8;
	[tilespmem:$0x10400] =	vst v63  }
0x7e: {  	s6 =	simm.s32 $0xEC00  }
0x7f: {  	[tilespmem:s6], [sflag:$0x1] =	stream.indirect_vreg.gather [hbm4b:s7+s2], $0x80, v4, vm0, $0xb8;
	[tilespmem:$0x10400] =	vst v63  }
0x80: {  	s6 =	simm.s32 $0xF400  }
0x81: {  	[tilespmem:s6], [sflag:$0x1] =	stream.indirect_vreg.gather [hbm4b:s8+s2], $0x80, v4, vm0, $0xb8;
	[tilespmem:$0x10400] =	vst v63  }
0x82: {  	s6 =	simm.s32 $0xFC00  }
0x83: {  	[tilespmem:s6], [sflag:$0x1] =	stream.indirect_vreg.gather [hbm4b:s9+s2], $0x80, v4, vm0, $0xb8;
	[tilespmem:$0x10400] =	vst v63  }
0x84: {  	_ =	swait.ge [sflag:s24], $0x8000  }
0x85: {  	[sflag:s24] =	ssyncset.done $0x0  }
0x86: {  	s6 =	rddreg [dreg:$0x7];
	[sflag:s24] =	ssyncadd.s32 $0xFFFF8000  }
0x87: {  	[hbm4b:s6+s2] =	stream.linear.scatter [tilespmem:s28], [sflag:$0x3], $0x8000, $0x38;
	[tilespmem:$0x10400] =	vst v63  }
0x88: {  	_ =	swait.ge [sflag:s30], $0x8000  }
0x89: {  	[sflag:s30] =	ssyncset.done $0x0  }
0x8a: {  	s6 =	rddreg [dreg:$0x10];
	[sflag:s30] =	ssyncadd.s32 $0xFFFF8000  }
0x8b: {  	v4 =	vld [tilespmem:s6+$0x0];
	_ =	sdelay $0x4  }
0x8c: {  	v5 =	vshll.u32 v4, $0x3  }
0x8d: {  	v4 =	vand.u32 $0x7, v4;
	v5 =	vand.u32 $0xFFFFFFC0, v5  }
0x8e: {  	v4 =	vor.u32 v4, v5  }
0x8f: {  	v5 =	vperm.xlane v4, v1;
	_ =	sdelay $0x1  }
0x90: {  	v5 =	vadd.s32 v2, v5;
	_ =	sdelay $0x4  }
0x91: {  	[tilespmem:s5], [sflag:$0x1] =	stream.indirect_vreg.gather [hbm4b:s1+s2], $0x80, v5, vm0, $0xb8;
	[tilespmem:$0x10400] =	vst v63  }
0x92: {  	s21 =	simm.s32 $0xC00;
	v4 =	vperm.xlane v4, v3  }
0x93: {  	[tilespmem:s21], [sflag:$0x1] =	stream.indirect_vreg.gather [hbm4b:s7+s2], $0x80, v5, vm0, $0xb8;
	[tilespmem:$0x10400] =	vst v63  }
0x94: {  	s29 =	simm.s32 $0x1400;
	v4 =	vadd.s32 v2, v4  }
0x95: {  	[tilespmem:s29], [sflag:$0x1] =	stream.indirect_vreg.gather [hbm4b:s8+s2], $0x80, v5, vm0, $0xb8;
	[tilespmem:$0x10400] =	vst v63  }
0x96: {  	s25 =	simm.s32 $0x1C00  }
0x97: {  	[tilespmem:s25], [sflag:$0x1] =	stream.indirect_vreg.gather [hbm4b:s9+s2], $0x80, v5, vm0, $0xb8;
	[tilespmem:$0x10400] =	vst v63  }
0x98: {  	s26 =	simm.s32 $0x2400  }
0x99: {  	[tilespmem:s26], [sflag:$0x1] =	stream.indirect_vreg.gather [hbm4b:s1+s2], $0x80, v4, vm0, $0xb8;
	[tilespmem:$0x10400] =	vst v63  }
0x9a: {  	s26 =	simm.s32 $0x2C00  }
0x9b: {  	[tilespmem:s26], [sflag:$0x1] =	stream.indirect_vreg.gather [hbm4b:s7+s2], $0x80, v4, vm0, $0xb8;
	[tilespmem:$0x10400] =	vst v63  }
0x9c: {  	s29 =	simm.s32 $0x3400  }
0x9d: {  	[tilespmem:s29], [sflag:$0x1] =	stream.indirect_vreg.gather [hbm4b:s8+s2], $0x80, v4, vm0, $0xb8;
	[tilespmem:$0x10400] =	vst v63  }
0x9e: {  	s10 =	simm.s32 $0x3C00  }
0x9f: {  	[tilespmem:s10], [sflag:$0x1] =	stream.indirect_vreg.gather [hbm4b:s9+s2], $0x80, v4, vm0, $0xb8;
	[tilespmem:$0x10400] =	vst v63  }
0xa0: {  	v4 =	vld [tilespmem:s6+$0x10];
	_ =	sdelay $0x4  }
0xa1: {  	v5 =	vshll.u32 v4, $0x3  }
0xa2: {  	v4 =	vand.u32 $0x7, v4;
	v5 =	vand.u32 $0xFFFFFFC0, v5  }
0xa3: {  	v4 =	vor.u32 v4, v5  }
0xa4: {  	v5 =	vperm.xlane v4, v1;
	_ =	sdelay $0x1  }
0xa5: {  	v5 =	vadd.s32 v2, v5;
	_ =	sdelay $0x3  }
0xa6: {  	s11 =	simm.s32 $0x4400  }
0xa7: {  	[tilespmem:s11], [sflag:$0x1] =	stream.indirect_vreg.gather [hbm4b:s1+s2], $0x80, v5, vm0, $0xb8;
	[tilespmem:$0x10400] =	vst v63  }
0xa8: {  	s14 =	simm.s32 $0x4C00;
	v4 =	vperm.xlane v4, v3  }
0xa9: {  	[tilespmem:s14], [sflag:$0x1] =	stream.indirect_vreg.gather [hbm4b:s7+s2], $0x80, v5, vm0, $0xb8;
	[tilespmem:$0x10400] =	vst v63  }
0xaa: {  	s10 =	simm.s32 $0x5400;
	v4 =	vadd.s32 v2, v4  }
0xab: {  	[tilespmem:s10], [sflag:$0x1] =	stream.indirect_vreg.gather [hbm4b:s8+s2], $0x80, v5, vm0, $0xb8;
	[tilespmem:$0x10400] =	vst v63  }
0xac: {  	s16 =	simm.s32 $0x5C00  }
0xad: {  	[tilespmem:s16], [sflag:$0x1] =	stream.indirect_vreg.gather [hbm4b:s9+s2], $0x80, v5, vm0, $0xb8;
	[tilespmem:$0x10400] =	vst v63  }
0xae: {  	s18 =	simm.s32 $0x6400  }
0xaf: {  	[tilespmem:s18], [sflag:$0x1] =	stream.indirect_vreg.gather [hbm4b:s1+s2], $0x80, v4, vm0, $0xb8;
	[tilespmem:$0x10400] =	vst v63  }
0xb0: {  	s19 =	simm.s32 $0x6C00  }
0xb1: {  	[tilespmem:s19], [sflag:$0x1] =	stream.indirect_vreg.gather [hbm4b:s7+s2], $0x80, v4, vm0, $0xb8;
	[tilespmem:$0x10400] =	vst v63  }
0xb2: {  	s20 =	simm.s32 $0x7400  }
0xb3: {  	[tilespmem:s20], [sflag:$0x1] =	stream.indirect_vreg.gather [hbm4b:s8+s2], $0x80, v4, vm0, $0xb8;
	[tilespmem:$0x10400] =	vst v63  }
0xb4: {  	s15 =	simm.s32 $0x7C00  }
0xb5: {  	[tilespmem:s15], [sflag:$0x1] =	stream.indirect_vreg.gather [hbm4b:s9+s2], $0x80, v4, vm0, $0xb8;
	[tilespmem:$0x10400] =	vst v63  }
0xb6: {  	_ =	swait.ge [sflag:s24], $0x8000  }
0xb7: {  	[sflag:s24] =	ssyncset.done $0x0  }
0xb8: {  	s11 =	rddreg [dreg:$0x8];
	[sflag:s24] =	ssyncadd.s32 $0xFFFF8000  }
0xb9: {  	[hbm4b:s11+s2] =	stream.linear.scatter [tilespmem:s5], [sflag:$0x2], $0x8000, $0x38;
	[tilespmem:$0x10400] =	vst v63  }
0xba: {  	_ =	swait.ge [sflag:s31], $0x8000  }
0xbb: {  	[sflag:s31] =	ssyncset.done $0x0  }
0xbc: {  	s29 =	rddreg [dreg:$0x12];
	[sflag:s31] =	ssyncadd.s32 $0xFFFF8000  }
0xbd: {  	v4 =	vld [tilespmem:s29+$0x0];
	_ =	sdelay $0x4  }
0xbe: {  	v5 =	vshll.u32 v4, $0x3  }
0xbf: {  	v4 =	vand.u32 $0x7, v4;
	v5 =	vand.u32 $0xFFFFFFC0, v5  }
0xc0: {  	v4 =	vor.u32 v4, v5  }
0xc1: {  	v5 =	vperm.xlane v4, v1;
	_ =	sdelay $0x1  }
0xc2: {  	v5 =	vadd.s32 v2, v5;
	_ =	sdelay $0x4  }
0xc3: {  	[tilespmem:s28], [sflag:$0x1] =	stream.indirect_vreg.gather [hbm4b:s1+s2], $0x80, v5, vm0, $0xb8;
	[tilespmem:$0x10400] =	vst v63  }
0xc4: {  	s14 =	simm.s32 $0x8C00;
	v4 =	vperm.xlane v4, v3  }
0xc5: {  	[tilespmem:s14], [sflag:$0x1] =	stream.indirect_vreg.gather [hbm4b:s7+s2], $0x80, v5, vm0, $0xb8;
	[tilespmem:$0x10400] =	vst v63  }
0xc6: {  	s15 =	simm.s32 $0x9400;
	v4 =	vadd.s32 v2, v4  }
0xc7: {  	[tilespmem:s15], [sflag:$0x1] =	stream.indirect_vreg.gather [hbm4b:s8+s2], $0x80, v5, vm0, $0xb8;
	[tilespmem:$0x10400] =	vst v63  }
0xc8: {  	s16 =	simm.s32 $0x9C00  }
0xc9: {  	[tilespmem:s16], [sflag:$0x1] =	stream.indirect_vreg.gather [hbm4b:s9+s2], $0x80, v5, vm0, $0xb8;
	[tilespmem:$0x10400] =	vst v63  }
0xca: {  	s19 =	simm.s32 $0xA400  }
0xcb: {  	[tilespmem:s19], [sflag:$0x1] =	stream.indirect_vreg.gather [hbm4b:s1+s2], $0x80, v4, vm0, $0xb8;
	[tilespmem:$0x10400] =	vst v63  }
0xcc: {  	s20 =	simm.s32 $0xAC00  }
0xcd: {  	[tilespmem:s20], [sflag:$0x1] =	stream.indirect_vreg.gather [hbm4b:s7+s2], $0x80, v4, vm0, $0xb8;
	[tilespmem:$0x10400] =	vst v63  }
0xce: {  	s21 =	simm.s32 $0xB400  }
0xcf: {  	[tilespmem:s21], [sflag:$0x1] =	stream.indirect_vreg.gather [hbm4b:s8+s2], $0x80, v4, vm0, $0xb8;
	[tilespmem:$0x10400] =	vst v63  }
0xd0: {  	s25 =	simm.s32 $0xBC00  }
0xd1: {  	[tilespmem:s25], [sflag:$0x1] =	stream.indirect_vreg.gather [hbm4b:s9+s2], $0x80, v4, vm0, $0xb8;
	[tilespmem:$0x10400] =	vst v63  }
0xd2: {  	v4 =	vld [tilespmem:s29+$0x10];
	_ =	sdelay $0x4  }
0xd3: {  	v5 =	vshll.u32 v4, $0x3  }
0xd4: {  	v4 =	vand.u32 $0x7, v4;
	v5 =	vand.u32 $0xFFFFFFC0, v5  }
0xd5: {  	v4 =	vor.u32 v4, v5  }
0xd6: {  	v5 =	vperm.xlane v4, v1;
	_ =	sdelay $0x1  }
0xd7: {  	v5 =	vadd.s32 v2, v5;
	_ =	sdelay $0x3  }
0xd8: {  	s26 =	simm.s32 $0xC400  }
0xd9: {  	[tilespmem:s26], [sflag:$0x1] =	stream.indirect_vreg.gather [hbm4b:s1+s2], $0x80, v5, vm0, $0xb8;
	[tilespmem:$0x10400] =	vst v63  }
0xda: {  	s16 =	simm.s32 $0xCC00;
	v4 =	vperm.xlane v4, v3  }
0xdb: {  	[tilespmem:s16], [sflag:$0x1] =	stream.indirect_vreg.gather [hbm4b:s7+s2], $0x80, v5, vm0, $0xb8;
	[tilespmem:$0x10400] =	vst v63  }
0xdc: {  	s19 =	simm.s32 $0xD400;
	v4 =	vadd.s32 v2, v4  }
0xdd: {  	[tilespmem:s19], [sflag:$0x1] =	stream.indirect_vreg.gather [hbm4b:s8+s2], $0x80, v5, vm0, $0xb8;
	[tilespmem:$0x10400] =	vst v63  }
0xde: {  	s20 =	simm.s32 $0xDC00  }
0xdf: {  	[tilespmem:s20], [sflag:$0x1] =	stream.indirect_vreg.gather [hbm4b:s9+s2], $0x80, v5, vm0, $0xb8;
	[tilespmem:$0x10400] =	vst v63  }
0xe0: {  	s21 =	simm.s32 $0xE400  }
0xe1: {  	[tilespmem:s21], [sflag:$0x1] =	stream.indirect_vreg.gather [hbm4b:s1+s2], $0x80, v4, vm0, $0xb8;
	[tilespmem:$0x10400] =	vst v63  }
0xe2: {  	s19 =	simm.s32 $0xEC00  }
0xe3: {  	[tilespmem:s19], [sflag:$0x1] =	stream.indirect_vreg.gather [hbm4b:s7+s2], $0x80, v4, vm0, $0xb8;
	[tilespmem:$0x10400] =	vst v63  }
0xe4: {  	s20 =	simm.s32 $0xF400  }
0xe5: {  	[tilespmem:s20], [sflag:$0x1] =	stream.indirect_vreg.gather [hbm4b:s8+s2], $0x80, v4, vm0, $0xb8;
	[tilespmem:$0x10400] =	vst v63  }
0xe6: {  	s3 =	simm.s32 $0xFC00  }
0xe7: {  	[tilespmem:s3], [sflag:$0x1] =	stream.indirect_vreg.gather [hbm4b:s9+s2], $0x80, v4, vm0, $0xb8;
	[tilespmem:$0x10400] =	vst v63  }
0xe8: {  	_ =	swait.ge [sflag:s24], $0x8000  }
0xe9: {  	[sflag:s24] =	ssyncset.done $0x0  }
0xea: {  	s3 =	rddreg [dreg:$0x9];
	[sflag:s24] =	ssyncadd.s32 $0xFFFF8000  }
0xeb: {  	[hbm4b:s3+s2] =	stream.linear.scatter [tilespmem:s28], [sflag:$0x3], $0x8000, $0x38;
	[tilespmem:$0x10400] =	vst v63  }
0xec: {  	_ =	swait.ge [sflag:s30], $0x8000  }
0xed: {  	[sflag:s30] =	ssyncset.done $0x0  }
0xee: {  	[sflag:s30] =	ssyncadd.s32 $0xFFFF8000  }
0xef: {  	v4 =	vld [tilespmem:s13+$0x0];
	_ =	sdelay $0x4  }
0xf0: {  	v5 =	vshll.u32 v4, $0x3  }
0xf1: {  	v4 =	vand.u32 $0x7, v4;
	v5 =	vand.u32 $0xFFFFFFC0, v5  }
0xf2: {  	v4 =	vor.u32 v4, v5  }
0xf3: {  	v5 =	vperm.xlane v4, v1;
	_ =	sdelay $0x1  }
0xf4: {  	v5 =	vadd.s32 v2, v5;
	_ =	sdelay $0x4  }
0xf5: {  	[tilespmem:s5], [sflag:$0x1] =	stream.indirect_vreg.gather [hbm4b:s4+s2], $0x80, v5, vm0, $0xb8;
	[tilespmem:$0x10400] =	vst v63  }
0xf6: {  	s3 =	simm.s32 $0xC00;
	v4 =	vperm.xlane v4, v3  }
0xf7: {  	[tilespmem:s3], [sflag:$0x1] =	stream.indirect_vreg.gather [hbm4b:s17+s2], $0x80, v5, vm0, $0xb8;
	[tilespmem:$0x10400] =	vst v63  }
0xf8: {  	v4 =	vadd.s32 v2, v4;
	s3 =	simm.s32 $0x1400  }
0xf9: {  	[tilespmem:s3], [sflag:$0x1] =	stream.indirect_vreg.gather [hbm4b:s22+s2], $0x80, v5, vm0, $0xb8;
	[tilespmem:$0x10400] =	vst v63  }
0xfa: {  	s3 =	simm.s32 $0x1C00  }
0xfb: {  	[tilespmem:s3], [sflag:$0x1] =	stream.indirect_vreg.gather [hbm4b:s23+s2], $0x80, v5, vm0, $0xb8;
	[tilespmem:$0x10400] =	vst v63  }
0xfc: {  	s3 =	simm.s32 $0x2400  }
0xfd: {  	[tilespmem:s3], [sflag:$0x1] =	stream.indirect_vreg.gather [hbm4b:s4+s2], $0x80, v4, vm0, $0xb8;
	[tilespmem:$0x10400] =	vst v63  }
0xfe: {  	s3 =	simm.s32 $0x2C00  }
0xff: {  	[tilespmem:s3], [sflag:$0x1] =	stream.indirect_vreg.gather [hbm4b:s17+s2], $0x80, v4, vm0, $0xb8;
	[tilespmem:$0x10400] =	vst v63  }
0x100: {  	s3 =	simm.s32 $0x3400  }
0x101: {  	[tilespmem:s3], [sflag:$0x1] =	stream.indirect_vreg.gather [hbm4b:s22+s2], $0x80, v4, vm0, $0xb8;
	[tilespmem:$0x10400] =	vst v63  }
0x102: {  	s3 =	simm.s32 $0x3C00  }
0x103: {  	[tilespmem:s3], [sflag:$0x1] =	stream.indirect_vreg.gather [hbm4b:s23+s2], $0x80, v4, vm0, $0xb8;
	[tilespmem:$0x10400] =	vst v63  }
0x104: {  	v4 =	vld [tilespmem:s13+$0x10];
	_ =	sdelay $0x4  }
0x105: {  	v5 =	vshll.u32 v4, $0x3  }
0x106: {  	v4 =	vand.u32 $0x7, v4;
	v5 =	vand.u32 $0xFFFFFFC0, v5  }
0x107: {  	v4 =	vor.u32 v4, v5  }
0x108: {  	v5 =	vperm.xlane v4, v1;
	_ =	sdelay $0x1  }
0x109: {  	v5 =	vadd.s32 v2, v5;
	_ =	sdelay $0x3  }
0x10a: {  	s13 =	simm.s32 $0x4400  }
0x10b: {  	[tilespmem:s13], [sflag:$0x1] =	stream.indirect_vreg.gather [hbm4b:s4+s2], $0x80, v5, vm0, $0xb8;
	[tilespmem:$0x10400] =	vst v63  }
0x10c: {  	v4 =	vperm.xlane v4, v3;
	s13 =	simm.s32 $0x4C00  }
0x10d: {  	[tilespmem:s13], [sflag:$0x1] =	stream.indirect_vreg.gather [hbm4b:s17+s2], $0x80, v5, vm0, $0xb8;
	[tilespmem:$0x10400] =	vst v63  }
0x10e: {  	v4 =	vadd.s32 v2, v4;
	s13 =	simm.s32 $0x5400  }
0x10f: {  	[tilespmem:s13], [sflag:$0x1] =	stream.indirect_vreg.gather [hbm4b:s22+s2], $0x80, v5, vm0, $0xb8;
	[tilespmem:$0x10400] =	vst v63  }
0x110: {  	s13 =	simm.s32 $0x5C00  }
0x111: {  	[tilespmem:s13], [sflag:$0x1] =	stream.indirect_vreg.gather [hbm4b:s23+s2], $0x80, v5, vm0, $0xb8;
	[tilespmem:$0x10400] =	vst v63  }
0x112: {  	s13 =	simm.s32 $0x6400  }
0x113: {  	[tilespmem:s13], [sflag:$0x1] =	stream.indirect_vreg.gather [hbm4b:s4+s2], $0x80, v4, vm0, $0xb8;
	[tilespmem:$0x10400] =	vst v63  }
0x114: {  	s13 =	simm.s32 $0x6C00  }
0x115: {  	[tilespmem:s13], [sflag:$0x1] =	stream.indirect_vreg.gather [hbm4b:s17+s2], $0x80, v4, vm0, $0xb8;
	[tilespmem:$0x10400] =	vst v63  }
0x116: {  	s13 =	simm.s32 $0x7400  }
0x117: {  	[tilespmem:s13], [sflag:$0x1] =	stream.indirect_vreg.gather [hbm4b:s22+s2], $0x80, v4, vm0, $0xb8;
	[tilespmem:$0x10400] =	vst v63  }
0x118: {  	s13 =	simm.s32 $0x7C00  }
0x119: {  	[tilespmem:s13], [sflag:$0x1] =	stream.indirect_vreg.gather [hbm4b:s23+s2], $0x80, v4, vm0, $0xb8;
	[tilespmem:$0x10400] =	vst v63  }
0x11a: {  	_ =	swait.ge [sflag:s24], $0x8000  }
0x11b: {  	[sflag:s24] =	ssyncset.done $0x0  }
0x11c: {  	s13 =	rddreg [dreg:$0xa];
	[sflag:s24] =	ssyncadd.s32 $0xFFFF8000  }
0x11d: {  	[hbm4b:s13+s2] =	stream.linear.scatter [tilespmem:s5], [sflag:$0x2], $0x8000, $0x38;
	[tilespmem:$0x10400] =	vst v63  }
0x11e: {  	_ =	swait.ge [sflag:s31], $0x8000  }
0x11f: {  	[sflag:s31] =	ssyncset.done $0x0  }
0x120: {  	[sflag:s31] =	ssyncadd.s32 $0xFFFF8000  }
0x121: {  	v4 =	vld [tilespmem:s12+$0x0];
	_ =	sdelay $0x4  }
0x122: {  	v5 =	vshll.u32 v4, $0x3  }
0x123: {  	v4 =	vand.u32 $0x7, v4;
	v5 =	vand.u32 $0xFFFFFFC0, v5  }
0x124: {  	v4 =	vor.u32 v4, v5  }
0x125: {  	v5 =	vperm.xlane v4, v1;
	_ =	sdelay $0x1  }
0x126: {  	v5 =	vadd.s32 v2, v5;
	_ =	sdelay $0x4  }
0x127: {  	[tilespmem:s28], [sflag:$0x1] =	stream.indirect_vreg.gather [hbm4b:s4+s2], $0x80, v5, vm0, $0xb8;
	[tilespmem:$0x10400] =	vst v63  }
0x128: {  	s18 =	simm.s32 $0x8C00;
	v4 =	vperm.xlane v4, v3  }
0x129: {  	[tilespmem:s18], [sflag:$0x1] =	stream.indirect_vreg.gather [hbm4b:s17+s2], $0x80, v5, vm0, $0xb8;
	[tilespmem:$0x10400] =	vst v63  }
0x12a: {  	s13 =	simm.s32 $0x9400;
	v4 =	vadd.s32 v2, v4  }
0x12b: {  	[tilespmem:s13], [sflag:$0x1] =	stream.indirect_vreg.gather [hbm4b:s22+s2], $0x80, v5, vm0, $0xb8;
	[tilespmem:$0x10400] =	vst v63  }
0x12c: {  	s11 =	simm.s32 $0x9C00  }
0x12d: {  	[tilespmem:s11], [sflag:$0x1] =	stream.indirect_vreg.gather [hbm4b:s23+s2], $0x80, v5, vm0, $0xb8;
	[tilespmem:$0x10400] =	vst v63  }
0x12e: {  	s10 =	simm.s32 $0xA400  }
0x12f: {  	[tilespmem:s10], [sflag:$0x1] =	stream.indirect_vreg.gather [hbm4b:s4+s2], $0x80, v4, vm0, $0xb8;
	[tilespmem:$0x10400] =	vst v63  }
0x130: {  	s14 =	simm.s32 $0xAC00  }
0x131: {  	[tilespmem:s14], [sflag:$0x1] =	stream.indirect_vreg.gather [hbm4b:s17+s2], $0x80, v4, vm0, $0xb8;
	[tilespmem:$0x10400] =	vst v63  }
0x132: {  	s15 =	simm.s32 $0xB400  }
0x133: {  	[tilespmem:s15], [sflag:$0x1] =	stream.indirect_vreg.gather [hbm4b:s22+s2], $0x80, v4, vm0, $0xb8;
	[tilespmem:$0x10400] =	vst v63  }
0x134: {  	s25 =	simm.s32 $0xBC00  }
0x135: {  	[tilespmem:s25], [sflag:$0x1] =	stream.indirect_vreg.gather [hbm4b:s23+s2], $0x80, v4, vm0, $0xb8;
	[tilespmem:$0x10400] =	vst v63  }
0x136: {  	v4 =	vld [tilespmem:s12+$0x10];
	_ =	sdelay $0x4  }
0x137: {  	v5 =	vshll.u32 v4, $0x3  }
0x138: {  	v4 =	vand.u32 $0x7, v4;
	v5 =	vand.u32 $0xFFFFFFC0, v5  }
0x139: {  	v4 =	vor.u32 v4, v5  }
0x13a: {  	v5 =	vperm.xlane v4, v1;
	_ =	sdelay $0x1  }
0x13b: {  	v5 =	vadd.s32 v2, v5;
	_ =	sdelay $0x3  }
0x13c: {  	s26 =	simm.s32 $0xC400  }
0x13d: {  	[tilespmem:s26], [sflag:$0x1] =	stream.indirect_vreg.gather [hbm4b:s4+s2], $0x80, v5, vm0, $0xb8;
	[tilespmem:$0x10400] =	vst v63  }
0x13e: {  	v4 =	vperm.xlane v4, v3;
	s26 =	simm.s32 $0xCC00  }
0x13f: {  	[tilespmem:s26], [sflag:$0x1] =	stream.indirect_vreg.gather [hbm4b:s17+s2], $0x80, v5, vm0, $0xb8;
	[tilespmem:$0x10400] =	vst v63  }
0x140: {  	s12 =	simm.s32 $0xD400;
	v4 =	vadd.s32 v2, v4  }
0x141: {  	[tilespmem:s12], [sflag:$0x1] =	stream.indirect_vreg.gather [hbm4b:s22+s2], $0x80, v5, vm0, $0xb8;
	[tilespmem:$0x10400] =	vst v63  }
0x142: {  	s16 =	simm.s32 $0xDC00  }
0x143: {  	[tilespmem:s16], [sflag:$0x1] =	stream.indirect_vreg.gather [hbm4b:s23+s2], $0x80, v5, vm0, $0xb8;
	[tilespmem:$0x10400] =	vst v63  }
0x144: {  	s21 =	simm.s32 $0xE400  }
0x145: {  	[tilespmem:s21], [sflag:$0x1] =	stream.indirect_vreg.gather [hbm4b:s4+s2], $0x80, v4, vm0, $0xb8;
	[tilespmem:$0x10400] =	vst v63  }
0x146: {  	s19 =	simm.s32 $0xEC00  }
0x147: {  	[tilespmem:s19], [sflag:$0x1] =	stream.indirect_vreg.gather [hbm4b:s17+s2], $0x80, v4, vm0, $0xb8;
	[tilespmem:$0x10400] =	vst v63  }
0x148: {  	s20 =	simm.s32 $0xF400  }
0x149: {  	[tilespmem:s20], [sflag:$0x1] =	stream.indirect_vreg.gather [hbm4b:s22+s2], $0x80, v4, vm0, $0xb8;
	[tilespmem:$0x10400] =	vst v63  }
0x14a: {  	s3 =	simm.s32 $0xFC00  }
0x14b: {  	[tilespmem:s3], [sflag:$0x1] =	stream.indirect_vreg.gather [hbm4b:s23+s2], $0x80, v4, vm0, $0xb8;
	[tilespmem:$0x10400] =	vst v63  }
0x14c: {  	_ =	swait.ge [sflag:s24], $0x8000  }
0x14d: {  	[sflag:s24] =	ssyncset.done $0x0  }
0x14e: {  	s3 =	rddreg [dreg:$0xb];
	[sflag:s24] =	ssyncadd.s32 $0xFFFF8000  }
0x14f: {  	[hbm4b:s3+s2] =	stream.linear.scatter [tilespmem:s28], [sflag:$0x3], $0x8000, $0x38;
	[tilespmem:$0x10400] =	vst v63  }
0x150: {  	_ =	swait.ge [sflag:s30], $0x8000  }
0x151: {  	[sflag:s30] =	ssyncset.done $0x0  }
0x152: {  	[sflag:s30] =	ssyncadd.s32 $0xFFFF8000  }
0x153: {  	v4 =	vld [tilespmem:s6+$0x0];
	_ =	sdelay $0x4  }
0x154: {  	v5 =	vshll.u32 v4, $0x3  }
0x155: {  	v4 =	vand.u32 $0x7, v4;
	v5 =	vand.u32 $0xFFFFFFC0, v5  }
0x156: {  	v4 =	vor.u32 v4, v5  }
0x157: {  	v5 =	vperm.xlane v4, v1;
	_ =	sdelay $0x1  }
0x158: {  	v5 =	vadd.s32 v2, v5;
	_ =	sdelay $0x4  }
0x159: {  	[tilespmem:s5], [sflag:$0x1] =	stream.indirect_vreg.gather [hbm4b:s4+s2], $0x80, v5, vm0, $0xb8;
	[tilespmem:$0x10400] =	vst v63  }
0x15a: {  	s3 =	simm.s32 $0xC00;
	v4 =	vperm.xlane v4, v3  }
0x15b: {  	[tilespmem:s3], [sflag:$0x1] =	stream.indirect_vreg.gather [hbm4b:s17+s2], $0x80, v5, vm0, $0xb8;
	[tilespmem:$0x10400] =	vst v63  }
0x15c: {  	v4 =	vadd.s32 v2, v4;
	s3 =	simm.s32 $0x1400  }
0x15d: {  	[tilespmem:s3], [sflag:$0x1] =	stream.indirect_vreg.gather [hbm4b:s22+s2], $0x80, v5, vm0, $0xb8;
	[tilespmem:$0x10400] =	vst v63  }
0x15e: {  	s3 =	simm.s32 $0x1C00  }
0x15f: {  	[tilespmem:s3], [sflag:$0x1] =	stream.indirect_vreg.gather [hbm4b:s23+s2], $0x80, v5, vm0, $0xb8;
	[tilespmem:$0x10400] =	vst v63  }
0x160: {  	s3 =	simm.s32 $0x2400  }
0x161: {  	[tilespmem:s3], [sflag:$0x1] =	stream.indirect_vreg.gather [hbm4b:s4+s2], $0x80, v4, vm0, $0xb8;
	[tilespmem:$0x10400] =	vst v63  }
0x162: {  	s3 =	simm.s32 $0x2C00  }
0x163: {  	[tilespmem:s3], [sflag:$0x1] =	stream.indirect_vreg.gather [hbm4b:s17+s2], $0x80, v4, vm0, $0xb8;
	[tilespmem:$0x10400] =	vst v63  }
0x164: {  	s3 =	simm.s32 $0x3400  }
0x165: {  	[tilespmem:s3], [sflag:$0x1] =	stream.indirect_vreg.gather [hbm4b:s22+s2], $0x80, v4, vm0, $0xb8;
	[tilespmem:$0x10400] =	vst v63  }
0x166: {  	s3 =	simm.s32 $0x3C00  }
0x167: {  	[tilespmem:s3], [sflag:$0x1] =	stream.indirect_vreg.gather [hbm4b:s23+s2], $0x80, v4, vm0, $0xb8;
	[tilespmem:$0x10400] =	vst v63  }
0x168: {  	v4 =	vld [tilespmem:s6+$0x10];
	_ =	sdelay $0x4  }
0x169: {  	v5 =	vshll.u32 v4, $0x3  }
0x16a: {  	v4 =	vand.u32 $0x7, v4;
	v5 =	vand.u32 $0xFFFFFFC0, v5  }
0x16b: {  	v4 =	vor.u32 v4, v5  }
0x16c: {  	v5 =	vperm.xlane v4, v1;
	_ =	sdelay $0x1  }
0x16d: {  	v5 =	vadd.s32 v2, v5;
	_ =	sdelay $0x3  }
0x16e: {  	s6 =	simm.s32 $0x4400  }
0x16f: {  	[tilespmem:s6], [sflag:$0x1] =	stream.indirect_vreg.gather [hbm4b:s4+s2], $0x80, v5, vm0, $0xb8;
	[tilespmem:$0x10400] =	vst v63  }
0x170: {  	v4 =	vperm.xlane v4, v3;
	s6 =	simm.s32 $0x4C00  }
0x171: {  	[tilespmem:s6], [sflag:$0x1] =	stream.indirect_vreg.gather [hbm4b:s17+s2], $0x80, v5, vm0, $0xb8;
	[tilespmem:$0x10400] =	vst v63  }
0x172: {  	v4 =	vadd.s32 v2, v4;
	s6 =	simm.s32 $0x5400  }
0x173: {  	[tilespmem:s6], [sflag:$0x1] =	stream.indirect_vreg.gather [hbm4b:s22+s2], $0x80, v5, vm0, $0xb8;
	[tilespmem:$0x10400] =	vst v63  }
0x174: {  	s6 =	simm.s32 $0x5C00  }
0x175: {  	[tilespmem:s6], [sflag:$0x1] =	stream.indirect_vreg.gather [hbm4b:s23+s2], $0x80, v5, vm0, $0xb8;
	[tilespmem:$0x10400] =	vst v63  }
0x176: {  	s6 =	simm.s32 $0x6400  }
0x177: {  	[tilespmem:s6], [sflag:$0x1] =	stream.indirect_vreg.gather [hbm4b:s4+s2], $0x80, v4, vm0, $0xb8;
	[tilespmem:$0x10400] =	vst v63  }
0x178: {  	s6 =	simm.s32 $0x6C00  }
0x179: {  	[tilespmem:s6], [sflag:$0x1] =	stream.indirect_vreg.gather [hbm4b:s17+s2], $0x80, v4, vm0, $0xb8;
	[tilespmem:$0x10400] =	vst v63  }
0x17a: {  	s6 =	simm.s32 $0x7400  }
0x17b: {  	[tilespmem:s6], [sflag:$0x1] =	stream.indirect_vreg.gather [hbm4b:s22+s2], $0x80, v4, vm0, $0xb8;
	[tilespmem:$0x10400] =	vst v63  }
0x17c: {  	s6 =	simm.s32 $0x7C00  }
0x17d: {  	[tilespmem:s6], [sflag:$0x1] =	stream.indirect_vreg.gather [hbm4b:s23+s2], $0x80, v4, vm0, $0xb8;
	[tilespmem:$0x10400] =	vst v63  }
0x17e: {  	_ =	swait.ge [sflag:s24], $0x8000  }
0x17f: {  	[sflag:s24] =	ssyncset.done $0x0  }
0x180: {  	s6 =	rddreg [dreg:$0xc];
	[sflag:s24] =	ssyncadd.s32 $0xFFFF8000  }
0x181: {  	[hbm4b:s6+s2] =	stream.linear.scatter [tilespmem:s5], [sflag:$0x2], $0x8000, $0x38;
	[tilespmem:$0x10400] =	vst v63  }
0x182: {  	_ =	swait.ge [sflag:s31], $0x8000  }
0x183: {  	[sflag:s31] =	ssyncset.done $0x0  }
0x184: {  	[sflag:s31] =	ssyncadd.s32 $0xFFFF8000  }
0x185: {  	v4 =	vld [tilespmem:s29+$0x0];
	_ =	sdelay $0x4  }
0x186: {  	v5 =	vshll.u32 v4, $0x3  }
0x187: {  	v4 =	vand.u32 $0x7, v4;
	v5 =	vand.u32 $0xFFFFFFC0, v5  }
0x188: {  	v4 =	vor.u32 v4, v5  }
0x189: {  	v5 =	vperm.xlane v4, v1;
	_ =	sdelay $0x1  }
0x18a: {  	v5 =	vadd.s32 v2, v5;
	_ =	sdelay $0x4  }
0x18b: {  	[tilespmem:s28], [sflag:$0x1] =	stream.indirect_vreg.gather [hbm4b:s4+s2], $0x80, v5, vm0, $0xb8;
	[tilespmem:$0x10400] =	vst v63  }
0x18c: {  	s18 =	simm.s32 $0x8C00;
	v4 =	vperm.xlane v4, v3  }
0x18d: {  	[tilespmem:s18], [sflag:$0x1] =	stream.indirect_vreg.gather [hbm4b:s17+s2], $0x80, v5, vm0, $0xb8;
	[tilespmem:$0x10400] =	vst v63  }
0x18e: {  	v4 =	vadd.s32 v2, v4  }
0x18f: {  	[tilespmem:s13], [sflag:$0x1] =	stream.indirect_vreg.gather [hbm4b:s22+s2], $0x80, v5, vm0, $0xb8;
	[tilespmem:$0x10400] =	vst v63  }
0x190: {  	s11 =	simm.s32 $0x9C00  }
0x191: {  	[tilespmem:s11], [sflag:$0x1] =	stream.indirect_vreg.gather [hbm4b:s23+s2], $0x80, v5, vm0, $0xb8;
	[tilespmem:$0x10400] =	vst v63  }
0x192: {  	s10 =	simm.s32 $0xA400  }
0x193: {  	[tilespmem:s10], [sflag:$0x1] =	stream.indirect_vreg.gather [hbm4b:s4+s2], $0x80, v4, vm0, $0xb8;
	[tilespmem:$0x10400] =	vst v63  }
0x194: {  	s14 =	simm.s32 $0xAC00  }
0x195: {  	[tilespmem:s14], [sflag:$0x1] =	stream.indirect_vreg.gather [hbm4b:s17+s2], $0x80, v4, vm0, $0xb8;
	[tilespmem:$0x10400] =	vst v63  }
0x196: {  	s15 =	simm.s32 $0xB400  }
0x197: {  	[tilespmem:s15], [sflag:$0x1] =	stream.indirect_vreg.gather [hbm4b:s22+s2], $0x80, v4, vm0, $0xb8;
	[tilespmem:$0x10400] =	vst v63  }
0x198: {  	s18 =	simm.s32 $0xBC00  }
0x199: {  	[tilespmem:s18], [sflag:$0x1] =	stream.indirect_vreg.gather [hbm4b:s23+s2], $0x80, v4, vm0, $0xb8;
	[tilespmem:$0x10400] =	vst v63  }
0x19a: {  	v4 =	vld [tilespmem:s29+$0x10];
	_ =	sdelay $0x4  }
0x19b: {  	v5 =	vshll.u32 v4, $0x3  }
0x19c: {  	v4 =	vand.u32 $0x7, v4;
	v5 =	vand.u32 $0xFFFFFFC0, v5  }
0x19d: {  	v4 =	vor.u32 v4, v5  }
0x19e: {  	v5 =	vperm.xlane v4, v1;
	_ =	sdelay $0x1  }
0x19f: {  	v5 =	vadd.s32 v2, v5;
	_ =	sdelay $0x3  }
0x1a0: {  	s25 =	simm.s32 $0xC400  }
0x1a1: {  	[tilespmem:s25], [sflag:$0x1] =	stream.indirect_vreg.gather [hbm4b:s4+s2], $0x80, v5, vm0, $0xb8;
	[tilespmem:$0x10400] =	vst v63  }
0x1a2: {  	s26 =	simm.s32 $0xCC00;
	v4 =	vperm.xlane v4, v3  }
0x1a3: {  	[tilespmem:s26], [sflag:$0x1] =	stream.indirect_vreg.gather [hbm4b:s17+s2], $0x80, v5, vm0, $0xb8;
	[tilespmem:$0x10400] =	vst v63  }
0x1a4: {  	v4 =	vadd.s32 v2, v4  }
0x1a5: {  	[tilespmem:s12], [sflag:$0x1] =	stream.indirect_vreg.gather [hbm4b:s22+s2], $0x80, v5, vm0, $0xb8;
	[tilespmem:$0x10400] =	vst v63  }
0x1a6: {  	s16 =	simm.s32 $0xDC00  }
0x1a7: {  	[tilespmem:s16], [sflag:$0x1] =	stream.indirect_vreg.gather [hbm4b:s23+s2], $0x80, v5, vm0, $0xb8;
	[tilespmem:$0x10400] =	vst v63  }
0x1a8: {  	s21 =	simm.s32 $0xE400  }
0x1a9: {  	[tilespmem:s21], [sflag:$0x1] =	stream.indirect_vreg.gather [hbm4b:s4+s2], $0x80, v4, vm0, $0xb8;
	[tilespmem:$0x10400] =	vst v63  }
0x1aa: {  	s19 =	simm.s32 $0xEC00  }
0x1ab: {  	[tilespmem:s19], [sflag:$0x1] =	stream.indirect_vreg.gather [hbm4b:s17+s2], $0x80, v4, vm0, $0xb8;
	[tilespmem:$0x10400] =	vst v63  }
0x1ac: {  	s20 =	simm.s32 $0xF400  }
0x1ad: {  	[tilespmem:s20], [sflag:$0x1] =	stream.indirect_vreg.gather [hbm4b:s22+s2], $0x80, v4, vm0, $0xb8;
	[tilespmem:$0x10400] =	vst v63  }
0x1ae: {  	s25 =	simm.s32 $0xFC00  }
0x1af: {  	[tilespmem:s25], [sflag:$0x1] =	stream.indirect_vreg.gather [hbm4b:s23+s2], $0x80, v4, vm0, $0xb8;
	[tilespmem:$0x10400] =	vst v63  }
0x1b0: {  	_ =	swait.ge [sflag:s24], $0x8000  }
0x1b1: {  	[sflag:s24] =	ssyncset.done $0x0  }
0x1b2: {  	s26 =	rddreg [dreg:$0xd];
	[sflag:s24] =	ssyncadd.s32 $0xFFFF8000  }
0x1b3: {  	[hbm4b:s26+s2] =	stream.linear.scatter [tilespmem:s28], [sflag:$0x3], $0x8000, $0x38;
	[tilespmem:$0x10400] =	vst v63  }
0x1b4: {  	_ =	swait.ge [sflag:s30], $0x8000  }
0x1b5: {  	[sflag:s30] =	ssyncset.done $0x0  }
0x1b6: {  	[sflag:s30] =	ssyncadd.s32 $0xFFFF8000  }
0x1b7: {  	_ =	swait.ge [sflag:s31], $0x8000  }
0x1b8: {  	s0 =	sadd.s32 $0x1, s0;
	s29 =	rddreg [dreg:$0xe]  }
0x1b9: {  	p0 =	sne.s32 s0, s29  }
.Ltmp1:
0x1ba: {  	_ = 	snop;
	(pc) =	sbr.rel @p0 .LBB2_1-.Ltmp1, $3  }
0x1bb: {  	_ =	sdelay $0x1  }
0x1bc: {  	[sflag:s31] =	ssyncset.done $0x0  }
0x1bd: {  	[sflag:s31] =	ssyncadd.s32 $0xFFFF8000  }
0x1be: {  	_ =	sfence.sel $0x180000  }
0x1bf: {  	[bflag:$0x0] =	sbarrier.arrive $0xFFFF  }
0x1c0: {  	_ =	strace $0x90000047  }
0x1c1: {  	s0 =	stileid.u32;
	[bflag:$0x2] =	sbarrier.arrive $0xFFFF  }
0x1c2: {  	p0 =	sne.s32 s0, $0x0;
	s0 =	rddreg [dreg:$0x4]  }
0x1c3: {  	s0 =	sadd.s32 @!p0 $0x100000, s0  }
0x1c4: {  	[sflag:s0] =	ssyncadd.tile.s32 @!p0 $0x1;
	_ =	shalt  }
.Lfunc_end2:
_tile_overlayer_lowered:
.L_overlay_start_2:
0x1c5: {  	(tag) =	ssettag $0x2  }
0x1c6: {  	s0 =	rddreg [dreg:$0x0];
	s2 =	stileid.u32  }
0x1c7: {  	s1 =	rddreg [dreg:$0x1];
	p0 =	sne.s32 s2, $0x0  }
0x1c8: {  	s3 =	rddreg [dreg:$0x2];
	[bflag:$0x3] =	sbarrier.arrive $0xFFFF;
	s2 =	simm.s32 @!p0 $0x1C04  }
0x1c9: {  	[timem:s3], [sflag:s2] =	dma.local @!p0 [hbm:s0], s1  }
0x1ca: {  	s0 =	simm.s32 @!p0 $0x4  }
0x1cb: {  	_ =	swait.ge @!p0 [sflag:s0], s1  }
0x1cc: {  	s1 =	ssub.s32 @!p0 $0x0, s1;
	[sflag:s0] =	ssyncset.done @!p0 $0x0  }
0x1cd: {  	[sflag:s0] =	ssyncadd.s32 @!p0 s1  }
0x1ce: {  	[bflag:$0x3] =	sbarrier.arrive $0xFFFF  }
0x1cf: {  	_ =	shalt  }

// kernel: kernel.8.cloned.1.call-start
scs
__scs_entry_jumppad:
0x0: {  	(pc) =	sbr.rel $0x88, $3  }
0x1: {  	(tag) =	ssettag $0x0;
	lr =	simm.s32 $0x1  }
0x2: {  	[smem:$0x3F9D] =	sst lr;
	_ =	strace $0xD0000000  }
0x3: {  	_ = 	snop  }
0x4: {  	_ = 	snop  }
0x5: {  	_ = 	snop  }
0x6: {  	_ = 	snop  }
0x7: {  	_ = 	snop  }
__scs_overlays_trampoline_lowered:
0x8: {  	[smem:$0x3FAC] =	sst s0  }
0x9: {  	[smem:$0x3FAD] =	sst s1  }
0xa: {  	[smem:$0x3FAE] =	sst s2  }
0xb: {  	[smem:$0x3FAF] =	sst s3  }
0xc: {  	[smem:$0x3FB0] =	sst s4  }
0xd: {  	[smem:$0x3FB1] =	sst s5  }
0xe: {  	[smem:$0x3FB2] =	sst s6  }
0xf: {  	[smem:$0x3FB3] =	sst s7  }
0x10: {  	[smem:$0x3FB4] =	sst s8  }
0x11: {  	[smem:$0x3FB5] =	sst s9;
	s0 =	simm.s32 @!p0 $0x0  }
0x12: {  	s1 =	sld [smem:$0x3F9B];
	s0 =	simm.s32 @p0 $0x1  }
0x13: {  	[smem:$0x3FB6] =	sst s0;
	s0 =	simm.s32 @!p1 $0x0  }
0x14: {  	s2 =	sld [smem:$0x3F9A];
	s0 =	simm.s32 @p1 $0x1  }
0x15: {  	[smem:$0x3FB7] =	sst s0;
	s0 =	simm.s32 @!p2 $0x0  }
0x16: {  	s3 =	sld [smem:$0x3FDB];
	s0 =	simm.s32 @p2 $0x1  }
0x17: {  	s4 =	simm.s32 $0x1BF5;
	[smem:$0x3FB9] =	sst s0  }
0x18: {  	s0 =	sld [smem:$0x3F9C];
	_ =	swait.ge [sflag:s4], $0x0  }
0x19: {  	s7 =	sld [smem:$0x3F9D]  }
0x1a: {  	s8 =	sadd.s32 $0xFFFFE003, lr  }
0x1b: {  	s9 =	sadd.s32 $0xFFFFFEF7, lr;
	s5 =	simm.s32 $0xFFFFFFFF;
	p2 =	slt.u32 s8, $0xFFFFF086  }
0x1c: {  	p1 =	slt.u32 s9, $0xF7A;
	s5 =	simm.s32 @!p2 $0x0  }
0x1d: {  	s5 =	simm.s32 @p1 $0x1;
	p0 =	seq.s32 s7, s2  }
0x1e: {  	s7 =	smul.u32 @!p0 $0xF7A, s2;
	p2 =	seq.s32 @!p0 s5, $0x0  }
0x1f: {  	s9 =	smul.u32 $0xF7A, s1;
	s8 =	simm.s32 @!p0 $0x1BF5;
	p2 =	por !p2, p0  }
0x20: {  	[sflag:s8] =	ssyncset.s32 @!p0 $0xFFFFF086;
	s6 =	sadd.s32 @!p0 s3, s7;
	s7 =	simm.s32 @!p0 $0x108  }
0x21: {  	s3 =	sadd.s32 s3, s9;
	s6 =	sadd.s32 @!p0 $0x88, s6;
	s7 =	simm.s32 @p2 $0x1082  }
0x22: {  	[simem:s7], [sflag:s8] =	dma.local @!p0 [hbm:s6], $0xF7A  }
0x23: {  	s9 =	sor.u32 $0xD0000000, s2;
	s6 =	simm.s32 $0x108;
	_ =	swait.ge @!p0 [sflag:s8], $0x0  }
0x24: {  	s3 =	sadd.s32 $0x88, s3;
	s6 =	simm.s32 @!p1 $0x1082;
	[sflag:s4] =	ssyncset.s32 $0xFFFFF086  }
0x25: {  	[simem:s6], [sflag:s4] =	dma.local [hbm:s3], $0xF7A  }
0x26: {  	[smem:$0x3F9D] =	sst s1;
	(tag) =	ssettag s2;
	_ =	strace s9  }
0x27: {  	s1 =	sld [smem:$0x3FAD]  }
0x28: {  	s2 =	sld [smem:$0x3FAE]  }
0x29: {  	s4 =	sld [smem:$0x3FB0]  }
0x2a: {  	p0 =	seq.s32 s5, $0x0;
	s5 =	sld [smem:$0x3FB1]  }
0x2b: {  	s6 =	sld [smem:$0x3FB2]  }
0x2c: {  	s7 =	sld [smem:$0x3FB3]  }
0x2d: {  	s3 =	simm.s32 $0x108;
	s8 =	sld [smem:$0x3FB4]  }
0x2e: {  	s3 =	simm.s32 @!p0 $0x1082;
	s9 =	sld [smem:$0x3FB5]  }
0x2f: {  	lr =	sadd.s32 s0, s3;
	s0 =	sld [smem:$0x3FAC]  }
0x30: {  	s3 =	sld [smem:$0x3FAF]  }
0x31: {  	[smem:$0x3FB8] =	sst s10  }
0x32: {  	s10 =	sld [smem:$0x3FB6];
	_ =	sdelay $0x3  }
0x33: {  	p0 =	seq.s32 s10, $0x1;
	s10 =	sld [smem:$0x3FB8];
	_ =	sdelay $0x3  }
0x34: {  	[smem:$0x3FB8] =	sst s10  }
0x35: {  	s10 =	sld [smem:$0x3FB7];
	_ =	sdelay $0x3  }
0x36: {  	p1 =	seq.s32 s10, $0x1;
	s10 =	sld [smem:$0x3FB8];
	_ =	sdelay $0x3  }
0x37: {  	[smem:$0x3FB8] =	sst s10  }
0x38: {  	s10 =	sld [smem:$0x3FB9]  }
0x39: {  	_ = 	snop;
	(pc) =	sbr.ind lr, $3  }
0x3a: {  	_ = 	snop  }
0x3b: {  	_ = 	snop  }
0x3c: {  	p2 =	seq.s32 s10, $0x1;
	s10 =	sld [smem:$0x3FB8]  }
0x3d: {  	_ =	shalt  }
0x3e: {  	_ =	shalt  }
0x3f: {  	_ =	shalt  }
0x40: {  	_ =	shalt  }
0x41: {  	_ =	shalt  }
0x42: {  	_ =	shalt  }
0x43: {  	_ =	shalt  }
0x44: {  	_ =	shalt  }
0x45: {  	_ =	shalt  }
0x46: {  	_ =	shalt  }
0x47: {  	_ =	shalt  }
0x48: {  	_ =	shalt  }
0x49: {  	_ =	shalt  }
0x4a: {  	_ =	shalt  }
0x4b: {  	_ =	shalt  }
0x4c: {  	_ =	shalt  }
0x4d: {  	_ =	shalt  }
0x4e: {  	_ =	shalt  }
0x4f: {  	_ =	shalt  }
0x50: {  	_ =	shalt  }
0x51: {  	_ =	shalt  }
0x52: {  	_ =	shalt  }
0x53: {  	_ =	shalt  }
0x54: {  	_ =	shalt  }
0x55: {  	_ =	shalt  }
0x56: {  	_ =	shalt  }
0x57: {  	_ =	shalt  }
0x58: {  	_ =	shalt  }
0x59: {  	_ =	shalt  }
0x5a: {  	_ =	shalt  }
0x5b: {  	_ =	shalt  }
0x5c: {  	_ =	shalt  }
0x5d: {  	_ =	shalt  }
0x5e: {  	_ =	shalt  }
0x5f: {  	_ =	shalt  }
0x60: {  	_ =	shalt  }
0x61: {  	_ =	shalt  }
0x62: {  	_ =	shalt  }
0x63: {  	_ =	shalt  }
0x64: {  	_ =	shalt  }
0x65: {  	_ =	shalt  }
0x66: {  	_ =	shalt  }
0x67: {  	_ =	shalt  }
0x68: {  	_ =	shalt  }
0x69: {  	_ =	shalt  }
0x6a: {  	_ =	shalt  }
0x6b: {  	_ =	shalt  }
0x6c: {  	_ =	shalt  }
0x6d: {  	_ =	shalt  }
0x6e: {  	_ =	shalt  }
0x6f: {  	_ =	shalt  }
0x70: {  	_ =	shalt  }
0x71: {  	_ =	shalt  }
0x72: {  	_ =	shalt  }
0x73: {  	_ =	shalt  }
0x74: {  	_ =	shalt  }
0x75: {  	_ =	shalt  }
0x76: {  	_ =	shalt  }
0x77: {  	_ =	shalt  }
0x78: {  	_ =	shalt  }
0x79: {  	_ =	shalt  }
0x7a: {  	_ =	shalt  }
0x7b: {  	_ =	shalt  }
0x7c: {  	_ =	shalt  }
0x7d: {  	_ =	shalt  }
0x7e: {  	_ =	shalt  }
0x7f: {  	_ =	shalt  }
0x80: {  	_ =	shalt  }
0x81: {  	_ =	shalt  }
0x82: {  	_ =	shalt  }
0x83: {  	_ =	shalt  }
0x84: {  	_ =	shalt  }
0x85: {  	_ =	shalt  }
0x86: {  	_ =	shalt  }
0x87: {  	_ =	shalt  }
.Lfunc_end0:
.L_simem_size_0:
called_computation_lowered:
.L_overlay_start_0:
0x88: {  	s2 =	sld [smem:$0x3FD9]  }
0x89: {  	s3 =	sld [smem:$0x3FFE];
	_ =	sdelay $0x1  }
0x8a: {  	s1 =	srdreg.scid  }
0x8b: {  	s0 =	sand.u32 $0x1, s1  }
0x8c: {  	s15 =	sshll.u32 s0, $0xA;
	s2 =	sadd.s32 s3, s2  }
0x8d: {  	s2 =	sadd.s32 s2, s15  }
0x8e: {  	[smem:$0x3FC4] =	sst s2  }
0x8f: {  	_ = 	snop  }
0x90: {  	s16 =	sld [smem:$0x3FD0];
	_ =	sdelay $0x2  }
0x91: {  	s4 =	simm.s32 $0xB;
	s5 =	simm.s32 $0x10;
	s2 =	sld [smem:$0x3FC8]  }
0x92: {  	[smem:s5], [sflag:s4] =	dma.local [hbm:s16], $0x1  }
0x93: {  	_ =	swait.eq [sflag:s4], $0x1  }
0x94: {  	[sflag:s4] =	ssyncset.done $0x0  }
0x95: {  	[sflag:s4] =	ssyncadd.s32 $0xFFFFFFFF  }
0x96: {  	s17 =	sld [smem:$0x12];
	(tm) =	ssettm $0x1  }
0x97: {  	s18 =	sld [smem:$0x3FFB];
	_ =	sdelay $0x3  }
0x98: {  	_ =	strace s18  }
0x99: {  	s3 =	sld [smem:$0x3FFC];
	_ =	sdelay $0x3  }
0x9a: {  	_ =	strace s3  }
0x9b: {  	s3 =	sld [smem:$0x3FFD];
	_ =	sdelay $0x3  }
0x9c: {  	_ =	strace s3  }
0x9d: {  	_ =	strace $0x8FFFFFFF  }
0x9e: {  	s19 =	sld [smem:$0x3FDB];
	_ =	sdelay $0x1  }
0x9f: {  	s20 =	simm.s32 $_scs_section_size  }
0xa0: {  	s6 =	simm.s32 $_size__tile_overlayer_lowered;
	s7 =	simm.s32 $_tile_overlayer_lowered  }
0xa1: {  	s8 =	simm.s32 $0x1BFF;
	s21 =	sshll.u32 s7, $0x1;
	s5 =	sadd.s32 s20, s19  }
0xa2: {  	s22 =	simm.s32 $0x0;
	s6 =	sshll.u32 s6, $0x1;
	s7 =	sadd.s32 s21, s5  }
0xa3: {  	[timem:s22], [sflag:s8] =	dma.local [hbm:s7], s6  }
0xa4: {  	_ =	swait.ge [sflag:s8], s6  }
0xa5: {  	s6 =	ssub.s32 $0x0, s6;
	[sflag:s8] =	ssyncset.done $0x0  }
0xa6: {  	[sflag:s8] =	ssyncadd.s32 s6;
	_ =	sdelay $0x1  }
0xa7: {  	s23 =	simm.s32 $0x1B8B  }
0xa8: {  	_ =	swait.ge [sflag:s23], $0x1  }
0xa9: {  	[sflag:s23] =	ssyncset.done $0x0  }
0xaa: {  	[sflag:s23] =	ssyncadd.s32 $0xFFFFFFFF  }
0xab: {  	s6 =	sld [smem:$0x0]  }
0xac: {  	s7 =	sand.u32 $0xFFFFFFFE, s1  }
0xad: {  	p0 =	sne.s32 s1, s7  }
0xae: {  	s7 =	sshll.u32 @p0 s7, $0xE  }
0xaf: {  	s7 =	sadd.s32 @p0 $0x11B8D, s7;
	s8 =	sshll.u32 @p0 s6, $0x11  }
0xb0: {  	s7 =	sor.u32 @p0 s8, s7  }
0xb1: {  	[sflag:s7] =	ssyncadd.remote.s32 @p0 $0x1;
	_ =	sdelay $0x1  }
0xb2: {  	s7 =	simm.s32 @p0 $0x1B8D  }
0xb3: {  	_ =	swait.eq @p0 [sflag:s7], $0x1  }
0xb4: {  	[sflag:s7] =	ssyncadd.s32 @p0 $0xFFFFFFFF  }
0xb5: {  	s8 =	sshll.u32 @!p0 s1, $0xE  }
0xb6: {  	s8 =	sor.u32 @!p0 $0x4000, s8;
	s7 =	simm.s32 @!p0 $0x1B8D  }
0xb7: {  	s6 =	sshll.u32 @!p0 s6, $0x11;
	s8 =	sadd.s32 @!p0 $0x11B8D, s8;
	_ =	swait.eq @!p0 [sflag:s7], $0x1  }
0xb8: {  	s6 =	sor.u32 @!p0 s6, s8;
	[sflag:s7] =	ssyncadd.s32 @!p0 $0xFFFFFFFF  }
0xb9: {  	s25 =	simm.s32 $0x1B8E;
	s24 =	sld [smem:$0x3FFE];
	[sflag:s6] =	ssyncadd.remote.s32 @!p0 $0x1  }
0xba: {  	s26 =	simm.s32 $execute0_lowered;
	[smem:$0x3FD2] =	sst s25  }
0xbb: {  	s7 =	sshll.u32 s26, $0x1;
	_ =	strace $0x80000049;
	[dreg:$0x1] =	wrdreg $0xFFFFFFFF  }
0xbc: {  	s28 =	simm.s32 $_size_execute0_lowered;
	s5 =	sadd.s32 s5, s7;
	[dreg:$0x0] =	wrdreg $0x0  }
0xbd: {  	s7 =	sshll.u32 s28, $0x1;
	[dreg:$0x2] =	wrdreg s5  }
0xbe: {  	[dreg:$0x3] =	wrdreg s7  }
0xbf: {  	[dreg:$0x4] =	wrdreg $0xC0  }
0xc0: {  	_ =	task [dreg:s22], $0x5FFFF  }
0xc1: {  	[dreg:$0x1] =	wrdreg $0xFFFFFFFF  }
0xc2: {  	[dreg:$0x0] =	wrdreg $0x60  }
0xc3: {  	[dreg:$0x2] =	wrdreg s2  }
0xc4: {  	[dreg:$0x3] =	wrdreg s17  }
0xc5: {  	[dreg:$0x4] =	wrdreg s24  }
0xc6: {  	[dreg:$0x5] =	wrdreg $0x9  }
0xc7: {  	_ =	task.clear_ibuf [dreg:s22], $0x6FFFF;
	_ =	strace $0x90000049  }
0xc8: {  	s29 =	simm.s32 $0x9;
	_ =	strace $0x8000004B  }
0xc9: {  	_ =	swait.ge [sflag:s29], $0x1  }
0xca: {  	[sflag:s29] =	ssyncadd.s32 $0xFFFFFFFF  }
0xcb: {  	_ =	strace $0x9000004B  }
0xcc: {  	_ =	sfence  }
0xcd: {  	s30 =	sld [smem:$0x0];
	_ =	sdelay $0x2  }
0xce: {  	s31 =	sshll.u32 s1, $0xD;
	s1 =	sshrl.u32 s1, $0x2  }
0xcf: {  	s4 =	sand.u32 $0x4000, s31;
	s1 =	sadd.s32 s1, s30  }
0xd0: {  	s0 =	sor.u32 s4, s0;
	s1 =	sshll.u32 s1, $0x11  }
0xd1: {  	s0 =	sor.u32 s1, s0  }
0xd2: {  	s0 =	sadd.s32 $0x8F2B, s0  }
0xd3: {  	[sflag:s0] =	ssyncadd.remote.s32 $0x1  }
0xd4: {  	_ =	sfence.sel $0xFFFF  }
0xd5: {  	[dreg:$0x0] =	wrdreg $0xFFFFFFFF;
	(pc) =	sbr.abs _section_cstart, $3  }
0xd6: {  	[dreg:$0x1] =	wrdreg $0xFFFFFFFF  }
0xd7: {  	_ =	task.clear_ibuf [dreg:s22], $0x2FFFF;
	_ =	strace $0x9FFFFFFF  }
0xd8: {  	(tm) =	ssettm $0x7FFFFFFF  }
0xd9: {  	_ =	shalt  }
tec
execute0_lowered:
.L_overlay_start_1:
0x0: {  	(tag) =	ssettag $0x1  }
0x1: {  	s2 =	srdreg.scid;
	s7 =	stileid.u32  }
0x2: {  	s1 =	rddreg [dreg:$0x0];
	s2 =	sand.u32 $0x1, s2;
	s5 =	sshll.u32 s7, $0x1  }
0x3: {  	s0 =	rddreg [dreg:$0x1];
	s5 =	sor.u32 s2, s5  }
0x4: {  	s4 =	rddreg [dreg:$0x2];
	s3 =	simm.s32 $0x0;
	s6 =	sshll.u32 s5, $0xF  }
0x5: {  	s30 =	simm.s32 $0x400;
	s14 =	simm.s32 $0x8400;
	s4 =	sadd.s32 s6, s4  }
0x6: {  	[smem:$0x7FF] =	sst s3;
	s21 =	sshrl.u32 s7, $0x2;
	s8 =	sadd.s32 $0x181200, s4  }
0x7: {  	_ =	strace $0x8000004A;
	s22 =	sadd.s32 $0x182200, s4;
	[dreg:$0x4] =	wrdreg s8  }
0x8: {  	s6 =	sshll.u32 s21, $0x4;
	s23 =	sadd.s32 $0x183200, s4;
	[dreg:$0x5] =	wrdreg s22  }
0x9: {  	s2 =	ssub.s32 $0x2, s2;
	s0 =	sadd.s32 s0, s6;
	[dreg:$0x6] =	wrdreg s23  }
0xa: {  	s7 =	sshll.u32 s21, $0xE;
	s24 =	sadd.s32 $0x184200, s4;
	[dreg:$0x7] =	wrdreg s0  }
0xb: {  	s20 =	sshrl.u32 s2, $0x1;
	s25 =	sadd.s32 $0x185200, s4;
	[dreg:$0x8] =	wrdreg s24  }
0xc: {  	s5 =	sshll.u32 s5, $0xB;
	s26 =	sadd.s32 $0x186200, s4;
	[dreg:$0x9] =	wrdreg s25  }
0xd: {  	s2 =	ssub.s32 s2, s20;
	s28 =	sadd.s32 $0x187200, s4;
	[dreg:$0xa] =	wrdreg s26  }
0xe: {  	s5 =	sand.u32 $0x3800, s5;
	s29 =	sadd.s32 $0x188200, s4;
	[dreg:$0xb] =	wrdreg s28  }
0xf: {  	v3 =	vlaneseq.u32;
	s21 =	simm.s32 $0x1;
	s31 =	smax.u32 s2, $0x1;
	[dreg:$0xc] =	wrdreg s29  }
0x10: {  	vm0 =	vmmov $0xffff;
	v1 =	vand.u32 $0x7, v3;
	v2 =	vshrl.u32 v3, $0x3;
	s5 =	sor.u32 s7, s5;
	[dreg:$0xd] =	wrdreg s31;
	s22 =	simm.s32 $0x3  }
0x11: {  	v3 =	vor.u32 $0x8, v3;
	v2 =	vmul.u32 $0x8, v2;
	v0 =	vmov s5;
	s23 =	simm.s32 $0x2;
	s24 =	simm.s32 $0x4;
	s25 =	simm.s32 $0x0  }
.LBB2_1:
0x12: {  	s26 =	rddreg [dreg:$0x7]  }
0x13: {  	s28 =	simm.s32 $0x80;
	s29 =	simm.s32 $0x200;
	s31 =	simm.s32 $0x5  }
0x14: {  	[tilespmem:s3], [sflag:$0x5] =	stream.strided.gather [hbm4b:s26+s28], $0x400, s29, s28, $0x38;
	[tilespmem:$0x10400] =	vst v63  }
0x15: {  	_ =	swait.ge [sflag:s31], $0x400  }
0x16: {  	[sflag:s31] =	ssyncset.done $0x0  }
0x17: {  	s26 =	simm.s32 $0x0;
	s28 =	simm.s32 $0x40;
	[sflag:s31] =	ssyncadd.s32 $0xFFFFFC00  }
.LBB2_2:
0x18: {  	p0 =	sne.s32 s28, $0xFC0;
	v4 =	vld [tilespmem:s26+$0x0];
	_ =	sdelay $0x1  }
.Ltmp0:
0x19: {  	(pc) =	sbr.rel @p0 .LBB2_2-.Ltmp0, $3  }
0x1a: {  	_ =	sdelay $0x1  }
0x1b: {  	v4 =	vadd.s32 v0, v4  }
0x1c: {  	[tilespmem:s26+$0x0] =	vst v4;
	s26 =	sshra.s32 s28, $0x2;
	s28 =	sadd.s32 $0x40, s28  }
0x1d: {  	v4 =	vld [tilespmem:s26+$0x0];
	_ =	sdelay $0x4  }
0x1e: {  	v4 =	vadd.s32 v0, v4  }
0x1f: {  	[tilespmem:s26+$0x0] =	vst v4  }
0x20: {  	v4 =	vld [tilespmem:$0x0];
	_ =	sdelay $0x4  }
0x21: {  	v5 =	vshll.u32 v4, $0x1  }
0x22: {  	v4 =	vand.u32 $0x7, v4;
	v5 =	vand.u32 $0xFFFFFFF0, v5  }
0x23: {  	v4 =	vor.u32 v4, v5  }
0x24: {  	v5 =	vperm.xlane v4, v1;
	_ =	sdelay $0x1  }
0x25: {  	v4 =	vperm.xlane v4, v3;
	v5 =	vadd.s32 v2, v5;
	_ =	sdelay $0x1  }
0x26: {  	v4 =	vadd.s32 v2, v4;
	_ =	sdelay $0x2  }
0x27: {  	[tilespmem:s30], [sflag:$0x1] =	stream.indirect_vreg.gather [hbm4b:s1+s3], $0x80, v5, vm0, $0xb8;
	[tilespmem:$0x10400] =	vst v63  }
0x28: {  	s0 =	simm.s32 $0xC00  }
0x29: {  	[tilespmem:s0], [sflag:$0x1] =	stream.indirect_vreg.gather [hbm4b:s1+s3], $0x80, v4, vm0, $0xb8;
	[tilespmem:$0x10400] =	vst v63  }
0x2a: {  	v4 =	vld [tilespmem:$0x10];
	_ =	sdelay $0x4  }
0x2b: {  	v5 =	vshll.u32 v4, $0x1  }
0x2c: {  	v4 =	vand.u32 $0x7, v4;
	v5 =	vand.u32 $0xFFFFFFF0, v5  }
0x2d: {  	v4 =	vor.u32 v4, v5  }
0x2e: {  	v5 =	vperm.xlane v4, v1;
	_ =	sdelay $0x1  }
0x2f: {  	v4 =	vperm.xlane v4, v3;
	v5 =	vadd.s32 v2, v5;
	_ =	sdelay $0x1  }
0x30: {  	v4 =	vadd.s32 v2, v4;
	_ =	sdelay $0x1  }
0x31: {  	s13 =	simm.s32 $0x1400  }
0x32: {  	[tilespmem:s13], [sflag:$0x1] =	stream.indirect_vreg.gather [hbm4b:s1+s3], $0x80, v5, vm0, $0xb8;
	[tilespmem:$0x10400] =	vst v63  }
0x33: {  	s15 =	simm.s32 $0x1C00  }
0x34: {  	[tilespmem:s15], [sflag:$0x1] =	stream.indirect_vreg.gather [hbm4b:s1+s3], $0x80, v4, vm0, $0xb8;
	[tilespmem:$0x10400] =	vst v63  }
0x35: {  	v4 =	vld [tilespmem:$0x20];
	_ =	sdelay $0x4  }
0x36: {  	v5 =	vshll.u32 v4, $0x1  }
0x37: {  	v4 =	vand.u32 $0x7, v4;
	v5 =	vand.u32 $0xFFFFFFF0, v5  }
0x38: {  	v4 =	vor.u32 v4, v5  }
0x39: {  	v5 =	vperm.xlane v4, v1;
	_ =	sdelay $0x1  }
0x3a: {  	v4 =	vperm.xlane v4, v3;
	v5 =	vadd.s32 v2, v5;
	_ =	sdelay $0x1  }
0x3b: {  	v4 =	vadd.s32 v2, v4;
	_ =	sdelay $0x1  }
0x3c: {  	s16 =	simm.s32 $0x2400  }
0x3d: {  	[tilespmem:s16], [sflag:$0x1] =	stream.indirect_vreg.gather [hbm4b:s1+s3], $0x80, v5, vm0, $0xb8;
	[tilespmem:$0x10400] =	vst v63  }
0x3e: {  	s18 =	simm.s32 $0x2C00  }
0x3f: {  	[tilespmem:s18], [sflag:$0x1] =	stream.indirect_vreg.gather [hbm4b:s1+s3], $0x80, v4, vm0, $0xb8;
	[tilespmem:$0x10400] =	vst v63  }
0x40: {  	v4 =	vld [tilespmem:$0x30];
	_ =	sdelay $0x4  }
0x41: {  	v5 =	vshll.u32 v4, $0x1  }
0x42: {  	v4 =	vand.u32 $0x7, v4;
	v5 =	vand.u32 $0xFFFFFFF0, v5  }
0x43: {  	v4 =	vor.u32 v4, v5  }
0x44: {  	v5 =	vperm.xlane v4, v1;
	_ =	sdelay $0x1  }
0x45: {  	v4 =	vperm.xlane v4, v3;
	v5 =	vadd.s32 v2, v5;
	_ =	sdelay $0x1  }
0x46: {  	v4 =	vadd.s32 v2, v4;
	_ =	sdelay $0x1  }
0x47: {  	s19 =	simm.s32 $0x3400  }
0x48: {  	[tilespmem:s19], [sflag:$0x1] =	stream.indirect_vreg.gather [hbm4b:s1+s3], $0x80, v5, vm0, $0xb8;
	[tilespmem:$0x10400] =	vst v63  }
0x49: {  	s26 =	simm.s32 $0x3C00  }
0x4a: {  	[tilespmem:s26], [sflag:$0x1] =	stream.indirect_vreg.gather [hbm4b:s1+s3], $0x80, v4, vm0, $0xb8;
	[tilespmem:$0x10400] =	vst v63  }
0x4b: {  	v4 =	vld [tilespmem:$0x40];
	_ =	sdelay $0x4  }
0x4c: {  	v5 =	vshll.u32 v4, $0x1  }
0x4d: {  	v4 =	vand.u32 $0x7, v4;
	v5 =	vand.u32 $0xFFFFFFF0, v5  }
0x4e: {  	v4 =	vor.u32 v4, v5  }
0x4f: {  	v5 =	vperm.xlane v4, v1;
	_ =	sdelay $0x1  }
0x50: {  	v4 =	vperm.xlane v4, v3;
	v5 =	vadd.s32 v2, v5;
	_ =	sdelay $0x1  }
0x51: {  	v4 =	vadd.s32 v2, v4;
	_ =	sdelay $0x1  }
0x52: {  	s28 =	simm.s32 $0x4400  }
0x53: {  	[tilespmem:s28], [sflag:$0x1] =	stream.indirect_vreg.gather [hbm4b:s1+s3], $0x80, v5, vm0, $0xb8;
	[tilespmem:$0x10400] =	vst v63  }
0x54: {  	s29 =	simm.s32 $0x4C00  }
0x55: {  	[tilespmem:s29], [sflag:$0x1] =	stream.indirect_vreg.gather [hbm4b:s1+s3], $0x80, v4, vm0, $0xb8;
	[tilespmem:$0x10400] =	vst v63  }
0x56: {  	v4 =	vld [tilespmem:$0x50];
	_ =	sdelay $0x4  }
0x57: {  	v5 =	vshll.u32 v4, $0x1  }
0x58: {  	v4 =	vand.u32 $0x7, v4;
	v5 =	vand.u32 $0xFFFFFFF0, v5  }
0x59: {  	v4 =	vor.u32 v4, v5  }
0x5a: {  	v5 =	vperm.xlane v4, v1;
	_ =	sdelay $0x1  }
0x5b: {  	v4 =	vperm.xlane v4, v3;
	v5 =	vadd.s32 v2, v5;
	_ =	sdelay $0x1  }
0x5c: {  	v4 =	vadd.s32 v2, v4;
	_ =	sdelay $0x1  }
0x5d: {  	s31 =	simm.s32 $0x5400  }
0x5e: {  	[tilespmem:s31], [sflag:$0x1] =	stream.indirect_vreg.gather [hbm4b:s1+s3], $0x80, v5, vm0, $0xb8;
	[tilespmem:$0x10400] =	vst v63  }
0x5f: {  	s2 =	simm.s32 $0x5C00  }
0x60: {  	[tilespmem:s2], [sflag:$0x1] =	stream.indirect_vreg.gather [hbm4b:s1+s3], $0x80, v4, vm0, $0xb8;
	[tilespmem:$0x10400] =	vst v63  }
0x61: {  	v4 =	vld [tilespmem:$0x60];
	_ =	sdelay $0x4  }
0x62: {  	v5 =	vshll.u32 v4, $0x1  }
0x63: {  	v4 =	vand.u32 $0x7, v4;
	v5 =	vand.u32 $0xFFFFFFF0, v5  }
0x64: {  	v4 =	vor.u32 v4, v5  }
0x65: {  	v5 =	vperm.xlane v4, v1;
	_ =	sdelay $0x1  }
0x66: {  	v4 =	vperm.xlane v4, v3;
	v5 =	vadd.s32 v2, v5;
	_ =	sdelay $0x1  }
0x67: {  	v4 =	vadd.s32 v2, v4;
	_ =	sdelay $0x1  }
0x68: {  	s10 =	simm.s32 $0x6400  }
0x69: {  	[tilespmem:s10], [sflag:$0x1] =	stream.indirect_vreg.gather [hbm4b:s1+s3], $0x80, v5, vm0, $0xb8;
	[tilespmem:$0x10400] =	vst v63  }
0x6a: {  	s11 =	simm.s32 $0x6C00  }
0x6b: {  	[tilespmem:s11], [sflag:$0x1] =	stream.indirect_vreg.gather [hbm4b:s1+s3], $0x80, v4, vm0, $0xb8;
	[tilespmem:$0x10400] =	vst v63  }
0x6c: {  	v4 =	vld [tilespmem:$0x70];
	_ =	sdelay $0x4  }
0x6d: {  	v5 =	vshll.u32 v4, $0x1  }
0x6e: {  	v4 =	vand.u32 $0x7, v4;
	v5 =	vand.u32 $0xFFFFFFF0, v5  }
0x6f: {  	v4 =	vor.u32 v4, v5  }
0x70: {  	v5 =	vperm.xlane v4, v1;
	_ =	sdelay $0x1  }
0x71: {  	v4 =	vperm.xlane v4, v3;
	v5 =	vadd.s32 v2, v5;
	_ =	sdelay $0x1  }
0x72: {  	v4 =	vadd.s32 v2, v4;
	_ =	sdelay $0x1  }
0x73: {  	s12 =	simm.s32 $0x7400  }
0x74: {  	[tilespmem:s12], [sflag:$0x1] =	stream.indirect_vreg.gather [hbm4b:s1+s3], $0x80, v5, vm0, $0xb8;
	[tilespmem:$0x10400] =	vst v63  }
0x75: {  	s13 =	simm.s32 $0x7C00  }
0x76: {  	[tilespmem:s13], [sflag:$0x1] =	stream.indirect_vreg.gather [hbm4b:s1+s3], $0x80, v4, vm0, $0xb8;
	[tilespmem:$0x10400] =	vst v63  }
0x77: {  	v4 =	vld [tilespmem:$0x80];
	_ =	sdelay $0x4  }
0x78: {  	v5 =	vshll.u32 v4, $0x1  }
0x79: {  	v4 =	vand.u32 $0x7, v4;
	v5 =	vand.u32 $0xFFFFFFF0, v5  }
0x7a: {  	v4 =	vor.u32 v4, v5  }
0x7b: {  	v5 =	vperm.xlane v4, v1;
	_ =	sdelay $0x1  }
0x7c: {  	v4 =	vperm.xlane v4, v3;
	v5 =	vadd.s32 v2, v5;
	_ =	sdelay $0x1  }
0x7d: {  	v4 =	vadd.s32 v2, v4;
	_ =	sdelay $0x2  }
0x7e: {  	[tilespmem:s14], [sflag:$0x2] =	stream.indirect_vreg.gather [hbm4b:s1+s3], $0x80, v5, vm0, $0xb8;
	[tilespmem:$0x10400] =	vst v63  }
0x7f: {  	s15 =	simm.s32 $0x8C00  }
0x80: {  	[tilespmem:s15], [sflag:$0x2] =	stream.indirect_vreg.gather [hbm4b:s1+s3], $0x80, v4, vm0, $0xb8;
	[tilespmem:$0x10400] =	vst v63  }
0x81: {  	v4 =	vld [tilespmem:$0x90];
	_ =	sdelay $0x4  }
0x82: {  	v5 =	vshll.u32 v4, $0x1  }
0x83: {  	v4 =	vand.u32 $0x7, v4;
	v5 =	vand.u32 $0xFFFFFFF0, v5  }
0x84: {  	v4 =	vor.u32 v4, v5  }
0x85: {  	v5 =	vperm.xlane v4, v1;
	_ =	sdelay $0x1  }
0x86: {  	v4 =	vperm.xlane v4, v3;
	v5 =	vadd.s32 v2, v5;
	_ =	sdelay $0x1  }
0x87: {  	v4 =	vadd.s32 v2, v4;
	_ =	sdelay $0x1  }
0x88: {  	s18 =	simm.s32 $0x9400  }
0x89: {  	[tilespmem:s18], [sflag:$0x2] =	stream.indirect_vreg.gather [hbm4b:s1+s3], $0x80, v5, vm0, $0xb8;
	[tilespmem:$0x10400] =	vst v63  }
0x8a: {  	s19 =	simm.s32 $0x9C00  }
0x8b: {  	[tilespmem:s19], [sflag:$0x2] =	stream.indirect_vreg.gather [hbm4b:s1+s3], $0x80, v4, vm0, $0xb8;
	[tilespmem:$0x10400] =	vst v63  }
0x8c: {  	v4 =	vld [tilespmem:$0xA0];
	_ =	sdelay $0x4  }
0x8d: {  	v5 =	vshll.u32 v4, $0x1  }
0x8e: {  	v4 =	vand.u32 $0x7, v4;
	v5 =	vand.u32 $0xFFFFFFF0, v5  }
0x8f: {  	v4 =	vor.u32 v4, v5  }
0x90: {  	v5 =	vperm.xlane v4, v1;
	_ =	sdelay $0x1  }
0x91: {  	v4 =	vperm.xlane v4, v3;
	v5 =	vadd.s32 v2, v5;
	_ =	sdelay $0x1  }
0x92: {  	v4 =	vadd.s32 v2, v4;
	_ =	sdelay $0x1  }
0x93: {  	s26 =	simm.s32 $0xA400  }
0x94: {  	[tilespmem:s26], [sflag:$0x2] =	stream.indirect_vreg.gather [hbm4b:s1+s3], $0x80, v5, vm0, $0xb8;
	[tilespmem:$0x10400] =	vst v63  }
0x95: {  	s28 =	simm.s32 $0xAC00  }
0x96: {  	[tilespmem:s28], [sflag:$0x2] =	stream.indirect_vreg.gather [hbm4b:s1+s3], $0x80, v4, vm0, $0xb8;
	[tilespmem:$0x10400] =	vst v63  }
0x97: {  	v4 =	vld [tilespmem:$0xB0];
	_ =	sdelay $0x4  }
0x98: {  	v5 =	vshll.u32 v4, $0x1  }
0x99: {  	v4 =	vand.u32 $0x7, v4;
	v5 =	vand.u32 $0xFFFFFFF0, v5  }
0x9a: {  	v4 =	vor.u32 v4, v5  }
0x9b: {  	v5 =	vperm.xlane v4, v1;
	_ =	sdelay $0x1  }
0x9c: {  	v4 =	vperm.xlane v4, v3;
	v5 =	vadd.s32 v2, v5;
	_ =	sdelay $0x1  }
0x9d: {  	v4 =	vadd.s32 v2, v4;
	_ =	sdelay $0x1  }
0x9e: {  	s29 =	simm.s32 $0xB400  }
0x9f: {  	[tilespmem:s29], [sflag:$0x2] =	stream.indirect_vreg.gather [hbm4b:s1+s3], $0x80, v5, vm0, $0xb8;
	[tilespmem:$0x10400] =	vst v63  }
0xa0: {  	s31 =	simm.s32 $0xBC00  }
0xa1: {  	[tilespmem:s31], [sflag:$0x2] =	stream.indirect_vreg.gather [hbm4b:s1+s3], $0x80, v4, vm0, $0xb8;
	[tilespmem:$0x10400] =	vst v63  }
0xa2: {  	v4 =	vld [tilespmem:$0xC0];
	_ =	sdelay $0x4  }
0xa3: {  	v5 =	vshll.u32 v4, $0x1  }
0xa4: {  	v4 =	vand.u32 $0x7, v4;
	v5 =	vand.u32 $0xFFFFFFF0, v5  }
0xa5: {  	v4 =	vor.u32 v4, v5  }
0xa6: {  	v5 =	vperm.xlane v4, v1;
	_ =	sdelay $0x1  }
0xa7: {  	v4 =	vperm.xlane v4, v3;
	v5 =	vadd.s32 v2, v5;
	_ =	sdelay $0x1  }
0xa8: {  	v4 =	vadd.s32 v2, v4;
	_ =	sdelay $0x1  }
0xa9: {  	s0 =	simm.s32 $0xC400  }
0xaa: {  	[tilespmem:s0], [sflag:$0x2] =	stream.indirect_vreg.gather [hbm4b:s1+s3], $0x80, v5, vm0, $0xb8;
	[tilespmem:$0x10400] =	vst v63  }
0xab: {  	s10 =	simm.s32 $0xCC00  }
0xac: {  	[tilespmem:s10], [sflag:$0x2] =	stream.indirect_vreg.gather [hbm4b:s1+s3], $0x80, v4, vm0, $0xb8;
	[tilespmem:$0x10400] =	vst v63  }
0xad: {  	v4 =	vld [tilespmem:$0xD0];
	_ =	sdelay $0x4  }
0xae: {  	v5 =	vshll.u32 v4, $0x1  }
0xaf: {  	v4 =	vand.u32 $0x7, v4;
	v5 =	vand.u32 $0xFFFFFFF0, v5  }
0xb0: {  	v4 =	vor.u32 v4, v5  }
0xb1: {  	v5 =	vperm.xlane v4, v1;
	_ =	sdelay $0x1  }
0xb2: {  	v4 =	vperm.xlane v4, v3;
	v5 =	vadd.s32 v2, v5;
	_ =	sdelay $0x1  }
0xb3: {  	v4 =	vadd.s32 v2, v4;
	_ =	sdelay $0x1  }
0xb4: {  	s11 =	simm.s32 $0xD400  }
0xb5: {  	[tilespmem:s11], [sflag:$0x2] =	stream.indirect_vreg.gather [hbm4b:s1+s3], $0x80, v5, vm0, $0xb8;
	[tilespmem:$0x10400] =	vst v63  }
0xb6: {  	s12 =	simm.s32 $0xDC00  }
0xb7: {  	[tilespmem:s12], [sflag:$0x2] =	stream.indirect_vreg.gather [hbm4b:s1+s3], $0x80, v4, vm0, $0xb8;
	[tilespmem:$0x10400] =	vst v63  }
0xb8: {  	v4 =	vld [tilespmem:$0xE0];
	_ =	sdelay $0x4  }
0xb9: {  	v5 =	vshll.u32 v4, $0x1  }
0xba: {  	v4 =	vand.u32 $0x7, v4;
	v5 =	vand.u32 $0xFFFFFFF0, v5  }
0xbb: {  	v4 =	vor.u32 v4, v5  }
0xbc: {  	v5 =	vperm.xlane v4, v1;
	_ =	sdelay $0x1  }
0xbd: {  	v4 =	vperm.xlane v4, v3;
	v5 =	vadd.s32 v2, v5;
	_ =	sdelay $0x1  }
0xbe: {  	v4 =	vadd.s32 v2, v4;
	_ =	sdelay $0x1  }
0xbf: {  	s13 =	simm.s32 $0xE400  }
0xc0: {  	[tilespmem:s13], [sflag:$0x2] =	stream.indirect_vreg.gather [hbm4b:s1+s3], $0x80, v5, vm0, $0xb8;
	[tilespmem:$0x10400] =	vst v63  }
0xc1: {  	s19 =	simm.s32 $0xEC00  }
0xc2: {  	[tilespmem:s19], [sflag:$0x2] =	stream.indirect_vreg.gather [hbm4b:s1+s3], $0x80, v4, vm0, $0xb8;
	[tilespmem:$0x10400] =	vst v63  }
0xc3: {  	v4 =	vld [tilespmem:$0xF0];
	_ =	sdelay $0x4  }
0xc4: {  	v5 =	vshll.u32 v4, $0x1  }
0xc5: {  	v4 =	vand.u32 $0x7, v4;
	v5 =	vand.u32 $0xFFFFFFF0, v5  }
0xc6: {  	v4 =	vor.u32 v4, v5  }
0xc7: {  	v5 =	vperm.xlane v4, v1;
	_ =	sdelay $0x1  }
0xc8: {  	v4 =	vperm.xlane v4, v3;
	v5 =	vadd.s32 v2, v5;
	_ =	sdelay $0x1  }
0xc9: {  	v4 =	vadd.s32 v2, v4;
	_ =	sdelay $0x1  }
0xca: {  	s29 =	simm.s32 $0xF400  }
0xcb: {  	[tilespmem:s29], [sflag:$0x2] =	stream.indirect_vreg.gather [hbm4b:s1+s3], $0x80, v5, vm0, $0xb8;
	[tilespmem:$0x10400] =	vst v63  }
0xcc: {  	s31 =	simm.s32 $0xFC00  }
0xcd: {  	[tilespmem:s31], [sflag:$0x2] =	stream.indirect_vreg.gather [hbm4b:s1+s3], $0x80, v4, vm0, $0xb8;
	[tilespmem:$0x10400] =	vst v63  }
0xce: {  	_ =	swait.ge [sflag:s21], $0x8000  }
0xcf: {  	[sflag:s21] =	ssyncset.done $0x0  }
0xd0: {  	s0 =	rddreg [dreg:$0x4];
	[sflag:s21] =	ssyncadd.s32 $0xFFFF8000  }
0xd1: {  	[hbm4b:s0+s3] =	stream.linear.scatter [tilespmem:s30], [sflag:$0x3], $0x8000, $0x38;
	[tilespmem:$0x10400] =	vst v63  }
0xd2: {  	_ =	swait.ge [sflag:s22], $0x8000  }
0xd3: {  	[sflag:s22] =	ssyncset.done $0x0  }
0xd4: {  	[sflag:s22] =	ssyncadd.s32 $0xFFFF8000  }
0xd5: {  	v4 =	vld [tilespmem:$0x100];
	_ =	sdelay $0x4  }
0xd6: {  	v5 =	vshll.u32 v4, $0x1  }
0xd7: {  	v4 =	vand.u32 $0x7, v4;
	v5 =	vand.u32 $0xFFFFFFF0, v5  }
0xd8: {  	v4 =	vor.u32 v4, v5  }
0xd9: {  	v5 =	vperm.xlane v4, v1;
	_ =	sdelay $0x1  }
0xda: {  	v4 =	vperm.xlane v4, v3;
	v5 =	vadd.s32 v2, v5;
	_ =	sdelay $0x1  }
0xdb: {  	v4 =	vadd.s32 v2, v4;
	_ =	sdelay $0x2  }
0xdc: {  	[tilespmem:s30], [sflag:$0x1] =	stream.indirect_vreg.gather [hbm4b:s1+s3], $0x80, v5, vm0, $0xb8;
	[tilespmem:$0x10400] =	vst v63  }
0xdd: {  	s17 =	simm.s32 $0xC00  }
0xde: {  	[tilespmem:s17], [sflag:$0x1] =	stream.indirect_vreg.gather [hbm4b:s1+s3], $0x80, v4, vm0, $0xb8;
	[tilespmem:$0x10400] =	vst v63  }
0xdf: {  	v4 =	vld [tilespmem:$0x110];
	_ =	sdelay $0x4  }
0xe0: {  	v5 =	vshll.u32 v4, $0x1  }
0xe1: {  	v4 =	vand.u32 $0x7, v4;
	v5 =	vand.u32 $0xFFFFFFF0, v5  }
0xe2: {  	v4 =	vor.u32 v4, v5  }
0xe3: {  	v5 =	vperm.xlane v4, v1;
	_ =	sdelay $0x1  }
0xe4: {  	v4 =	vperm.xlane v4, v3;
	v5 =	vadd.s32 v2, v5;
	_ =	sdelay $0x1  }
0xe5: {  	v4 =	vadd.s32 v2, v4;
	_ =	sdelay $0x1  }
0xe6: {  	s8 =	simm.s32 $0x1400  }
0xe7: {  	[tilespmem:s8], [sflag:$0x1] =	stream.indirect_vreg.gather [hbm4b:s1+s3], $0x80, v5, vm0, $0xb8;
	[tilespmem:$0x10400] =	vst v63  }
0xe8: {  	s20 =	simm.s32 $0x1C00  }
0xe9: {  	[tilespmem:s20], [sflag:$0x1] =	stream.indirect_vreg.gather [hbm4b:s1+s3], $0x80, v4, vm0, $0xb8;
	[tilespmem:$0x10400] =	vst v63  }
0xea: {  	v4 =	vld [tilespmem:$0x120];
	_ =	sdelay $0x4  }
0xeb: {  	v5 =	vshll.u32 v4, $0x1  }
0xec: {  	v4 =	vand.u32 $0x7, v4;
	v5 =	vand.u32 $0xFFFFFFF0, v5  }
0xed: {  	v4 =	vor.u32 v4, v5  }
0xee: {  	v5 =	vperm.xlane v4, v1;
	_ =	sdelay $0x1  }
0xef: {  	v4 =	vperm.xlane v4, v3;
	v5 =	vadd.s32 v2, v5;
	_ =	sdelay $0x1  }
0xf0: {  	v4 =	vadd.s32 v2, v4;
	_ =	sdelay $0x1  }
0xf1: {  	s16 =	simm.s32 $0x2400  }
0xf2: {  	[tilespmem:s16], [sflag:$0x1] =	stream.indirect_vreg.gather [hbm4b:s1+s3], $0x80, v5, vm0, $0xb8;
	[tilespmem:$0x10400] =	vst v63  }
0xf3: {  	s7 =	simm.s32 $0x2C00  }
0xf4: {  	[tilespmem:s7], [sflag:$0x1] =	stream.indirect_vreg.gather [hbm4b:s1+s3], $0x80, v4, vm0, $0xb8;
	[tilespmem:$0x10400] =	vst v63  }
0xf5: {  	v4 =	vld [tilespmem:$0x130];
	_ =	sdelay $0x4  }
0xf6: {  	v5 =	vshll.u32 v4, $0x1  }
0xf7: {  	v4 =	vand.u32 $0x7, v4;
	v5 =	vand.u32 $0xFFFFFFF0, v5  }
0xf8: {  	v4 =	vor.u32 v4, v5  }
0xf9: {  	v5 =	vperm.xlane v4, v1;
	_ =	sdelay $0x1  }
0xfa: {  	v4 =	vperm.xlane v4, v3;
	v5 =	vadd.s32 v2, v5;
	_ =	sdelay $0x1  }
0xfb: {  	v4 =	vadd.s32 v2, v4;
	_ =	sdelay $0x1  }
0xfc: {  	s4 =	simm.s32 $0x3400  }
0xfd: {  	[tilespmem:s4], [sflag:$0x1] =	stream.indirect_vreg.gather [hbm4b:s1+s3], $0x80, v5, vm0, $0xb8;
	[tilespmem:$0x10400] =	vst v63  }
0xfe: {  	s17 =	simm.s32 $0x3C00  }
0xff: {  	[tilespmem:s17], [sflag:$0x1] =	stream.indirect_vreg.gather [hbm4b:s1+s3], $0x80, v4, vm0, $0xb8;
	[tilespmem:$0x10400] =	vst v63  }
0x100: {  	v4 =	vld [tilespmem:$0x140];
	_ =	sdelay $0x4  }
0x101: {  	v5 =	vshll.u32 v4, $0x1  }
0x102: {  	v4 =	vand.u32 $0x7, v4;
	v5 =	vand.u32 $0xFFFFFFF0, v5  }
0x103: {  	v4 =	vor.u32 v4, v5  }
0x104: {  	v5 =	vperm.xlane v4, v1;
	_ =	sdelay $0x1  }
0x105: {  	v4 =	vperm.xlane v4, v3;
	v5 =	vadd.s32 v2, v5;
	_ =	sdelay $0x1  }
0x106: {  	v4 =	vadd.s32 v2, v4;
	_ =	sdelay $0x1  }
0x107: {  	s5 =	simm.s32 $0x4400  }
0x108: {  	[tilespmem:s5], [sflag:$0x1] =	stream.indirect_vreg.gather [hbm4b:s1+s3], $0x80, v5, vm0, $0xb8;
	[tilespmem:$0x10400] =	vst v63  }
0x109: {  	s9 =	simm.s32 $0x4C00  }
0x10a: {  	[tilespmem:s9], [sflag:$0x1] =	stream.indirect_vreg.gather [hbm4b:s1+s3], $0x80, v4, vm0, $0xb8;
	[tilespmem:$0x10400] =	vst v63  }
0x10b: {  	v4 =	vld [tilespmem:$0x150];
	_ =	sdelay $0x4  }
0x10c: {  	v5 =	vshll.u32 v4, $0x1  }
0x10d: {  	v4 =	vand.u32 $0x7, v4;
	v5 =	vand.u32 $0xFFFFFFF0, v5  }
0x10e: {  	v4 =	vor.u32 v4, v5  }
0x10f: {  	v5 =	vperm.xlane v4, v1;
	_ =	sdelay $0x1  }
0x110: {  	v4 =	vperm.xlane v4, v3;
	v5 =	vadd.s32 v2, v5;
	_ =	sdelay $0x1  }
0x111: {  	v4 =	vadd.s32 v2, v4;
	_ =	sdelay $0x1  }
0x112: {  	s6 =	simm.s32 $0x5400  }
0x113: {  	[tilespmem:s6], [sflag:$0x1] =	stream.indirect_vreg.gather [hbm4b:s1+s3], $0x80, v5, vm0, $0xb8;
	[tilespmem:$0x10400] =	vst v63  }
0x114: {  	s20 =	simm.s32 $0x5C00  }
0x115: {  	[tilespmem:s20], [sflag:$0x1] =	stream.indirect_vreg.gather [hbm4b:s1+s3], $0x80, v4, vm0, $0xb8;
	[tilespmem:$0x10400] =	vst v63  }
0x116: {  	v4 =	vld [tilespmem:$0x160];
	_ =	sdelay $0x4  }
0x117: {  	v5 =	vshll.u32 v4, $0x1  }
0x118: {  	v4 =	vand.u32 $0x7, v4;
	v5 =	vand.u32 $0xFFFFFFF0, v5  }
0x119: {  	v4 =	vor.u32 v4, v5  }
0x11a: {  	v5 =	vperm.xlane v4, v1;
	_ =	sdelay $0x1  }
0x11b: {  	v4 =	vperm.xlane v4, v3;
	v5 =	vadd.s32 v2, v5;
	_ =	sdelay $0x1  }
0x11c: {  	v4 =	vadd.s32 v2, v4;
	_ =	sdelay $0x1  }
0x11d: {  	s6 =	simm.s32 $0x6400  }
0x11e: {  	[tilespmem:s6], [sflag:$0x1] =	stream.indirect_vreg.gather [hbm4b:s1+s3], $0x80, v5, vm0, $0xb8;
	[tilespmem:$0x10400] =	vst v63  }
0x11f: {  	s8 =	simm.s32 $0x6C00  }
0x120: {  	[tilespmem:s8], [sflag:$0x1] =	stream.indirect_vreg.gather [hbm4b:s1+s3], $0x80, v4, vm0, $0xb8;
	[tilespmem:$0x10400] =	vst v63  }
0x121: {  	v4 =	vld [tilespmem:$0x170];
	_ =	sdelay $0x4  }
0x122: {  	v5 =	vshll.u32 v4, $0x1  }
0x123: {  	v4 =	vand.u32 $0x7, v4;
	v5 =	vand.u32 $0xFFFFFFF0, v5  }
0x124: {  	v4 =	vor.u32 v4, v5  }
0x125: {  	v5 =	vperm.xlane v4, v1;
	_ =	sdelay $0x1  }
0x126: {  	v4 =	vperm.xlane v4, v3;
	v5 =	vadd.s32 v2, v5;
	_ =	sdelay $0x1  }
0x127: {  	v4 =	vadd.s32 v2, v4;
	_ =	sdelay $0x1  }
0x128: {  	s7 =	simm.s32 $0x7400  }
0x129: {  	[tilespmem:s7], [sflag:$0x1] =	stream.indirect_vreg.gather [hbm4b:s1+s3], $0x80, v5, vm0, $0xb8;
	[tilespmem:$0x10400] =	vst v63  }
0x12a: {  	s9 =	simm.s32 $0x7C00  }
0x12b: {  	[tilespmem:s9], [sflag:$0x1] =	stream.indirect_vreg.gather [hbm4b:s1+s3], $0x80, v4, vm0, $0xb8;
	[tilespmem:$0x10400] =	vst v63  }
0x12c: {  	_ =	swait.ge [sflag:s23], $0x8000  }
0x12d: {  	[sflag:s23] =	ssyncset.done $0x0  }
0x12e: {  	s16 =	rddreg [dreg:$0x5];
	[sflag:s23] =	ssyncadd.s32 $0xFFFF8000  }
0x12f: {  	[hbm4b:s16+s3] =	stream.linear.scatter [tilespmem:s14], [sflag:$0x4], $0x8000, $0x38;
	[tilespmem:$0x10400] =	vst v63  }
0x130: {  	_ =	swait.ge [sflag:s24], $0x8000  }
0x131: {  	[sflag:s24] =	ssyncset.done $0x0  }
0x132: {  	[sflag:s24] =	ssyncadd.s32 $0xFFFF8000  }
0x133: {  	v4 =	vld [tilespmem:$0x180];
	_ =	sdelay $0x4  }
0x134: {  	v5 =	vshll.u32 v4, $0x1  }
0x135: {  	v4 =	vand.u32 $0x7, v4;
	v5 =	vand.u32 $0xFFFFFFF0, v5  }
0x136: {  	v4 =	vor.u32 v4, v5  }
0x137: {  	v5 =	vperm.xlane v4, v1;
	_ =	sdelay $0x1  }
0x138: {  	v4 =	vperm.xlane v4, v3;
	v5 =	vadd.s32 v2, v5;
	_ =	sdelay $0x1  }
0x139: {  	v4 =	vadd.s32 v2, v4;
	_ =	sdelay $0x2  }
0x13a: {  	[tilespmem:s14], [sflag:$0x2] =	stream.indirect_vreg.gather [hbm4b:s1+s3], $0x80, v5, vm0, $0xb8;
	[tilespmem:$0x10400] =	vst v63  }
0x13b: {  	s2 =	simm.s32 $0x8C00  }
0x13c: {  	[tilespmem:s2], [sflag:$0x2] =	stream.indirect_vreg.gather [hbm4b:s1+s3], $0x80, v4, vm0, $0xb8;
	[tilespmem:$0x10400] =	vst v63  }
0x13d: {  	v4 =	vld [tilespmem:$0x190];
	_ =	sdelay $0x4  }
0x13e: {  	v5 =	vshll.u32 v4, $0x1  }
0x13f: {  	v4 =	vand.u32 $0x7, v4;
	v5 =	vand.u32 $0xFFFFFFF0, v5  }
0x140: {  	v4 =	vor.u32 v4, v5  }
0x141: {  	v5 =	vperm.xlane v4, v1;
	_ =	sdelay $0x1  }
0x142: {  	v4 =	vperm.xlane v4, v3;
	v5 =	vadd.s32 v2, v5;
	_ =	sdelay $0x1  }
0x143: {  	v4 =	vadd.s32 v2, v4;
	_ =	sdelay $0x1  }
0x144: {  	s0 =	simm.s32 $0x9400  }
0x145: {  	[tilespmem:s0], [sflag:$0x2] =	stream.indirect_vreg.gather [hbm4b:s1+s3], $0x80, v5, vm0, $0xb8;
	[tilespmem:$0x10400] =	vst v63  }
0x146: {  	s4 =	simm.s32 $0x9C00  }
0x147: {  	[tilespmem:s4], [sflag:$0x2] =	stream.indirect_vreg.gather [hbm4b:s1+s3], $0x80, v4, vm0, $0xb8;
	[tilespmem:$0x10400] =	vst v63  }
0x148: {  	v4 =	vld [tilespmem:$0x1A0];
	_ =	sdelay $0x4  }
0x149: {  	v5 =	vshll.u32 v4, $0x1  }
0x14a: {  	v4 =	vand.u32 $0x7, v4;
	v5 =	vand.u32 $0xFFFFFFF0, v5  }
0x14b: {  	v4 =	vor.u32 v4, v5  }
0x14c: {  	v5 =	vperm.xlane v4, v1;
	_ =	sdelay $0x1  }
0x14d: {  	v4 =	vperm.xlane v4, v3;
	v5 =	vadd.s32 v2, v5;
	_ =	sdelay $0x1  }
0x14e: {  	v4 =	vadd.s32 v2, v4;
	_ =	sdelay $0x1  }
0x14f: {  	s2 =	simm.s32 $0xA400  }
0x150: {  	[tilespmem:s2], [sflag:$0x2] =	stream.indirect_vreg.gather [hbm4b:s1+s3], $0x80, v5, vm0, $0xb8;
	[tilespmem:$0x10400] =	vst v63  }
0x151: {  	s5 =	simm.s32 $0xAC00  }
0x152: {  	[tilespmem:s5], [sflag:$0x2] =	stream.indirect_vreg.gather [hbm4b:s1+s3], $0x80, v4, vm0, $0xb8;
	[tilespmem:$0x10400] =	vst v63  }
0x153: {  	v4 =	vld [tilespmem:$0x1B0];
	_ =	sdelay $0x4  }
0x154: {  	v5 =	vshll.u32 v4, $0x1  }
0x155: {  	v4 =	vand.u32 $0x7, v4;
	v5 =	vand.u32 $0xFFFFFFF0, v5  }
0x156: {  	v4 =	vor.u32 v4, v5  }
0x157: {  	v5 =	vperm.xlane v4, v1;
	_ =	sdelay $0x1  }
0x158: {  	v4 =	vperm.xlane v4, v3;
	v5 =	vadd.s32 v2, v5;
	_ =	sdelay $0x1  }
0x159: {  	v4 =	vadd.s32 v2, v4;
	_ =	sdelay $0x1  }
0x15a: {  	s28 =	simm.s32 $0xB400  }
0x15b: {  	[tilespmem:s28], [sflag:$0x2] =	stream.indirect_vreg.gather [hbm4b:s1+s3], $0x80, v5, vm0, $0xb8;
	[tilespmem:$0x10400] =	vst v63  }
0x15c: {  	s15 =	simm.s32 $0xBC00  }
0x15d: {  	[tilespmem:s15], [sflag:$0x2] =	stream.indirect_vreg.gather [hbm4b:s1+s3], $0x80, v4, vm0, $0xb8;
	[tilespmem:$0x10400] =	vst v63  }
0x15e: {  	v4 =	vld [tilespmem:$0x1C0];
	_ =	sdelay $0x4  }
0x15f: {  	v5 =	vshll.u32 v4, $0x1  }
0x160: {  	v4 =	vand.u32 $0x7, v4;
	v5 =	vand.u32 $0xFFFFFFF0, v5  }
0x161: {  	v4 =	vor.u32 v4, v5  }
0x162: {  	v5 =	vperm.xlane v4, v1;
	_ =	sdelay $0x1  }
0x163: {  	v4 =	vperm.xlane v4, v3;
	v5 =	vadd.s32 v2, v5;
	_ =	sdelay $0x1  }
0x164: {  	v4 =	vadd.s32 v2, v4;
	_ =	sdelay $0x1  }
0x165: {  	s18 =	simm.s32 $0xC400  }
0x166: {  	[tilespmem:s18], [sflag:$0x2] =	stream.indirect_vreg.gather [hbm4b:s1+s3], $0x80, v5, vm0, $0xb8;
	[tilespmem:$0x10400] =	vst v63  }
0x167: {  	s10 =	simm.s32 $0xCC00  }
0x168: {  	[tilespmem:s10], [sflag:$0x2] =	stream.indirect_vreg.gather [hbm4b:s1+s3], $0x80, v4, vm0, $0xb8;
	[tilespmem:$0x10400] =	vst v63  }
0x169: {  	v4 =	vld [tilespmem:$0x1D0];
	_ =	sdelay $0x4  }
0x16a: {  	v5 =	vshll.u32 v4, $0x1  }
0x16b: {  	v4 =	vand.u32 $0x7, v4;
	v5 =	vand.u32 $0xFFFFFFF0, v5  }
0x16c: {  	v4 =	vor.u32 v4, v5  }
0x16d: {  	v5 =	vperm.xlane v4, v1;
	_ =	sdelay $0x1  }
0x16e: {  	v4 =	vperm.xlane v4, v3;
	v5 =	vadd.s32 v2, v5;
	_ =	sdelay $0x1  }
0x16f: {  	v4 =	vadd.s32 v2, v4;
	_ =	sdelay $0x1  }
0x170: {  	s18 =	simm.s32 $0xD400  }
0x171: {  	[tilespmem:s18], [sflag:$0x2] =	stream.indirect_vreg.gather [hbm4b:s1+s3], $0x80, v5, vm0, $0xb8;
	[tilespmem:$0x10400] =	vst v63  }
0x172: {  	s11 =	simm.s32 $0xDC00  }
0x173: {  	[tilespmem:s11], [sflag:$0x2] =	stream.indirect_vreg.gather [hbm4b:s1+s3], $0x80, v4, vm0, $0xb8;
	[tilespmem:$0x10400] =	vst v63  }
0x174: {  	v4 =	vld [tilespmem:$0x1E0];
	_ =	sdelay $0x4  }
0x175: {  	v5 =	vshll.u32 v4, $0x1  }
0x176: {  	v4 =	vand.u32 $0x7, v4;
	v5 =	vand.u32 $0xFFFFFFF0, v5  }
0x177: {  	v4 =	vor.u32 v4, v5  }
0x178: {  	v5 =	vperm.xlane v4, v1;
	_ =	sdelay $0x1  }
0x179: {  	v4 =	vperm.xlane v4, v3;
	v5 =	vadd.s32 v2, v5;
	_ =	sdelay $0x1  }
0x17a: {  	v4 =	vadd.s32 v2, v4;
	_ =	sdelay $0x1  }
0x17b: {  	s26 =	simm.s32 $0xE400  }
0x17c: {  	[tilespmem:s26], [sflag:$0x2] =	stream.indirect_vreg.gather [hbm4b:s1+s3], $0x80, v5, vm0, $0xb8;
	[tilespmem:$0x10400] =	vst v63  }
0x17d: {  	s12 =	simm.s32 $0xEC00  }
0x17e: {  	[tilespmem:s12], [sflag:$0x2] =	stream.indirect_vreg.gather [hbm4b:s1+s3], $0x80, v4, vm0, $0xb8;
	[tilespmem:$0x10400] =	vst v63  }
0x17f: {  	v4 =	vld [tilespmem:$0x1F0];
	_ =	sdelay $0x4  }
0x180: {  	v5 =	vshll.u32 v4, $0x1  }
0x181: {  	v4 =	vand.u32 $0x7, v4;
	v5 =	vand.u32 $0xFFFFFFF0, v5  }
0x182: {  	v4 =	vor.u32 v4, v5  }
0x183: {  	v5 =	vperm.xlane v4, v1;
	_ =	sdelay $0x1  }
0x184: {  	v4 =	vperm.xlane v4, v3;
	v5 =	vadd.s32 v2, v5;
	_ =	sdelay $0x1  }
0x185: {  	v4 =	vadd.s32 v2, v4;
	_ =	sdelay $0x1  }
0x186: {  	s12 =	simm.s32 $0xF400  }
0x187: {  	[tilespmem:s12], [sflag:$0x2] =	stream.indirect_vreg.gather [hbm4b:s1+s3], $0x80, v5, vm0, $0xb8;
	[tilespmem:$0x10400] =	vst v63  }
0x188: {  	s13 =	simm.s32 $0xFC00  }
0x189: {  	[tilespmem:s13], [sflag:$0x2] =	stream.indirect_vreg.gather [hbm4b:s1+s3], $0x80, v4, vm0, $0xb8;
	[tilespmem:$0x10400] =	vst v63  }
0x18a: {  	_ =	swait.ge [sflag:s21], $0x8000  }
0x18b: {  	[sflag:s21] =	ssyncset.done $0x0  }
0x18c: {  	s13 =	rddreg [dreg:$0x6];
	[sflag:s21] =	ssyncadd.s32 $0xFFFF8000  }
0x18d: {  	[hbm4b:s13+s3] =	stream.linear.scatter [tilespmem:s30], [sflag:$0x3], $0x8000, $0x38;
	[tilespmem:$0x10400] =	vst v63  }
0x18e: {  	_ =	swait.ge [sflag:s22], $0x8000  }
0x18f: {  	[sflag:s22] =	ssyncset.done $0x0  }
0x190: {  	[sflag:s22] =	ssyncadd.s32 $0xFFFF8000  }
0x191: {  	v4 =	vld [tilespmem:$0x200];
	_ =	sdelay $0x4  }
0x192: {  	v5 =	vshll.u32 v4, $0x1  }
0x193: {  	v4 =	vand.u32 $0x7, v4;
	v5 =	vand.u32 $0xFFFFFFF0, v5  }
0x194: {  	v4 =	vor.u32 v4, v5  }
0x195: {  	v5 =	vperm.xlane v4, v1;
	_ =	sdelay $0x1  }
0x196: {  	v4 =	vperm.xlane v4, v3;
	v5 =	vadd.s32 v2, v5;
	_ =	sdelay $0x1  }
0x197: {  	v4 =	vadd.s32 v2, v4;
	_ =	sdelay $0x2  }
0x198: {  	[tilespmem:s30], [sflag:$0x1] =	stream.indirect_vreg.gather [hbm4b:s1+s3], $0x80, v5, vm0, $0xb8;
	[tilespmem:$0x10400] =	vst v63  }
0x199: {  	s26 =	simm.s32 $0xC00  }
0x19a: {  	[tilespmem:s26], [sflag:$0x1] =	stream.indirect_vreg.gather [hbm4b:s1+s3], $0x80, v4, vm0, $0xb8;
	[tilespmem:$0x10400] =	vst v63  }
0x19b: {  	v4 =	vld [tilespmem:$0x210];
	_ =	sdelay $0x4  }
0x19c: {  	v5 =	vshll.u32 v4, $0x1  }
0x19d: {  	v4 =	vand.u32 $0x7, v4;
	v5 =	vand.u32 $0xFFFFFFF0, v5  }
0x19e: {  	v4 =	vor.u32 v4, v5  }
0x19f: {  	v5 =	vperm.xlane v4, v1;
	_ =	sdelay $0x1  }
0x1a0: {  	v4 =	vperm.xlane v4, v3;
	v5 =	vadd.s32 v2, v5;
	_ =	sdelay $0x1  }
0x1a1: {  	v4 =	vadd.s32 v2, v4;
	_ =	sdelay $0x1  }
0x1a2: {  	s13 =	simm.s32 $0x1400  }
0x1a3: {  	[tilespmem:s13], [sflag:$0x1] =	stream.indirect_vreg.gather [hbm4b:s1+s3], $0x80, v5, vm0, $0xb8;
	[tilespmem:$0x10400] =	vst v63  }
0x1a4: {  	s26 =	simm.s32 $0x1C00  }
0x1a5: {  	[tilespmem:s26], [sflag:$0x1] =	stream.indirect_vreg.gather [hbm4b:s1+s3], $0x80, v4, vm0, $0xb8;
	[tilespmem:$0x10400] =	vst v63  }
0x1a6: {  	v4 =	vld [tilespmem:$0x220];
	_ =	sdelay $0x4  }
0x1a7: {  	v5 =	vshll.u32 v4, $0x1  }
0x1a8: {  	v4 =	vand.u32 $0x7, v4;
	v5 =	vand.u32 $0xFFFFFFF0, v5  }
0x1a9: {  	v4 =	vor.u32 v4, v5  }
0x1aa: {  	v5 =	vperm.xlane v4, v1;
	_ =	sdelay $0x1  }
0x1ab: {  	v4 =	vperm.xlane v4, v3;
	v5 =	vadd.s32 v2, v5;
	_ =	sdelay $0x1  }
0x1ac: {  	v4 =	vadd.s32 v2, v4;
	_ =	sdelay $0x1  }
0x1ad: {  	s13 =	simm.s32 $0x2400  }
0x1ae: {  	[tilespmem:s13], [sflag:$0x1] =	stream.indirect_vreg.gather [hbm4b:s1+s3], $0x80, v5, vm0, $0xb8;
	[tilespmem:$0x10400] =	vst v63  }
0x1af: {  	s26 =	simm.s32 $0x2C00  }
0x1b0: {  	[tilespmem:s26], [sflag:$0x1] =	stream.indirect_vreg.gather [hbm4b:s1+s3], $0x80, v4, vm0, $0xb8;
	[tilespmem:$0x10400] =	vst v63  }
0x1b1: {  	v4 =	vld [tilespmem:$0x230];
	_ =	sdelay $0x4  }
0x1b2: {  	v5 =	vshll.u32 v4, $0x1  }
0x1b3: {  	v4 =	vand.u32 $0x7, v4;
	v5 =	vand.u32 $0xFFFFFFF0, v5  }
0x1b4: {  	v4 =	vor.u32 v4, v5  }
0x1b5: {  	v5 =	vperm.xlane v4, v1;
	_ =	sdelay $0x1  }
0x1b6: {  	v4 =	vperm.xlane v4, v3;
	v5 =	vadd.s32 v2, v5;
	_ =	sdelay $0x1  }
0x1b7: {  	v4 =	vadd.s32 v2, v4;
	_ =	sdelay $0x1  }
0x1b8: {  	s13 =	simm.s32 $0x3400  }
0x1b9: {  	[tilespmem:s13], [sflag:$0x1] =	stream.indirect_vreg.gather [hbm4b:s1+s3], $0x80, v5, vm0, $0xb8;
	[tilespmem:$0x10400] =	vst v63  }
0x1ba: {  	_ = 	snop  }
0x1bb: {  	[tilespmem:s17], [sflag:$0x1] =	stream.indirect_vreg.gather [hbm4b:s1+s3], $0x80, v4, vm0, $0xb8;
	[tilespmem:$0x10400] =	vst v63  }
0x1bc: {  	v4 =	vld [tilespmem:$0x240];
	_ =	sdelay $0x4  }
0x1bd: {  	v5 =	vshll.u32 v4, $0x1  }
0x1be: {  	v4 =	vand.u32 $0x7, v4;
	v5 =	vand.u32 $0xFFFFFFF0, v5  }
0x1bf: {  	v4 =	vor.u32 v4, v5  }
0x1c0: {  	v5 =	vperm.xlane v4, v1;
	_ =	sdelay $0x1  }
0x1c1: {  	v4 =	vperm.xlane v4, v3;
	v5 =	vadd.s32 v2, v5;
	_ =	sdelay $0x1  }
0x1c2: {  	v4 =	vadd.s32 v2, v4;
	_ =	sdelay $0x1  }
0x1c3: {  	s26 =	simm.s32 $0x4400  }
0x1c4: {  	[tilespmem:s26], [sflag:$0x1] =	stream.indirect_vreg.gather [hbm4b:s1+s3], $0x80, v5, vm0, $0xb8;
	[tilespmem:$0x10400] =	vst v63  }
0x1c5: {  	s17 =	simm.s32 $0x4C00  }
0x1c6: {  	[tilespmem:s17], [sflag:$0x1] =	stream.indirect_vreg.gather [hbm4b:s1+s3], $0x80, v4, vm0, $0xb8;
	[tilespmem:$0x10400] =	vst v63  }
0x1c7: {  	v4 =	vld [tilespmem:$0x250];
	_ =	sdelay $0x4  }
0x1c8: {  	v5 =	vshll.u32 v4, $0x1  }
0x1c9: {  	v4 =	vand.u32 $0x7, v4;
	v5 =	vand.u32 $0xFFFFFFF0, v5  }
0x1ca: {  	v4 =	vor.u32 v4, v5  }
0x1cb: {  	v5 =	vperm.xlane v4, v1;
	_ =	sdelay $0x1  }
0x1cc: {  	v4 =	vperm.xlane v4, v3;
	v5 =	vadd.s32 v2, v5;
	_ =	sdelay $0x1  }
0x1cd: {  	v4 =	vadd.s32 v2, v4;
	_ =	sdelay $0x1  }
0x1ce: {  	s26 =	simm.s32 $0x5400  }
0x1cf: {  	[tilespmem:s26], [sflag:$0x1] =	stream.indirect_vreg.gather [hbm4b:s1+s3], $0x80, v5, vm0, $0xb8;
	[tilespmem:$0x10400] =	vst v63  }
0x1d0: {  	_ = 	snop  }
0x1d1: {  	[tilespmem:s20], [sflag:$0x1] =	stream.indirect_vreg.gather [hbm4b:s1+s3], $0x80, v4, vm0, $0xb8;
	[tilespmem:$0x10400] =	vst v63  }
0x1d2: {  	v4 =	vld [tilespmem:$0x260];
	_ =	sdelay $0x4  }
0x1d3: {  	v5 =	vshll.u32 v4, $0x1  }
0x1d4: {  	v4 =	vand.u32 $0x7, v4;
	v5 =	vand.u32 $0xFFFFFFF0, v5  }
0x1d5: {  	v4 =	vor.u32 v4, v5  }
0x1d6: {  	v5 =	vperm.xlane v4, v1;
	_ =	sdelay $0x1  }
0x1d7: {  	v4 =	vperm.xlane v4, v3;
	v5 =	vadd.s32 v2, v5;
	_ =	sdelay $0x1  }
0x1d8: {  	v4 =	vadd.s32 v2, v4;
	_ =	sdelay $0x2  }
0x1d9: {  	[tilespmem:s6], [sflag:$0x1] =	stream.indirect_vreg.gather [hbm4b:s1+s3], $0x80, v5, vm0, $0xb8;
	[tilespmem:$0x10400] =	vst v63  }
0x1da: {  	_ = 	snop  }
0x1db: {  	[tilespmem:s8], [sflag:$0x1] =	stream.indirect_vreg.gather [hbm4b:s1+s3], $0x80, v4, vm0, $0xb8;
	[tilespmem:$0x10400] =	vst v63  }
0x1dc: {  	v4 =	vld [tilespmem:$0x270];
	_ =	sdelay $0x4  }
0x1dd: {  	v5 =	vshll.u32 v4, $0x1  }
0x1de: {  	v4 =	vand.u32 $0x7, v4;
	v5 =	vand.u32 $0xFFFFFFF0, v5  }
0x1df: {  	v4 =	vor.u32 v4, v5  }
0x1e0: {  	v5 =	vperm.xlane v4, v1;
	_ =	sdelay $0x1  }
0x1e1: {  	v4 =	vperm.xlane v4, v3;
	v5 =	vadd.s32 v2, v5;
	_ =	sdelay $0x1  }
0x1e2: {  	v4 =	vadd.s32 v2, v4;
	_ =	sdelay $0x2  }
0x1e3: {  	[tilespmem:s7], [sflag:$0x1] =	stream.indirect_vreg.gather [hbm4b:s1+s3], $0x80, v5, vm0, $0xb8;
	[tilespmem:$0x10400] =	vst v63  }
0x1e4: {  	_ = 	snop  }
0x1e5: {  	[tilespmem:s9], [sflag:$0x1] =	stream.indirect_vreg.gather [hbm4b:s1+s3], $0x80, v4, vm0, $0xb8;
	[tilespmem:$0x10400] =	vst v63  }
0x1e6: {  	_ =	swait.ge [sflag:s23], $0x8000  }
0x1e7: {  	[sflag:s23] =	ssyncset.done $0x0  }
0x1e8: {  	s12 =	rddreg [dreg:$0x8];
	[sflag:s23] =	ssyncadd.s32 $0xFFFF8000  }
0x1e9: {  	[hbm4b:s12+s3] =	stream.linear.scatter [tilespmem:s14], [sflag:$0x4], $0x8000, $0x38;
	[tilespmem:$0x10400] =	vst v63  }
0x1ea: {  	_ =	swait.ge [sflag:s24], $0x8000  }
0x1eb: {  	[sflag:s24] =	ssyncset.done $0x0  }
0x1ec: {  	[sflag:s24] =	ssyncadd.s32 $0xFFFF8000  }
0x1ed: {  	v4 =	vld [tilespmem:$0x280];
	_ =	sdelay $0x4  }
0x1ee: {  	v5 =	vshll.u32 v4, $0x1  }
0x1ef: {  	v4 =	vand.u32 $0x7, v4;
	v5 =	vand.u32 $0xFFFFFFF0, v5  }
0x1f0: {  	v4 =	vor.u32 v4, v5  }
0x1f1: {  	v5 =	vperm.xlane v4, v1;
	_ =	sdelay $0x1  }
0x1f2: {  	v4 =	vperm.xlane v4, v3;
	v5 =	vadd.s32 v2, v5;
	_ =	sdelay $0x1  }
0x1f3: {  	v4 =	vadd.s32 v2, v4;
	_ =	sdelay $0x2  }
0x1f4: {  	[tilespmem:s14], [sflag:$0x2] =	stream.indirect_vreg.gather [hbm4b:s1+s3], $0x80, v5, vm0, $0xb8;
	[tilespmem:$0x10400] =	vst v63  }
0x1f5: {  	s31 =	simm.s32 $0x8C00  }
0x1f6: {  	[tilespmem:s31], [sflag:$0x2] =	stream.indirect_vreg.gather [hbm4b:s1+s3], $0x80, v4, vm0, $0xb8;
	[tilespmem:$0x10400] =	vst v63  }
0x1f7: {  	v4 =	vld [tilespmem:$0x290];
	_ =	sdelay $0x4  }
0x1f8: {  	v5 =	vshll.u32 v4, $0x1  }
0x1f9: {  	v4 =	vand.u32 $0x7, v4;
	v5 =	vand.u32 $0xFFFFFFF0, v5  }
0x1fa: {  	v4 =	vor.u32 v4, v5  }
0x1fb: {  	v5 =	vperm.xlane v4, v1;
	_ =	sdelay $0x1  }
0x1fc: {  	v4 =	vperm.xlane v4, v3;
	v5 =	vadd.s32 v2, v5;
	_ =	sdelay $0x1  }
0x1fd: {  	v4 =	vadd.s32 v2, v4;
	_ =	sdelay $0x2  }
0x1fe: {  	[tilespmem:s0], [sflag:$0x2] =	stream.indirect_vreg.gather [hbm4b:s1+s3], $0x80, v5, vm0, $0xb8;
	[tilespmem:$0x10400] =	vst v63  }
0x1ff: {  	_ = 	snop  }
0x200: {  	[tilespmem:s4], [sflag:$0x2] =	stream.indirect_vreg.gather [hbm4b:s1+s3], $0x80, v4, vm0, $0xb8;
	[tilespmem:$0x10400] =	vst v63  }
0x201: {  	v4 =	vld [tilespmem:$0x2A0];
	_ =	sdelay $0x4  }
0x202: {  	v5 =	vshll.u32 v4, $0x1  }
0x203: {  	v4 =	vand.u32 $0x7, v4;
	v5 =	vand.u32 $0xFFFFFFF0, v5  }
0x204: {  	v4 =	vor.u32 v4, v5  }
0x205: {  	v5 =	vperm.xlane v4, v1;
	_ =	sdelay $0x1  }
0x206: {  	v4 =	vperm.xlane v4, v3;
	v5 =	vadd.s32 v2, v5;
	_ =	sdelay $0x1  }
0x207: {  	v4 =	vadd.s32 v2, v4;
	_ =	sdelay $0x2  }
0x208: {  	[tilespmem:s2], [sflag:$0x2] =	stream.indirect_vreg.gather [hbm4b:s1+s3], $0x80, v5, vm0, $0xb8;
	[tilespmem:$0x10400] =	vst v63  }
0x209: {  	_ = 	snop  }
0x20a: {  	[tilespmem:s5], [sflag:$0x2] =	stream.indirect_vreg.gather [hbm4b:s1+s3], $0x80, v4, vm0, $0xb8;
	[tilespmem:$0x10400] =	vst v63  }
0x20b: {  	v4 =	vld [tilespmem:$0x2B0];
	_ =	sdelay $0x4  }
0x20c: {  	v5 =	vshll.u32 v4, $0x1  }
0x20d: {  	v4 =	vand.u32 $0x7, v4;
	v5 =	vand.u32 $0xFFFFFFF0, v5  }
0x20e: {  	v4 =	vor.u32 v4, v5  }
0x20f: {  	v5 =	vperm.xlane v4, v1;
	_ =	sdelay $0x1  }
0x210: {  	v4 =	vperm.xlane v4, v3;
	v5 =	vadd.s32 v2, v5;
	_ =	sdelay $0x1  }
0x211: {  	v4 =	vadd.s32 v2, v4;
	_ =	sdelay $0x1  }
0x212: {  	s29 =	simm.s32 $0xB400  }
0x213: {  	[tilespmem:s29], [sflag:$0x2] =	stream.indirect_vreg.gather [hbm4b:s1+s3], $0x80, v5, vm0, $0xb8;
	[tilespmem:$0x10400] =	vst v63  }
0x214: {  	s15 =	simm.s32 $0xBC00  }
0x215: {  	[tilespmem:s15], [sflag:$0x2] =	stream.indirect_vreg.gather [hbm4b:s1+s3], $0x80, v4, vm0, $0xb8;
	[tilespmem:$0x10400] =	vst v63  }
0x216: {  	v4 =	vld [tilespmem:$0x2C0];
	_ =	sdelay $0x4  }
0x217: {  	v5 =	vshll.u32 v4, $0x1  }
0x218: {  	v4 =	vand.u32 $0x7, v4;
	v5 =	vand.u32 $0xFFFFFFF0, v5  }
0x219: {  	v4 =	vor.u32 v4, v5  }
0x21a: {  	v5 =	vperm.xlane v4, v1;
	_ =	sdelay $0x1  }
0x21b: {  	v4 =	vperm.xlane v4, v3;
	v5 =	vadd.s32 v2, v5;
	_ =	sdelay $0x1  }
0x21c: {  	v4 =	vadd.s32 v2, v4;
	_ =	sdelay $0x1  }
0x21d: {  	s19 =	simm.s32 $0xC400  }
0x21e: {  	[tilespmem:s19], [sflag:$0x2] =	stream.indirect_vreg.gather [hbm4b:s1+s3], $0x80, v5, vm0, $0xb8;
	[tilespmem:$0x10400] =	vst v63  }
0x21f: {  	s10 =	simm.s32 $0xCC00  }
0x220: {  	[tilespmem:s10], [sflag:$0x2] =	stream.indirect_vreg.gather [hbm4b:s1+s3], $0x80, v4, vm0, $0xb8;
	[tilespmem:$0x10400] =	vst v63  }
0x221: {  	v4 =	vld [tilespmem:$0x2D0];
	_ =	sdelay $0x4  }
0x222: {  	v5 =	vshll.u32 v4, $0x1  }
0x223: {  	v4 =	vand.u32 $0x7, v4;
	v5 =	vand.u32 $0xFFFFFFF0, v5  }
0x224: {  	v4 =	vor.u32 v4, v5  }
0x225: {  	v5 =	vperm.xlane v4, v1;
	_ =	sdelay $0x1  }
0x226: {  	v4 =	vperm.xlane v4, v3;
	v5 =	vadd.s32 v2, v5;
	_ =	sdelay $0x1  }
0x227: {  	v4 =	vadd.s32 v2, v4;
	_ =	sdelay $0x1  }
0x228: {  	s28 =	simm.s32 $0xD400  }
0x229: {  	[tilespmem:s28], [sflag:$0x2] =	stream.indirect_vreg.gather [hbm4b:s1+s3], $0x80, v5, vm0, $0xb8;
	[tilespmem:$0x10400] =	vst v63  }
0x22a: {  	s16 =	simm.s32 $0xDC00  }
0x22b: {  	[tilespmem:s16], [sflag:$0x2] =	stream.indirect_vreg.gather [hbm4b:s1+s3], $0x80, v4, vm0, $0xb8;
	[tilespmem:$0x10400] =	vst v63  }
0x22c: {  	v4 =	vld [tilespmem:$0x2E0];
	_ =	sdelay $0x4  }
0x22d: {  	v5 =	vshll.u32 v4, $0x1  }
0x22e: {  	v4 =	vand.u32 $0x7, v4;
	v5 =	vand.u32 $0xFFFFFFF0, v5  }
0x22f: {  	v4 =	vor.u32 v4, v5  }
0x230: {  	v5 =	vperm.xlane v4, v1;
	_ =	sdelay $0x1  }
0x231: {  	v4 =	vperm.xlane v4, v3;
	v5 =	vadd.s32 v2, v5;
	_ =	sdelay $0x1  }
0x232: {  	v4 =	vadd.s32 v2, v4;
	_ =	sdelay $0x1  }
0x233: {  	s16 =	simm.s32 $0xE400  }
0x234: {  	[tilespmem:s16], [sflag:$0x2] =	stream.indirect_vreg.gather [hbm4b:s1+s3], $0x80, v5, vm0, $0xb8;
	[tilespmem:$0x10400] =	vst v63  }
0x235: {  	s18 =	simm.s32 $0xEC00  }
0x236: {  	[tilespmem:s18], [sflag:$0x2] =	stream.indirect_vreg.gather [hbm4b:s1+s3], $0x80, v4, vm0, $0xb8;
	[tilespmem:$0x10400] =	vst v63  }
0x237: {  	v4 =	vld [tilespmem:$0x2F0];
	_ =	sdelay $0x4  }
0x238: {  	v5 =	vshll.u32 v4, $0x1  }
0x239: {  	v4 =	vand.u32 $0x7, v4;
	v5 =	vand.u32 $0xFFFFFFF0, v5  }
0x23a: {  	v4 =	vor.u32 v4, v5  }
0x23b: {  	v5 =	vperm.xlane v4, v1;
	_ =	sdelay $0x1  }
0x23c: {  	v4 =	vperm.xlane v4, v3;
	v5 =	vadd.s32 v2, v5;
	_ =	sdelay $0x1  }
0x23d: {  	v4 =	vadd.s32 v2, v4;
	_ =	sdelay $0x1  }
0x23e: {  	s11 =	simm.s32 $0xF400  }
0x23f: {  	[tilespmem:s11], [sflag:$0x2] =	stream.indirect_vreg.gather [hbm4b:s1+s3], $0x80, v5, vm0, $0xb8;
	[tilespmem:$0x10400] =	vst v63  }
0x240: {  	s26 =	simm.s32 $0xFC00  }
0x241: {  	[tilespmem:s26], [sflag:$0x2] =	stream.indirect_vreg.gather [hbm4b:s1+s3], $0x80, v4, vm0, $0xb8;
	[tilespmem:$0x10400] =	vst v63  }
0x242: {  	_ =	swait.ge [sflag:s21], $0x8000  }
0x243: {  	[sflag:s21] =	ssyncset.done $0x0  }
0x244: {  	s18 =	rddreg [dreg:$0x9];
	[sflag:s21] =	ssyncadd.s32 $0xFFFF8000  }
0x245: {  	[hbm4b:s18+s3] =	stream.linear.scatter [tilespmem:s30], [sflag:$0x3], $0x8000, $0x38;
	[tilespmem:$0x10400] =	vst v63  }
0x246: {  	_ =	swait.ge [sflag:s22], $0x8000  }
0x247: {  	[sflag:s22] =	ssyncset.done $0x0  }
0x248: {  	[sflag:s22] =	ssyncadd.s32 $0xFFFF8000  }
0x249: {  	v4 =	vld [tilespmem:$0x300];
	_ =	sdelay $0x4  }
0x24a: {  	v5 =	vshll.u32 v4, $0x1  }
0x24b: {  	v4 =	vand.u32 $0x7, v4;
	v5 =	vand.u32 $0xFFFFFFF0, v5  }
0x24c: {  	v4 =	vor.u32 v4, v5  }
0x24d: {  	v5 =	vperm.xlane v4, v1;
	_ =	sdelay $0x1  }
0x24e: {  	v4 =	vperm.xlane v4, v3;
	v5 =	vadd.s32 v2, v5;
	_ =	sdelay $0x1  }
0x24f: {  	v4 =	vadd.s32 v2, v4;
	_ =	sdelay $0x2  }
0x250: {  	[tilespmem:s30], [sflag:$0x1] =	stream.indirect_vreg.gather [hbm4b:s1+s3], $0x80, v5, vm0, $0xb8;
	[tilespmem:$0x10400] =	vst v63  }
0x251: {  	s26 =	simm.s32 $0xC00  }
0x252: {  	[tilespmem:s26], [sflag:$0x1] =	stream.indirect_vreg.gather [hbm4b:s1+s3], $0x80, v4, vm0, $0xb8;
	[tilespmem:$0x10400] =	vst v63  }
0x253: {  	v4 =	vld [tilespmem:$0x310];
	_ =	sdelay $0x4  }
0x254: {  	v5 =	vshll.u32 v4, $0x1  }
0x255: {  	v4 =	vand.u32 $0x7, v4;
	v5 =	vand.u32 $0xFFFFFFF0, v5  }
0x256: {  	v4 =	vor.u32 v4, v5  }
0x257: {  	v5 =	vperm.xlane v4, v1;
	_ =	sdelay $0x1  }
0x258: {  	v4 =	vperm.xlane v4, v3;
	v5 =	vadd.s32 v2, v5;
	_ =	sdelay $0x1  }
0x259: {  	v4 =	vadd.s32 v2, v4;
	_ =	sdelay $0x1  }
0x25a: {  	s26 =	simm.s32 $0x1400  }
0x25b: {  	[tilespmem:s26], [sflag:$0x1] =	stream.indirect_vreg.gather [hbm4b:s1+s3], $0x80, v5, vm0, $0xb8;
	[tilespmem:$0x10400] =	vst v63  }
0x25c: {  	s26 =	simm.s32 $0x1C00  }
0x25d: {  	[tilespmem:s26], [sflag:$0x1] =	stream.indirect_vreg.gather [hbm4b:s1+s3], $0x80, v4, vm0, $0xb8;
	[tilespmem:$0x10400] =	vst v63  }
0x25e: {  	v4 =	vld [tilespmem:$0x320];
	_ =	sdelay $0x4  }
0x25f: {  	v5 =	vshll.u32 v4, $0x1  }
0x260: {  	v4 =	vand.u32 $0x7, v4;
	v5 =	vand.u32 $0xFFFFFFF0, v5  }
0x261: {  	v4 =	vor.u32 v4, v5  }
0x262: {  	v5 =	vperm.xlane v4, v1;
	_ =	sdelay $0x1  }
0x263: {  	v4 =	vperm.xlane v4, v3;
	v5 =	vadd.s32 v2, v5;
	_ =	sdelay $0x1  }
0x264: {  	v4 =	vadd.s32 v2, v4;
	_ =	sdelay $0x1  }
0x265: {  	s26 =	simm.s32 $0x2400  }
0x266: {  	[tilespmem:s26], [sflag:$0x1] =	stream.indirect_vreg.gather [hbm4b:s1+s3], $0x80, v5, vm0, $0xb8;
	[tilespmem:$0x10400] =	vst v63  }
0x267: {  	s26 =	simm.s32 $0x2C00  }
0x268: {  	[tilespmem:s26], [sflag:$0x1] =	stream.indirect_vreg.gather [hbm4b:s1+s3], $0x80, v4, vm0, $0xb8;
	[tilespmem:$0x10400] =	vst v63  }
0x269: {  	v4 =	vld [tilespmem:$0x330];
	_ =	sdelay $0x4  }
0x26a: {  	v5 =	vshll.u32 v4, $0x1  }
0x26b: {  	v4 =	vand.u32 $0x7, v4;
	v5 =	vand.u32 $0xFFFFFFF0, v5  }
0x26c: {  	v4 =	vor.u32 v4, v5  }
0x26d: {  	v5 =	vperm.xlane v4, v1;
	_ =	sdelay $0x1  }
0x26e: {  	v4 =	vperm.xlane v4, v3;
	v5 =	vadd.s32 v2, v5;
	_ =	sdelay $0x1  }
0x26f: {  	v4 =	vadd.s32 v2, v4;
	_ =	sdelay $0x1  }
0x270: {  	s26 =	simm.s32 $0x3400  }
0x271: {  	[tilespmem:s26], [sflag:$0x1] =	stream.indirect_vreg.gather [hbm4b:s1+s3], $0x80, v5, vm0, $0xb8;
	[tilespmem:$0x10400] =	vst v63  }
0x272: {  	s13 =	simm.s32 $0x3C00  }
0x273: {  	[tilespmem:s13], [sflag:$0x1] =	stream.indirect_vreg.gather [hbm4b:s1+s3], $0x80, v4, vm0, $0xb8;
	[tilespmem:$0x10400] =	vst v63  }
0x274: {  	v4 =	vld [tilespmem:$0x340];
	_ =	sdelay $0x4  }
0x275: {  	v5 =	vshll.u32 v4, $0x1  }
0x276: {  	v4 =	vand.u32 $0x7, v4;
	v5 =	vand.u32 $0xFFFFFFF0, v5  }
0x277: {  	v4 =	vor.u32 v4, v5  }
0x278: {  	v5 =	vperm.xlane v4, v1;
	_ =	sdelay $0x1  }
0x279: {  	v4 =	vperm.xlane v4, v3;
	v5 =	vadd.s32 v2, v5;
	_ =	sdelay $0x1  }
0x27a: {  	v4 =	vadd.s32 v2, v4;
	_ =	sdelay $0x1  }
0x27b: {  	s26 =	simm.s32 $0x4400  }
0x27c: {  	[tilespmem:s26], [sflag:$0x1] =	stream.indirect_vreg.gather [hbm4b:s1+s3], $0x80, v5, vm0, $0xb8;
	[tilespmem:$0x10400] =	vst v63  }
0x27d: {  	s18 =	simm.s32 $0x4C00  }
0x27e: {  	[tilespmem:s18], [sflag:$0x1] =	stream.indirect_vreg.gather [hbm4b:s1+s3], $0x80, v4, vm0, $0xb8;
	[tilespmem:$0x10400] =	vst v63  }
0x27f: {  	v4 =	vld [tilespmem:$0x350];
	_ =	sdelay $0x4  }
0x280: {  	v5 =	vshll.u32 v4, $0x1  }
0x281: {  	v4 =	vand.u32 $0x7, v4;
	v5 =	vand.u32 $0xFFFFFFF0, v5  }
0x282: {  	v4 =	vor.u32 v4, v5  }
0x283: {  	v5 =	vperm.xlane v4, v1;
	_ =	sdelay $0x1  }
0x284: {  	v4 =	vperm.xlane v4, v3;
	v5 =	vadd.s32 v2, v5;
	_ =	sdelay $0x1  }
0x285: {  	v4 =	vadd.s32 v2, v4;
	_ =	sdelay $0x1  }
0x286: {  	s26 =	simm.s32 $0x5400  }
0x287: {  	[tilespmem:s26], [sflag:$0x1] =	stream.indirect_vreg.gather [hbm4b:s1+s3], $0x80, v5, vm0, $0xb8;
	[tilespmem:$0x10400] =	vst v63  }
0x288: {  	s17 =	simm.s32 $0x5C00  }
0x289: {  	[tilespmem:s17], [sflag:$0x1] =	stream.indirect_vreg.gather [hbm4b:s1+s3], $0x80, v4, vm0, $0xb8;
	[tilespmem:$0x10400] =	vst v63  }
0x28a: {  	v4 =	vld [tilespmem:$0x360];
	_ =	sdelay $0x4  }
0x28b: {  	v5 =	vshll.u32 v4, $0x1  }
0x28c: {  	v4 =	vand.u32 $0x7, v4;
	v5 =	vand.u32 $0xFFFFFFF0, v5  }
0x28d: {  	v4 =	vor.u32 v4, v5  }
0x28e: {  	v5 =	vperm.xlane v4, v1;
	_ =	sdelay $0x1  }
0x28f: {  	v4 =	vperm.xlane v4, v3;
	v5 =	vadd.s32 v2, v5;
	_ =	sdelay $0x1  }
0x290: {  	v4 =	vadd.s32 v2, v4;
	_ =	sdelay $0x1  }
0x291: {  	s6 =	simm.s32 $0x6400  }
0x292: {  	[tilespmem:s6], [sflag:$0x1] =	stream.indirect_vreg.gather [hbm4b:s1+s3], $0x80, v5, vm0, $0xb8;
	[tilespmem:$0x10400] =	vst v63  }
0x293: {  	s8 =	simm.s32 $0x6C00  }
0x294: {  	[tilespmem:s8], [sflag:$0x1] =	stream.indirect_vreg.gather [hbm4b:s1+s3], $0x80, v4, vm0, $0xb8;
	[tilespmem:$0x10400] =	vst v63  }
0x295: {  	v4 =	vld [tilespmem:$0x370];
	_ =	sdelay $0x4  }
0x296: {  	v5 =	vshll.u32 v4, $0x1  }
0x297: {  	v4 =	vand.u32 $0x7, v4;
	v5 =	vand.u32 $0xFFFFFFF0, v5  }
0x298: {  	v4 =	vor.u32 v4, v5  }
0x299: {  	v5 =	vperm.xlane v4, v1;
	_ =	sdelay $0x1  }
0x29a: {  	v4 =	vperm.xlane v4, v3;
	v5 =	vadd.s32 v2, v5;
	_ =	sdelay $0x1  }
0x29b: {  	v4 =	vadd.s32 v2, v4;
	_ =	sdelay $0x1  }
0x29c: {  	s7 =	simm.s32 $0x7400  }
0x29d: {  	[tilespmem:s7], [sflag:$0x1] =	stream.indirect_vreg.gather [hbm4b:s1+s3], $0x80, v5, vm0, $0xb8;
	[tilespmem:$0x10400] =	vst v63  }
0x29e: {  	s9 =	simm.s32 $0x7C00  }
0x29f: {  	[tilespmem:s9], [sflag:$0x1] =	stream.indirect_vreg.gather [hbm4b:s1+s3], $0x80, v4, vm0, $0xb8;
	[tilespmem:$0x10400] =	vst v63  }
0x2a0: {  	_ =	swait.ge [sflag:s23], $0x8000  }
0x2a1: {  	[sflag:s23] =	ssyncset.done $0x0  }
0x2a2: {  	s18 =	rddreg [dreg:$0xa];
	[sflag:s23] =	ssyncadd.s32 $0xFFFF8000  }
0x2a3: {  	[hbm4b:s18+s3] =	stream.linear.scatter [tilespmem:s14], [sflag:$0x4], $0x8000, $0x38;
	[tilespmem:$0x10400] =	vst v63  }
0x2a4: {  	_ =	swait.ge [sflag:s24], $0x8000  }
0x2a5: {  	[sflag:s24] =	ssyncset.done $0x0  }
0x2a6: {  	[sflag:s24] =	ssyncadd.s32 $0xFFFF8000  }
0x2a7: {  	v4 =	vld [tilespmem:$0x380];
	_ =	sdelay $0x4  }
0x2a8: {  	v5 =	vshll.u32 v4, $0x1  }
0x2a9: {  	v4 =	vand.u32 $0x7, v4;
	v5 =	vand.u32 $0xFFFFFFF0, v5  }
0x2aa: {  	v4 =	vor.u32 v4, v5  }
0x2ab: {  	v5 =	vperm.xlane v4, v1;
	_ =	sdelay $0x1  }
0x2ac: {  	v4 =	vperm.xlane v4, v3;
	v5 =	vadd.s32 v2, v5;
	_ =	sdelay $0x1  }
0x2ad: {  	v4 =	vadd.s32 v2, v4;
	_ =	sdelay $0x2  }
0x2ae: {  	[tilespmem:s14], [sflag:$0x2] =	stream.indirect_vreg.gather [hbm4b:s1+s3], $0x80, v5, vm0, $0xb8;
	[tilespmem:$0x10400] =	vst v63  }
0x2af: {  	s26 =	simm.s32 $0x8C00  }
0x2b0: {  	[tilespmem:s26], [sflag:$0x2] =	stream.indirect_vreg.gather [hbm4b:s1+s3], $0x80, v4, vm0, $0xb8;
	[tilespmem:$0x10400] =	vst v63  }
0x2b1: {  	v4 =	vld [tilespmem:$0x390];
	_ =	sdelay $0x4  }
0x2b2: {  	v5 =	vshll.u32 v4, $0x1  }
0x2b3: {  	v4 =	vand.u32 $0x7, v4;
	v5 =	vand.u32 $0xFFFFFFF0, v5  }
0x2b4: {  	v4 =	vor.u32 v4, v5  }
0x2b5: {  	v5 =	vperm.xlane v4, v1;
	_ =	sdelay $0x1  }
0x2b6: {  	v4 =	vperm.xlane v4, v3;
	v5 =	vadd.s32 v2, v5;
	_ =	sdelay $0x1  }
0x2b7: {  	v4 =	vadd.s32 v2, v4;
	_ =	sdelay $0x1  }
0x2b8: {  	s0 =	simm.s32 $0x9400  }
0x2b9: {  	[tilespmem:s0], [sflag:$0x2] =	stream.indirect_vreg.gather [hbm4b:s1+s3], $0x80, v5, vm0, $0xb8;
	[tilespmem:$0x10400] =	vst v63  }
0x2ba: {  	s4 =	simm.s32 $0x9C00  }
0x2bb: {  	[tilespmem:s4], [sflag:$0x2] =	stream.indirect_vreg.gather [hbm4b:s1+s3], $0x80, v4, vm0, $0xb8;
	[tilespmem:$0x10400] =	vst v63  }
0x2bc: {  	v4 =	vld [tilespmem:$0x3A0];
	_ =	sdelay $0x4  }
0x2bd: {  	v5 =	vshll.u32 v4, $0x1  }
0x2be: {  	v4 =	vand.u32 $0x7, v4;
	v5 =	vand.u32 $0xFFFFFFF0, v5  }
0x2bf: {  	v4 =	vor.u32 v4, v5  }
0x2c0: {  	v5 =	vperm.xlane v4, v1;
	_ =	sdelay $0x1  }
0x2c1: {  	v4 =	vperm.xlane v4, v3;
	v5 =	vadd.s32 v2, v5;
	_ =	sdelay $0x1  }
0x2c2: {  	v4 =	vadd.s32 v2, v4;
	_ =	sdelay $0x1  }
0x2c3: {  	s2 =	simm.s32 $0xA400  }
0x2c4: {  	[tilespmem:s2], [sflag:$0x2] =	stream.indirect_vreg.gather [hbm4b:s1+s3], $0x80, v5, vm0, $0xb8;
	[tilespmem:$0x10400] =	vst v63  }
0x2c5: {  	s5 =	simm.s32 $0xAC00  }
0x2c6: {  	[tilespmem:s5], [sflag:$0x2] =	stream.indirect_vreg.gather [hbm4b:s1+s3], $0x80, v4, vm0, $0xb8;
	[tilespmem:$0x10400] =	vst v63  }
0x2c7: {  	v4 =	vld [tilespmem:$0x3B0];
	_ =	sdelay $0x4  }
0x2c8: {  	v5 =	vshll.u32 v4, $0x1  }
0x2c9: {  	v4 =	vand.u32 $0x7, v4;
	v5 =	vand.u32 $0xFFFFFFF0, v5  }
0x2ca: {  	v4 =	vor.u32 v4, v5  }
0x2cb: {  	v5 =	vperm.xlane v4, v1;
	_ =	sdelay $0x1  }
0x2cc: {  	v4 =	vperm.xlane v4, v3;
	v5 =	vadd.s32 v2, v5;
	_ =	sdelay $0x1  }
0x2cd: {  	v4 =	vadd.s32 v2, v4;
	_ =	sdelay $0x1  }
0x2ce: {  	s29 =	simm.s32 $0xB400  }
0x2cf: {  	[tilespmem:s29], [sflag:$0x2] =	stream.indirect_vreg.gather [hbm4b:s1+s3], $0x80, v5, vm0, $0xb8;
	[tilespmem:$0x10400] =	vst v63  }
0x2d0: {  	s20 =	simm.s32 $0xBC00  }
0x2d1: {  	[tilespmem:s20], [sflag:$0x2] =	stream.indirect_vreg.gather [hbm4b:s1+s3], $0x80, v4, vm0, $0xb8;
	[tilespmem:$0x10400] =	vst v63  }
0x2d2: {  	v4 =	vld [tilespmem:$0x3C0];
	_ =	sdelay $0x4  }
0x2d3: {  	v5 =	vshll.u32 v4, $0x1  }
0x2d4: {  	v4 =	vand.u32 $0x7, v4;
	v5 =	vand.u32 $0xFFFFFFF0, v5  }
0x2d5: {  	v4 =	vor.u32 v4, v5  }
0x2d6: {  	v5 =	vperm.xlane v4, v1;
	_ =	sdelay $0x1  }
0x2d7: {  	v4 =	vperm.xlane v4, v3;
	v5 =	vadd.s32 v2, v5;
	_ =	sdelay $0x1  }
0x2d8: {  	v4 =	vadd.s32 v2, v4;
	_ =	sdelay $0x1  }
0x2d9: {  	s31 =	simm.s32 $0xC400  }
0x2da: {  	[tilespmem:s31], [sflag:$0x2] =	stream.indirect_vreg.gather [hbm4b:s1+s3], $0x80, v5, vm0, $0xb8;
	[tilespmem:$0x10400] =	vst v63  }
0x2db: {  	s15 =	simm.s32 $0xCC00  }
0x2dc: {  	[tilespmem:s15], [sflag:$0x2] =	stream.indirect_vreg.gather [hbm4b:s1+s3], $0x80, v4, vm0, $0xb8;
	[tilespmem:$0x10400] =	vst v63  }
0x2dd: {  	v4 =	vld [tilespmem:$0x3D0];
	_ =	sdelay $0x4  }
0x2de: {  	v5 =	vshll.u32 v4, $0x1  }
0x2df: {  	v4 =	vand.u32 $0x7, v4;
	v5 =	vand.u32 $0xFFFFFFF0, v5  }
0x2e0: {  	v4 =	vor.u32 v4, v5  }
0x2e1: {  	v5 =	vperm.xlane v4, v1;
	_ =	sdelay $0x1  }
0x2e2: {  	v4 =	vperm.xlane v4, v3;
	v5 =	vadd.s32 v2, v5;
	_ =	sdelay $0x1  }
0x2e3: {  	v4 =	vadd.s32 v2, v4;
	_ =	sdelay $0x1  }
0x2e4: {  	s19 =	simm.s32 $0xD400  }
0x2e5: {  	[tilespmem:s19], [sflag:$0x2] =	stream.indirect_vreg.gather [hbm4b:s1+s3], $0x80, v5, vm0, $0xb8;
	[tilespmem:$0x10400] =	vst v63  }
0x2e6: {  	s12 =	simm.s32 $0xDC00  }
0x2e7: {  	[tilespmem:s12], [sflag:$0x2] =	stream.indirect_vreg.gather [hbm4b:s1+s3], $0x80, v4, vm0, $0xb8;
	[tilespmem:$0x10400] =	vst v63  }
0x2e8: {  	v4 =	vld [tilespmem:$0x3E0];
	_ =	sdelay $0x4  }
0x2e9: {  	v5 =	vshll.u32 v4, $0x1  }
0x2ea: {  	v4 =	vand.u32 $0x7, v4;
	v5 =	vand.u32 $0xFFFFFFF0, v5  }
0x2eb: {  	v4 =	vor.u32 v4, v5  }
0x2ec: {  	v5 =	vperm.xlane v4, v1;
	_ =	sdelay $0x1  }
0x2ed: {  	v4 =	vperm.xlane v4, v3;
	v5 =	vadd.s32 v2, v5;
	_ =	sdelay $0x1  }
0x2ee: {  	v4 =	vadd.s32 v2, v4;
	_ =	sdelay $0x1  }
0x2ef: {  	s28 =	simm.s32 $0xE400  }
0x2f0: {  	[tilespmem:s28], [sflag:$0x2] =	stream.indirect_vreg.gather [hbm4b:s1+s3], $0x80, v5, vm0, $0xb8;
	[tilespmem:$0x10400] =	vst v63  }
0x2f1: {  	s16 =	simm.s32 $0xEC00  }
0x2f2: {  	[tilespmem:s16], [sflag:$0x2] =	stream.indirect_vreg.gather [hbm4b:s1+s3], $0x80, v4, vm0, $0xb8;
	[tilespmem:$0x10400] =	vst v63  }
0x2f3: {  	v4 =	vld [tilespmem:$0x3F0];
	_ =	sdelay $0x4  }
0x2f4: {  	v5 =	vshll.u32 v4, $0x1  }
0x2f5: {  	v4 =	vand.u32 $0x7, v4;
	v5 =	vand.u32 $0xFFFFFFF0, v5  }
0x2f6: {  	v4 =	vor.u32 v4, v5  }
0x2f7: {  	v5 =	vperm.xlane v4, v1;
	_ =	sdelay $0x1  }
0x2f8: {  	v4 =	vperm.xlane v4, v3;
	v5 =	vadd.s32 v2, v5;
	_ =	sdelay $0x1  }
0x2f9: {  	v4 =	vadd.s32 v2, v4;
	_ =	sdelay $0x1  }
0x2fa: {  	s10 =	simm.s32 $0xF400  }
0x2fb: {  	[tilespmem:s10], [sflag:$0x2] =	stream.indirect_vreg.gather [hbm4b:s1+s3], $0x80, v5, vm0, $0xb8;
	[tilespmem:$0x10400] =	vst v63  }
0x2fc: {  	s11 =	simm.s32 $0xFC00  }
0x2fd: {  	[tilespmem:s11], [sflag:$0x2] =	stream.indirect_vreg.gather [hbm4b:s1+s3], $0x80, v4, vm0, $0xb8;
	[tilespmem:$0x10400] =	vst v63  }
0x2fe: {  	_ =	swait.ge [sflag:s21], $0x8000  }
0x2ff: {  	[sflag:s21] =	ssyncset.done $0x0  }
0x300: {  	s28 =	rddreg [dreg:$0xb];
	[sflag:s21] =	ssyncadd.s32 $0xFFFF8000  }
0x301: {  	[hbm4b:s28+s3] =	stream.linear.scatter [tilespmem:s30], [sflag:$0x3], $0x8000, $0x38;
	[tilespmem:$0x10400] =	vst v63  }
0x302: {  	_ =	swait.ge [sflag:s23], $0x8000  }
0x303: {  	[sflag:s23] =	ssyncset.done $0x0  }
0x304: {  	s29 =	rddreg [dreg:$0xc];
	[sflag:s23] =	ssyncadd.s32 $0xFFFF8000  }
0x305: {  	[hbm4b:s29+s3] =	stream.linear.scatter [tilespmem:s14], [sflag:$0x4], $0x8000, $0x38;
	[tilespmem:$0x10400] =	vst v63  }
0x306: {  	_ =	swait.ge [sflag:s22], $0x8000  }
0x307: {  	[sflag:s22] =	ssyncset.done $0x0  }
0x308: {  	[sflag:s22] =	ssyncadd.s32 $0xFFFF8000  }
0x309: {  	_ =	swait.ge [sflag:s24], $0x8000  }
0x30a: {  	s25 =	sadd.s32 $0x1, s25;
	s31 =	rddreg [dreg:$0xd]  }
0x30b: {  	p0 =	sne.s32 s25, s31  }
.Ltmp1:
0x30c: {  	_ = 	snop;
	(pc) =	sbr.rel @p0 .LBB2_1-.Ltmp1, $3  }
0x30d: {  	_ =	sdelay $0x1  }
0x30e: {  	[sflag:s24] =	ssyncset.done $0x0  }
0x30f: {  	[sflag:s24] =	ssyncadd.s32 $0xFFFF8000  }
0x310: {  	_ =	sfence.sel $0x180000  }
0x311: {  	[bflag:$0x0] =	sbarrier.arrive $0xFFFF  }
0x312: {  	_ =	strace $0x9000004A  }
0x313: {  	s0 =	stileid.u32;
	[bflag:$0x2] =	sbarrier.arrive $0xFFFF  }
0x314: {  	p0 =	sne.s32 s0, $0x0;
	s0 =	rddreg [dreg:$0x3]  }
0x315: {  	s0 =	sadd.s32 @!p0 $0x100000, s0  }
0x316: {  	[sflag:s0] =	ssyncadd.tile.s32 @!p0 $0x1;
	_ =	shalt  }
.Lfunc_end2:
_tile_overlayer_lowered:
.L_overlay_start_2:
0x317: {  	(tag) =	ssettag $0x2  }
0x318: {  	s0 =	rddreg [dreg:$0x0];
	s2 =	stileid.u32  }
0x319: {  	s1 =	rddreg [dreg:$0x1];
	p0 =	sne.s32 s2, $0x0  }
0x31a: {  	s3 =	rddreg [dreg:$0x2];
	[bflag:$0x3] =	sbarrier.arrive $0xFFFF;
	s2 =	simm.s32 @!p0 $0x1C05  }
0x31b: {  	[timem:s3], [sflag:s2] =	dma.local @!p0 [hbm:s0], s1  }
0x31c: {  	s0 =	simm.s32 @!p0 $0x5  }
0x31d: {  	_ =	swait.ge @!p0 [sflag:s0], s1  }
0x31e: {  	s1 =	ssub.s32 @!p0 $0x0, s1;
	[sflag:s0] =	ssyncset.done @!p0 $0x0  }
0x31f: {  	[sflag:s0] =	ssyncadd.s32 @!p0 s1  }
0x320: {  	[bflag:$0x3] =	sbarrier.arrive $0xFFFF  }
0x321: {  	_ =	shalt  }

</sc_bundles>
